<compile_context>
chip_gen: v7x
topology: tpu7x:2x2x1
jax: 0.10.2.dev20260603
libtpu: 0.0.44.dev20260713+nightly
codegen_flags: <defaults>
</compile_context>

<pallas_src>
import functools

import jax
import jax.numpy as jnp
from jax import lax
from jax.experimental import pallas as pl
from jax.experimental.pallas import tpu as pltpu
from jax.experimental.pallas import tpu_sc as plsc

N = 10000
D = 128
H1 = 64
H2 = 32
E = 320000

NPAD = 10240
BLK = 1024
CHUNK = 128
NSUB = 16
NCORE = 2
NTILES = NCORE * NSUB
CPT = 80
NCHUNK = CPT * NTILES
EPAD = NCHUNK * CHUNK
NBUF = 8
PREF = 4
TRASH = N
RPS = NPAD // NSUB

_mesh = plsc.VectorSubcoreMesh(core_axis_name="c", subcore_axis_name="s")
_sc_params = pltpu.CompilerParams(use_tc_tiling_on_sc=False)



@functools.partial(
    pl.kernel,
    out_type=jax.ShapeDtypeStruct((NCORE, NPAD), jnp.float32),
    mesh=_mesh,
    scratch_types=[
        pltpu.VMEM((CPT, CHUNK), jnp.int32),
        pltpu.VMEM((CHUNK,), jnp.float32),
        pltpu.VMEM_SHARED((NPAD,), jnp.float32),
        pltpu.SemaphoreType.DMA((NBUF,)),
    ],
    compiler_params=_sc_params,
)
def _deg_kernel(dst_hbm, zeros_hbm, out_hbm, dsts_v, ones_v, acc_sh, ssem):
    c = lax.axis_index("c")
    s = lax.axis_index("s")
    base = (c * NSUB + s) * CPT
    r0 = s * RPS
    pltpu.sync_copy(zeros_hbm.at[pl.ds(r0, RPS)], acc_sh.at[pl.ds(r0, RPS)])
    pltpu.sync_copy(dst_hbm.at[pl.ds(base, CPT)], dsts_v)
    for i in range(CHUNK // 16):
        ones_v[pl.ds(i * 16, 16)] = jnp.ones((16,), jnp.float32)
    plsc.subcore_barrier()

    def body(g, carry):
        descs = [
            pltpu.async_copy(ones_v, acc_sh.at[dsts_v.at[g * NBUF + b]],
                             ssem.at[b], add=True)
            for b in range(NBUF)
        ]
        for d in descs:
            d.wait()
        return carry

    lax.fori_loop(0, CPT // NBUF, body, 0)
    plsc.subcore_barrier()
    pltpu.sync_copy(acc_sh.at[pl.ds(r0, RPS)], out_hbm.at[c, pl.ds(r0, RPS)])


def _make_agg(width):
    @functools.partial(
        pl.kernel,
        out_type=jax.ShapeDtypeStruct((NCORE, NPAD, width), jnp.float32),
        mesh=_mesh,
        scratch_types=[
            pltpu.VMEM((CPT, CHUNK), jnp.int32),
            pltpu.VMEM((CPT, CHUNK), jnp.int32),
            pltpu.VMEM((NBUF, CHUNK, width), jnp.float32),
            pltpu.VMEM_SHARED((NPAD, width), jnp.float32),
            pltpu.SemaphoreType.DMA((NBUF,)),
            pltpu.SemaphoreType.DMA((NBUF,)),
        ],
        compiler_params=_sc_params,
    )
    def agg_kernel(src_hbm, dst_hbm, hs_hbm, zeros_hbm, out_hbm,
                   srcs_v, dsts_v, rows_v, acc_sh, gsem, ssem):
        c = lax.axis_index("c")
        s = lax.axis_index("s")
        base = (c * NSUB + s) * CPT
        r0 = s * RPS
        pltpu.sync_copy(zeros_hbm.at[pl.ds(r0, RPS)], acc_sh.at[pl.ds(r0, RPS)])
        pltpu.sync_copy(src_hbm.at[pl.ds(base, CPT)], srcs_v)
        pltpu.sync_copy(dst_hbm.at[pl.ds(base, CPT)], dsts_v)
        plsc.subcore_barrier()

        def body(g, carry):
            gds = [
                pltpu.async_copy(hs_hbm.at[srcs_v.at[g * NBUF + b]],
                                 rows_v.at[b], gsem.at[b])
                for b in range(NBUF)
            ]
            sds = []
            for b in range(NBUF):
                gds[b].wait()
                sds.append(
                    pltpu.async_copy(rows_v.at[b],
                                     acc_sh.at[dsts_v.at[g * NBUF + b]],
                                     ssem.at[b], add=True))
            for d in sds:
                d.wait()
            return carry

        lax.fori_loop(0, CPT // NBUF, body, 0)
        plsc.subcore_barrier()
        pltpu.sync_copy(acc_sh.at[pl.ds(r0, RPS)],
                        out_hbm.at[c, pl.ds(r0, RPS)])

    return agg_kernel


_agg64 = _make_agg(H1)
_agg32 = _make_agg(H2)



def _tc1_body(x_ref, fm_ref, fs_ref, w1_ref, degt_ref, hs_ref, dinv_ref):
    xn = (x_ref[...] - fm_ref[...]) / fs_ref[...]
    h = jnp.dot(xn, w1_ref[...], preferred_element_type=jnp.float32)
    dp = degt_ref[...]
    deg = 1.0 + dp[:, 0:1] + dp[:, 1:2]
    dinv = lax.rsqrt(deg)
    hs_ref[...] = h * dinv
    dinv_ref[...] = dinv


def _tc2_body(part_ref, hs_ref, dinv_ref, b1_ref, w2_ref, hs2_ref):
    p = part_ref[...]
    agg = p[0] + p[1] + hs_ref[...]
    z1 = jnp.maximum(dinv_ref[...] * agg + b1_ref[...], 0.0)
    hs2_ref[...] = jnp.dot(z1, w2_ref[...],
                           preferred_element_type=jnp.float32) * dinv_ref[...]


def _tc3_body(part_ref, hs2_ref, dinv_ref, b2_ref, wr1_ref, br1_ref,
              wr2t_ref, br2_ref, acc_ref, out_ref):
    i = pl.program_id(0)
    p = part_ref[...]
    agg = p[0] + p[1] + hs2_ref[...]
    z2 = jnp.maximum(dinv_ref[...] * agg + b2_ref[...], 0.0)
    rid = lax.broadcasted_iota(jnp.int32, (BLK, 1), 0) + i * BLK
    z2 = jnp.where(rid < N, z2, 0.0)
    bsum = jnp.sum(z2, axis=0, keepdims=True)

    @pl.when(i == 0)
    def _():
        acc_ref[...] = jnp.zeros_like(acc_ref)

    acc_ref[...] += bsum

    @pl.when(i == pl.num_programs(0) - 1)
    def _():
        ssum = acc_ref[...]
        g = jnp.concatenate([ssum / N, ssum], axis=1)
        r = jnp.maximum(
            jnp.dot(g, wr1_ref[...], preferred_element_type=jnp.float32)
            + br1_ref[...], 0.0)
        out_ref[...] = (jnp.sum(r * wr2t_ref[...], axis=1, keepdims=True)
                        + br2_ref[...])


def kernel(x, edge_index, W1, b1, W2, b2, Wr1, br1, Wr2, br2,
           feat_mean, feat_std):
    f32 = jnp.float32
    ept = E // NTILES
    ndum = CPT * CHUNK - ept
    sr = edge_index[0].reshape(NTILES, ept)
    dr = edge_index[1].reshape(NTILES, ept)
    dum = jnp.broadcast_to(
        N + jnp.arange(ndum, dtype=jnp.int32) % (NPAD - N), (NTILES, ndum))
    src2d = jnp.concatenate([sr, dum], axis=1).reshape(NCHUNK, CHUNK)
    dst2d = jnp.concatenate([dr, dum], axis=1).reshape(NCHUNK, CHUNK)
    xpad = jnp.concatenate(
        [x, jnp.broadcast_to(feat_mean, (NPAD - N, D))], axis=0)
    zeros_n = jnp.zeros((NPAD,), f32)
    zeros_h1 = jnp.zeros((NPAD, H1), f32)
    zeros_h2 = jnp.zeros((NPAD, H2), f32)
    fm = feat_mean.reshape(1, D)
    fs = feat_std.reshape(1, D)

    degp = _deg_kernel(dst2d, zeros_n)
    degt = degp.T

    hs1, dinv = pl.pallas_call(
        _tc1_body,
        grid=(NPAD // BLK,),
        in_specs=[
            pl.BlockSpec((BLK, D), lambda i: (i, 0)),
            pl.BlockSpec((1, D), lambda i: (0, 0)),
            pl.BlockSpec((1, D), lambda i: (0, 0)),
            pl.BlockSpec((D, H1), lambda i: (0, 0)),
            pl.BlockSpec((BLK, 2), lambda i: (i, 0)),
        ],
        out_specs=[
            pl.BlockSpec((BLK, H1), lambda i: (i, 0)),
            pl.BlockSpec((BLK, 1), lambda i: (i, 0)),
        ],
        out_shape=[jax.ShapeDtypeStruct((NPAD, H1), f32),
                   jax.ShapeDtypeStruct((NPAD, 1), f32)],
    )(xpad, fm, fs, W1, degt)

    part1 = _agg64(src2d, dst2d, hs1, zeros_h1)

    hs2 = pl.pallas_call(
        _tc2_body,
        grid=(NPAD // BLK,),
        in_specs=[
            pl.BlockSpec((NCORE, BLK, H1), lambda i: (0, i, 0)),
            pl.BlockSpec((BLK, H1), lambda i: (i, 0)),
            pl.BlockSpec((BLK, 1), lambda i: (i, 0)),
            pl.BlockSpec((1, H1), lambda i: (0, 0)),
            pl.BlockSpec((H1, H2), lambda i: (0, 0)),
        ],
        out_specs=pl.BlockSpec((BLK, H2), lambda i: (i, 0)),
        out_shape=jax.ShapeDtypeStruct((NPAD, H2), f32),
    )(part1, hs1, dinv, b1.reshape(1, H1), W2)

    part2 = _agg32(src2d, dst2d, hs2, zeros_h2)

    _, out = pl.pallas_call(
        _tc3_body,
        grid=(NPAD // BLK,),
        in_specs=[
            pl.BlockSpec((NCORE, BLK, H2), lambda i: (0, i, 0)),
            pl.BlockSpec((BLK, H2), lambda i: (i, 0)),
            pl.BlockSpec((BLK, 1), lambda i: (i, 0)),
            pl.BlockSpec((1, H2), lambda i: (0, 0)),
            pl.BlockSpec((2 * H2, 32), lambda i: (0, 0)),
            pl.BlockSpec((1, 32), lambda i: (0, 0)),
            pl.BlockSpec((1, 32), lambda i: (0, 0)),
            pl.BlockSpec((1, 1), lambda i: (0, 0)),
        ],
        out_specs=[
            pl.BlockSpec((1, H2), lambda i: (0, 0)),
            pl.BlockSpec((1, 1), lambda i: (0, 0)),
        ],
        out_shape=[jax.ShapeDtypeStruct((1, H2), f32),
                   jax.ShapeDtypeStruct((1, 1), f32)],
    )(part2, hs2, dinv, b2.reshape(1, H2), Wr1, br1.reshape(1, 32),
      Wr2.reshape(1, 32), br2.reshape(1, 1))

    return out.squeeze(-1)

# --- scband reference (transcript-rebuilt; emitter-appended) ---
"""Pipeline reference for scband-grid-gcn-42056319762623 (READ-ONLY COPY).

The authoritative reference and input builder live on the scoring server;
editing this copy changes nothing except your own understanding.
"""

import jax, jax.numpy as jnp
import numpy as np

N = 10000
E = 320000
D = 128
H1 = 64
H2 = 32


def setup_inputs(seed: int = 0) -> dict:
    key = jax.random.key(seed)
    ks = jax.random.split(key, 10)
    x = jax.random.normal(ks[0], (N, D), dtype=jnp.float32)
    edge_index = jax.random.randint(ks[1], (2, E), 0, N, dtype=jnp.int32)
    W1 = jax.random.normal(ks[2], (D, H1), dtype=jnp.float32) * 0.05
    b1 = jnp.zeros((H1,), dtype=jnp.float32)
    W2 = jax.random.normal(ks[3], (H1, H2), dtype=jnp.float32) * 0.05
    b2 = jnp.zeros((H2,), dtype=jnp.float32)
    Wr1 = jax.random.normal(ks[4], (2 * H2, 32), dtype=jnp.float32) * 0.05
    br1 = jnp.zeros((32,), dtype=jnp.float32)
    Wr2 = jax.random.normal(ks[5], (32, 1), dtype=jnp.float32) * 0.05
    br2 = jnp.zeros((1,), dtype=jnp.float32)
    feat_mean = jnp.zeros((D,), dtype=jnp.float32)
    feat_std = jnp.ones((D,), dtype=jnp.float32)
    return {"x": x, "edge_index": edge_index, "W1": W1, "b1": b1, "W2": W2, "b2": b2,
            "Wr1": Wr1, "br1": br1, "Wr2": Wr2, "br2": br2,
            "feat_mean": feat_mean, "feat_std": feat_std}


def _gcn_conv(x, src, dst, W, b, n):
    # PyG GCNConv: x @ W, symmetric norm with self loops (already appended), sum-aggregate, + bias
    deg = jnp.zeros((n,), x.dtype).at[dst].add(1.0)
    dinv = jnp.where(deg > 0, jax.lax.rsqrt(deg), 0.0)
    norm = dinv[src] * dinv[dst]
    h = x @ W
    msg = h[src] * norm[:, None]
    out = jnp.zeros((n, h.shape[1]), h.dtype).at[dst].add(msg)
    return out + b


def reference(x, edge_index, W1, b1, W2, b2, Wr1, br1, Wr2, br2, feat_mean, feat_std):
    n = x.shape[0]
    loop = jnp.arange(n, dtype=edge_index.dtype)
    src = jnp.concatenate([edge_index[0], loop])
    dst = jnp.concatenate([edge_index[1], loop])
    xn = (x - feat_mean) / feat_std
    h = jax.nn.relu(_gcn_conv(xn, src, dst, W1, b1, n))
    h = jax.nn.relu(_gcn_conv(h, src, dst, W2, b2, n))
    # batch is all zeros -> single graph: global mean + sum pool
    mean_pool = jnp.mean(h, axis=0, keepdims=True)
    sum_pool = jnp.sum(h, axis=0, keepdims=True)
    g = jnp.concatenate([mean_pool, sum_pool], axis=-1)
    out = jax.nn.relu(g @ Wr1 + br1) @ Wr2 + br2
    return out.squeeze(-1)

if __name__ == "__main__":
    import jax
    _d = setup_inputs()
    print(jax.jit(kernel)(*tuple(_d.values())))

</pallas_src>

<mosaic_0001>
#map = affine_map<(d0, d1) -> (0, 0)>
#map1 = affine_map<(d0, d1) -> (0)>
module attributes {stable_mosaic.version = 14 : i64} {
  func.func @_deg_kernel(%arg0: i32, %arg1: i32, %arg2: memref<2560x128xi32, #tpu.memory_space<hbm>>, %arg3: memref<10240xf32, #tpu.memory_space<hbm>>, %arg4: memref<2x10240xf32, #tpu.memory_space<hbm>>, %arg5: memref<80x128xi32, #tpu.memory_space<vmem>>, %arg6: memref<128xf32, #tpu.memory_space<vmem>>, %arg7: memref<10240xf32, #tpu.memory_space<vmem_shared>>, %arg8: memref<8x!tpu.dma_semaphore, #tpu.memory_space<semaphore_mem>>) attributes {dimension_semantics = [#tpu.dimension_semantics<core_parallel>, #tpu.dimension_semantics<subcore_parallel>], iteration_bounds = array<i64: 2, 16>, scalar_prefetch = 0 : i64, scratch_operands = 4 : i64, tpu.core_type = #tpu.core_type<sc_vector_subcore>, window_params = [{transform_indices = #map}, {transform_indices = #map1}, {transform_indices = #map}]} {
    %mul3A = arith.constant 16 : i32
    %mul3A_0 = arith.muli %arg0, %mul3A : i32
    %add3A = arith.addi %mul3A_0, %arg1 : i32
    %mul3A_1 = arith.constant 80 : i32
    %mul3A_2 = arith.muli %add3A, %mul3A_1 : i32
    %mul3A_3 = arith.constant 640 : i32
    %mul3A_4 = arith.muli %arg1, %mul3A_3 : i32
    "tpu.region"() ({
      %run_scoped3A = tpu.sem_alloc : memref<!tpu.dma_semaphore, #tpu.memory_space<semaphore_mem>>
      %dma_start3A = tpu.memref_slice %arg7[%mul3A_4] : memref<10240xf32, #tpu.memory_space<vmem_shared>> -> memref<640xf32, #tpu.memory_space<vmem_shared>>
      %dma_start3A_57 = tpu.memref_slice %arg3[%mul3A_4] : memref<10240xf32, #tpu.memory_space<hbm>> -> memref<640xf32, #tpu.memory_space<hbm>>
      tpu.enqueue_dma source(%dma_start3A_57 : memref<640xf32, #tpu.memory_space<hbm>>) target(%dma_start3A : memref<640xf32, #tpu.memory_space<vmem_shared>>) target_semaphore(%run_scoped3A : memref<!tpu.dma_semaphore, #tpu.memory_space<semaphore_mem>>)
      %dma_wait3A = tpu.memref_slice %arg7[%mul3A_4] : memref<10240xf32, #tpu.memory_space<vmem_shared>> -> memref<640xf32, #tpu.memory_space<vmem_shared>>
      %dma_wait3A_58 = tpu.memref_slice %arg3[%mul3A_4] : memref<10240xf32, #tpu.memory_space<hbm>> -> memref<640xf32, #tpu.memory_space<hbm>>
      tpu.wait_dma2 semaphore(%run_scoped3A : memref<!tpu.dma_semaphore, #tpu.memory_space<semaphore_mem>>) src(%dma_wait3A_58 : memref<640xf32, #tpu.memory_space<hbm>>) dst(%dma_wait3A : memref<640xf32, #tpu.memory_space<vmem_shared>>)
      tpu.yield
    }) : () -> ()
    "tpu.region"() ({
      %run_scoped3A = tpu.sem_alloc : memref<!tpu.dma_semaphore, #tpu.memory_space<semaphore_mem>>
      %dma_start3A = arith.constant 0 : i32
      %dma_start3A_57 = tpu.memref_slice %arg2[%mul3A_2, %dma_start3A] : memref<2560x128xi32, #tpu.memory_space<hbm>> -> memref<80x128xi32, #tpu.memory_space<hbm>>
      %dma_start3A_58 = arith.constant 0 : i32
      %dma_start3A_59 = tpu.memref_slice %arg2[%mul3A_2, %dma_start3A_58] : memref<2560x128xi32, #tpu.memory_space<hbm>> -> memref<80x128xi32, #tpu.memory_space<hbm>>
      tpu.enqueue_dma source(%dma_start3A_59 : memref<80x128xi32, #tpu.memory_space<hbm>>) target(%arg5 : memref<80x128xi32, #tpu.memory_space<vmem>>) target_semaphore(%run_scoped3A : memref<!tpu.dma_semaphore, #tpu.memory_space<semaphore_mem>>)
      %dma_wait3A = arith.constant 0 : i32
      %dma_wait3A_60 = tpu.memref_slice %arg2[%mul3A_2, %dma_wait3A] : memref<2560x128xi32, #tpu.memory_space<hbm>> -> memref<80x128xi32, #tpu.memory_space<hbm>>
      %dma_wait3A_61 = arith.constant 0 : i32
      %dma_wait3A_62 = tpu.memref_slice %arg2[%mul3A_2, %dma_wait3A_61] : memref<2560x128xi32, #tpu.memory_space<hbm>> -> memref<80x128xi32, #tpu.memory_space<hbm>>
      tpu.wait_dma2 semaphore(%run_scoped3A : memref<!tpu.dma_semaphore, #tpu.memory_space<semaphore_mem>>) src(%dma_wait3A_62 : memref<80x128xi32, #tpu.memory_space<hbm>>) dst(%arg5 : memref<80x128xi32, #tpu.memory_space<vmem>>)
      tpu.yield
    }) : () -> ()
    %broadcast_in_dim3A = arith.constant 1.000000e+00 : f32
    %broadcast_in_dim3A_5 = vector.broadcast %broadcast_in_dim3A : f32 to vector<16xf32>
    %swap3A = arith.constant 0 : index
    %swap3A_6 = tpu.vector_load %arg6[%swap3A] {strides = array<i32>} : memref<128xf32, #tpu.memory_space<vmem>>, vector<16xf32>,
    %swap3A_7 = vector.shape_cast %swap3A_6 : vector<16xf32> to vector<16xf32>
    %swap3A_8 = vector.shape_cast %broadcast_in_dim3A_5 : vector<16xf32> to vector<16xf32>
    tpu.vector_store %arg6[%swap3A], %swap3A_8 {strides = array<i32>} : memref<128xf32, #tpu.memory_space<vmem>>, vector<16xf32>,
    %broadcast_in_dim3A_9 = arith.constant 1.000000e+00 : f32
    %broadcast_in_dim3A_10 = vector.broadcast %broadcast_in_dim3A_9 : f32 to vector<16xf32>
    %swap3A_11 = arith.constant 16 : index
    %swap3A_12 = tpu.vector_load %arg6[%swap3A_11] {strides = array<i32>} : memref<128xf32, #tpu.memory_space<vmem>>, vector<16xf32>,
    %swap3A_13 = vector.shape_cast %swap3A_12 : vector<16xf32> to vector<16xf32>
    %swap3A_14 = vector.shape_cast %broadcast_in_dim3A_10 : vector<16xf32> to vector<16xf32>
    tpu.vector_store %arg6[%swap3A_11], %swap3A_14 {strides = array<i32>} : memref<128xf32, #tpu.memory_space<vmem>>, vector<16xf32>,
    %broadcast_in_dim3A_15 = arith.constant 1.000000e+00 : f32
    %broadcast_in_dim3A_16 = vector.broadcast %broadcast_in_dim3A_15 : f32 to vector<16xf32>
    %swap3A_17 = arith.constant 32 : index
    %swap3A_18 = tpu.vector_load %arg6[%swap3A_17] {strides = array<i32>} : memref<128xf32, #tpu.memory_space<vmem>>, vector<16xf32>,
    %swap3A_19 = vector.shape_cast %swap3A_18 : vector<16xf32> to vector<16xf32>
    %swap3A_20 = vector.shape_cast %broadcast_in_dim3A_16 : vector<16xf32> to vector<16xf32>
    tpu.vector_store %arg6[%swap3A_17], %swap3A_20 {strides = array<i32>} : memref<128xf32, #tpu.memory_space<vmem>>, vector<16xf32>,
    %broadcast_in_dim3A_21 = arith.constant 1.000000e+00 : f32
    %broadcast_in_dim3A_22 = vector.broadcast %broadcast_in_dim3A_21 : f32 to vector<16xf32>
    %swap3A_23 = arith.constant 48 : index
    %swap3A_24 = tpu.vector_load %arg6[%swap3A_23] {strides = array<i32>} : memref<128xf32, #tpu.memory_space<vmem>>, vector<16xf32>,
    %swap3A_25 = vector.shape_cast %swap3A_24 : vector<16xf32> to vector<16xf32>
    %swap3A_26 = vector.shape_cast %broadcast_in_dim3A_22 : vector<16xf32> to vector<16xf32>
    tpu.vector_store %arg6[%swap3A_23], %swap3A_26 {strides = array<i32>} : memref<128xf32, #tpu.memory_space<vmem>>, vector<16xf32>,
    %broadcast_in_dim3A_27 = arith.constant 1.000000e+00 : f32
    %broadcast_in_dim3A_28 = vector.broadcast %broadcast_in_dim3A_27 : f32 to vector<16xf32>
    %swap3A_29 = arith.constant 64 : index
    %swap3A_30 = tpu.vector_load %arg6[%swap3A_29] {strides = array<i32>} : memref<128xf32, #tpu.memory_space<vmem>>, vector<16xf32>,
    %swap3A_31 = vector.shape_cast %swap3A_30 : vector<16xf32> to vector<16xf32>
    %swap3A_32 = vector.shape_cast %broadcast_in_dim3A_28 : vector<16xf32> to vector<16xf32>
    tpu.vector_store %arg6[%swap3A_29], %swap3A_32 {strides = array<i32>} : memref<128xf32, #tpu.memory_space<vmem>>, vector<16xf32>,
    %broadcast_in_dim3A_33 = arith.constant 1.000000e+00 : f32
    %broadcast_in_dim3A_34 = vector.broadcast %broadcast_in_dim3A_33 : f32 to vector<16xf32>
    %swap3A_35 = arith.constant 80 : index
    %swap3A_36 = tpu.vector_load %arg6[%swap3A_35] {strides = array<i32>} : memref<128xf32, #tpu.memory_space<vmem>>, vector<16xf32>,
    %swap3A_37 = vector.shape_cast %swap3A_36 : vector<16xf32> to vector<16xf32>
    %swap3A_38 = vector.shape_cast %broadcast_in_dim3A_34 : vector<16xf32> to vector<16xf32>
    tpu.vector_store %arg6[%swap3A_35], %swap3A_38 {strides = array<i32>} : memref<128xf32, #tpu.memory_space<vmem>>, vector<16xf32>,
    %broadcast_in_dim3A_39 = arith.constant 1.000000e+00 : f32
    %broadcast_in_dim3A_40 = vector.broadcast %broadcast_in_dim3A_39 : f32 to vector<16xf32>
    %swap3A_41 = arith.constant 96 : index
    %swap3A_42 = tpu.vector_load %arg6[%swap3A_41] {strides = array<i32>} : memref<128xf32, #tpu.memory_space<vmem>>, vector<16xf32>,
    %swap3A_43 = vector.shape_cast %swap3A_42 : vector<16xf32> to vector<16xf32>
    %swap3A_44 = vector.shape_cast %broadcast_in_dim3A_40 : vector<16xf32> to vector<16xf32>
    tpu.vector_store %arg6[%swap3A_41], %swap3A_44 {strides = array<i32>} : memref<128xf32, #tpu.memory_space<vmem>>, vector<16xf32>,
    %broadcast_in_dim3A_45 = arith.constant 1.000000e+00 : f32
    %broadcast_in_dim3A_46 = vector.broadcast %broadcast_in_dim3A_45 : f32 to vector<16xf32>
    %swap3A_47 = arith.constant 112 : index
    %swap3A_48 = tpu.vector_load %arg6[%swap3A_47] {strides = array<i32>} : memref<128xf32, #tpu.memory_space<vmem>>, vector<16xf32>,
    %swap3A_49 = vector.shape_cast %swap3A_48 : vector<16xf32> to vector<16xf32>
    %swap3A_50 = vector.shape_cast %broadcast_in_dim3A_46 : vector<16xf32> to vector<16xf32>
    tpu.vector_store %arg6[%swap3A_47], %swap3A_50 {strides = array<i32>} : memref<128xf32, #tpu.memory_space<vmem>>, vector<16xf32>,
    %barrier3A = arith.constant 0 : index
    tpu.barrier barrier_id(%barrier3A)
    %scan3A = arith.constant 0 : i32
    %scan3A_51 = arith.constant 0 : i32
    %scan3A_52 = arith.constant 10 : i32
    %scan3A_53 = arith.addi %scan3A_51, %scan3A_52 : i32
    %scan3A_54 = arith.constant 1 : i32
    scf.for %scan3A_57 = %scan3A_51 to %scan3A_53 step %scan3A_54  : i32 {
      %mul3A_58 = arith.constant 8 : i32
      %mul3A_59 = arith.muli %scan3A_57, %mul3A_58 : i32
      %add3A_60 = arith.constant 0 : i32
      %add3A_61 = arith.addi %mul3A_59, %add3A_60 : i32
      %dma_start3A = arith.constant 0 : i32
      %dma_start3A_62 = arith.constant 0 : i32
      %dma_start3A_63 = tpu.memref_slice %arg5[%add3A_61, %dma_start3A_62] : memref<80x128xi32, #tpu.memory_space<vmem>> -> memref<1x128xi32, #tpu.memory_space<vmem>>
      %dma_start3A_64 = tpu.memref_squeeze %dma_start3A_63 : memref<1x128xi32, #tpu.memory_space<vmem>> -> memref<128xi32, #tpu.memory_space<vmem>>
      %dma_start3A_65 = arith.constant 0 : i32
      %dma_start3A_66 = tpu.memref_slice %arg7[%dma_start3A_65] : memref<10240xf32, #tpu.memory_space<vmem_shared>> -> memref<10240xf32, #tpu.memory_space<vmem_shared>>
      %dma_start3A_67 = tpu.memref_slice %arg8[%dma_start3A] : memref<8x!tpu.dma_semaphore, #tpu.memory_space<semaphore_mem>> -> memref<1x!tpu.dma_semaphore, #tpu.memory_space<semaphore_mem>>
      %dma_start3A_68 = tpu.memref_squeeze %dma_start3A_67 : memref<1x!tpu.dma_semaphore, #tpu.memory_space<semaphore_mem>> -> memref<!tpu.dma_semaphore, #tpu.memory_space<semaphore_mem>>
      tpu.enqueue_indirect_dma source(%arg6 : memref<128xf32, #tpu.memory_space<vmem>>) target(%dma_start3A_66 : memref<10240xf32, #tpu.memory_space<vmem_shared>>) offsets(%dma_start3A_64 : memref<128xi32, #tpu.memory_space<vmem>>) semaphore(%dma_start3A_68 : memref<!tpu.dma_semaphore, #tpu.memory_space<semaphore_mem>>) {add = true}
      %mul3A_69 = arith.constant 8 : i32
      %mul3A_70 = arith.muli %scan3A_57, %mul3A_69 : i32
      %add3A_71 = arith.constant 1 : i32
      %add3A_72 = arith.addi %mul3A_70, %add3A_71 : i32
      %dma_start3A_73 = arith.constant 1 : i32
      %dma_start3A_74 = arith.constant 0 : i32
      %dma_start3A_75 = tpu.memref_slice %arg5[%add3A_72, %dma_start3A_74] : memref<80x128xi32, #tpu.memory_space<vmem>> -> memref<1x128xi32, #tpu.memory_space<vmem>>
      %dma_start3A_76 = tpu.memref_squeeze %dma_start3A_75 : memref<1x128xi32, #tpu.memory_space<vmem>> -> memref<128xi32, #tpu.memory_space<vmem>>
      %dma_start3A_77 = arith.constant 0 : i32
      %dma_start3A_78 = tpu.memref_slice %arg7[%dma_start3A_77] : memref<10240xf32, #tpu.memory_space<vmem_shared>> -> memref<10240xf32, #tpu.memory_space<vmem_shared>>
      %dma_start3A_79 = tpu.memref_slice %arg8[%dma_start3A_73] : memref<8x!tpu.dma_semaphore, #tpu.memory_space<semaphore_mem>> -> memref<1x!tpu.dma_semaphore, #tpu.memory_space<semaphore_mem>>
      %dma_start3A_80 = tpu.memref_squeeze %dma_start3A_79 : memref<1x!tpu.dma_semaphore, #tpu.memory_space<semaphore_mem>> -> memref<!tpu.dma_semaphore, #tpu.memory_space<semaphore_mem>>
      tpu.enqueue_indirect_dma source(%arg6 : memref<128xf32, #tpu.memory_space<vmem>>) target(%dma_start3A_78 : memref<10240xf32, #tpu.memory_space<vmem_shared>>) offsets(%dma_start3A_76 : memref<128xi32, #tpu.memory_space<vmem>>) semaphore(%dma_start3A_80 : memref<!tpu.dma_semaphore, #tpu.memory_space<semaphore_mem>>) {add = true}
      %mul3A_81 = arith.constant 8 : i32
      %mul3A_82 = arith.muli %scan3A_57, %mul3A_81 : i32
      %add3A_83 = arith.constant 2 : i32
      %add3A_84 = arith.addi %mul3A_82, %add3A_83 : i32
      %dma_start3A_85 = arith.constant 2 : i32
      %dma_start3A_86 = arith.constant 0 : i32
      %dma_start3A_87 = tpu.memref_slice %arg5[%add3A_84, %dma_start3A_86] : memref<80x128xi32, #tpu.memory_space<vmem>> -> memref<1x128xi32, #tpu.memory_space<vmem>>
      %dma_start3A_88 = tpu.memref_squeeze %dma_start3A_87 : memref<1x128xi32, #tpu.memory_space<vmem>> -> memref<128xi32, #tpu.memory_space<vmem>>
      %dma_start3A_89 = arith.constant 0 : i32
      %dma_start3A_90 = tpu.memref_slice %arg7[%dma_start3A_89] : memref<10240xf32, #tpu.memory_space<vmem_shared>> -> memref<10240xf32, #tpu.memory_space<vmem_shared>>
      %dma_start3A_91 = tpu.memref_slice %arg8[%dma_start3A_85] : memref<8x!tpu.dma_semaphore, #tpu.memory_space<semaphore_mem>> -> memref<1x!tpu.dma_semaphore, #tpu.memory_space<semaphore_mem>>
      %dma_start3A_92 = tpu.memref_squeeze %dma_start3A_91 : memref<1x!tpu.dma_semaphore, #tpu.memory_space<semaphore_mem>> -> memref<!tpu.dma_semaphore, #tpu.memory_space<semaphore_mem>>
      tpu.enqueue_indirect_dma source(%arg6 : memref<128xf32, #tpu.memory_space<vmem>>) target(%dma_start3A_90 : memref<10240xf32, #tpu.memory_space<vmem_shared>>) offsets(%dma_start3A_88 : memref<128xi32, #tpu.memory_space<vmem>>) semaphore(%dma_start3A_92 : memref<!tpu.dma_semaphore, #tpu.memory_space<semaphore_mem>>) {add = true}
      %mul3A_93 = arith.constant 8 : i32
      %mul3A_94 = arith.muli %scan3A_57, %mul3A_93 : i32
      %add3A_95 = arith.constant 3 : i32
      %add3A_96 = arith.addi %mul3A_94, %add3A_95 : i32
      %dma_start3A_97 = arith.constant 3 : i32
      %dma_start3A_98 = arith.constant 0 : i32
      %dma_start3A_99 = tpu.memref_slice %arg5[%add3A_96, %dma_start3A_98] : memref<80x128xi32, #tpu.memory_space<vmem>> -> memref<1x128xi32, #tpu.memory_space<vmem>>
      %dma_start3A_100 = tpu.memref_squeeze %dma_start3A_99 : memref<1x128xi32, #tpu.memory_space<vmem>> -> memref<128xi32, #tpu.memory_space<vmem>>
      %dma_start3A_101 = arith.constant 0 : i32
      %dma_start3A_102 = tpu.memref_slice %arg7[%dma_start3A_101] : memref<10240xf32, #tpu.memory_space<vmem_shared>> -> memref<10240xf32, #tpu.memory_space<vmem_shared>>
      %dma_start3A_103 = tpu.memref_slice %arg8[%dma_start3A_97] : memref<8x!tpu.dma_semaphore, #tpu.memory_space<semaphore_mem>> -> memref<1x!tpu.dma_semaphore, #tpu.memory_space<semaphore_mem>>
      %dma_start3A_104 = tpu.memref_squeeze %dma_start3A_103 : memref<1x!tpu.dma_semaphore, #tpu.memory_space<semaphore_mem>> -> memref<!tpu.dma_semaphore, #tpu.memory_space<semaphore_mem>>
      tpu.enqueue_indirect_dma source(%arg6 : memref<128xf32, #tpu.memory_space<vmem>>) target(%dma_start3A_102 : memref<10240xf32, #tpu.memory_space<vmem_shared>>) offsets(%dma_start3A_100 : memref<128xi32, #tpu.memory_space<vmem>>) semaphore(%dma_start3A_104 : memref<!tpu.dma_semaphore, #tpu.memory_space<semaphore_mem>>) {add = true}
      %mul3A_105 = arith.constant 8 : i32
      %mul3A_106 = arith.muli %scan3A_57, %mul3A_105 : i32
      %add3A_107 = arith.constant 4 : i32
      %add3A_108 = arith.addi %mul3A_106, %add3A_107 : i32
      %dma_start3A_109 = arith.constant 4 : i32
      %dma_start3A_110 = arith.constant 0 : i32
      %dma_start3A_111 = tpu.memref_slice %arg5[%add3A_108, %dma_start3A_110] : memref<80x128xi32, #tpu.memory_space<vmem>> -> memref<1x128xi32, #tpu.memory_space<vmem>>
      %dma_start3A_112 = tpu.memref_squeeze %dma_start3A_111 : memref<1x128xi32, #tpu.memory_space<vmem>> -> memref<128xi32, #tpu.memory_space<vmem>>
      %dma_start3A_113 = arith.constant 0 : i32
      %dma_start3A_114 = tpu.memref_slice %arg7[%dma_start3A_113] : memref<10240xf32, #tpu.memory_space<vmem_shared>> -> memref<10240xf32, #tpu.memory_space<vmem_shared>>
      %dma_start3A_115 = tpu.memref_slice %arg8[%dma_start3A_109] : memref<8x!tpu.dma_semaphore, #tpu.memory_space<semaphore_mem>> -> memref<1x!tpu.dma_semaphore, #tpu.memory_space<semaphore_mem>>
      %dma_start3A_116 = tpu.memref_squeeze %dma_start3A_115 : memref<1x!tpu.dma_semaphore, #tpu.memory_space<semaphore_mem>> -> memref<!tpu.dma_semaphore, #tpu.memory_space<semaphore_mem>>
      tpu.enqueue_indirect_dma source(%arg6 : memref<128xf32, #tpu.memory_space<vmem>>) target(%dma_start3A_114 : memref<10240xf32, #tpu.memory_space<vmem_shared>>) offsets(%dma_start3A_112 : memref<128xi32, #tpu.memory_space<vmem>>) semaphore(%dma_start3A_116 : memref<!tpu.dma_semaphore, #tpu.memory_space<semaphore_mem>>) {add = true}
      %mul3A_117 = arith.constant 8 : i32
      %mul3A_118 = arith.muli %scan3A_57, %mul3A_117 : i32
      %add3A_119 = arith.constant 5 : i32
      %add3A_120 = arith.addi %mul3A_118, %add3A_119 : i32
      %dma_start3A_121 = arith.constant 5 : i32
      %dma_start3A_122 = arith.constant 0 : i32
      %dma_start3A_123 = tpu.memref_slice %arg5[%add3A_120, %dma_start3A_122] : memref<80x128xi32, #tpu.memory_space<vmem>> -> memref<1x128xi32, #tpu.memory_space<vmem>>
      %dma_start3A_124 = tpu.memref_squeeze %dma_start3A_123 : memref<1x128xi32, #tpu.memory_space<vmem>> -> memref<128xi32, #tpu.memory_space<vmem>>
      %dma_start3A_125 = arith.constant 0 : i32
      %dma_start3A_126 = tpu.memref_slice %arg7[%dma_start3A_125] : memref<10240xf32, #tpu.memory_space<vmem_shared>> -> memref<10240xf32, #tpu.memory_space<vmem_shared>>
      %dma_start3A_127 = tpu.memref_slice %arg8[%dma_start3A_121] : memref<8x!tpu.dma_semaphore, #tpu.memory_space<semaphore_mem>> -> memref<1x!tpu.dma_semaphore, #tpu.memory_space<semaphore_mem>>
      %dma_start3A_128 = tpu.memref_squeeze %dma_start3A_127 : memref<1x!tpu.dma_semaphore, #tpu.memory_space<semaphore_mem>> -> memref<!tpu.dma_semaphore, #tpu.memory_space<semaphore_mem>>
      tpu.enqueue_indirect_dma source(%arg6 : memref<128xf32, #tpu.memory_space<vmem>>) target(%dma_start3A_126 : memref<10240xf32, #tpu.memory_space<vmem_shared>>) offsets(%dma_start3A_124 : memref<128xi32, #tpu.memory_space<vmem>>) semaphore(%dma_start3A_128 : memref<!tpu.dma_semaphore, #tpu.memory_space<semaphore_mem>>) {add = true}
      %mul3A_129 = arith.constant 8 : i32
      %mul3A_130 = arith.muli %scan3A_57, %mul3A_129 : i32
      %add3A_131 = arith.constant 6 : i32
      %add3A_132 = arith.addi %mul3A_130, %add3A_131 : i32
      %dma_start3A_133 = arith.constant 6 : i32
      %dma_start3A_134 = arith.constant 0 : i32
      %dma_start3A_135 = tpu.memref_slice %arg5[%add3A_132, %dma_start3A_134] : memref<80x128xi32, #tpu.memory_space<vmem>> -> memref<1x128xi32, #tpu.memory_space<vmem>>
      %dma_start3A_136 = tpu.memref_squeeze %dma_start3A_135 : memref<1x128xi32, #tpu.memory_space<vmem>> -> memref<128xi32, #tpu.memory_space<vmem>>
      %dma_start3A_137 = arith.constant 0 : i32
      %dma_start3A_138 = tpu.memref_slice %arg7[%dma_start3A_137] : memref<10240xf32, #tpu.memory_space<vmem_shared>> -> memref<10240xf32, #tpu.memory_space<vmem_shared>>
      %dma_start3A_139 = tpu.memref_slice %arg8[%dma_start3A_133] : memref<8x!tpu.dma_semaphore, #tpu.memory_space<semaphore_mem>> -> memref<1x!tpu.dma_semaphore, #tpu.memory_space<semaphore_mem>>
      %dma_start3A_140 = tpu.memref_squeeze %dma_start3A_139 : memref<1x!tpu.dma_semaphore, #tpu.memory_space<semaphore_mem>> -> memref<!tpu.dma_semaphore, #tpu.memory_space<semaphore_mem>>
      tpu.enqueue_indirect_dma source(%arg6 : memref<128xf32, #tpu.memory_space<vmem>>) target(%dma_start3A_138 : memref<10240xf32, #tpu.memory_space<vmem_shared>>) offsets(%dma_start3A_136 : memref<128xi32, #tpu.memory_space<vmem>>) semaphore(%dma_start3A_140 : memref<!tpu.dma_semaphore, #tpu.memory_space<semaphore_mem>>) {add = true}
      %mul3A_141 = arith.constant 8 : i32
      %mul3A_142 = arith.muli %scan3A_57, %mul3A_141 : i32
      %add3A_143 = arith.constant 7 : i32
      %add3A_144 = arith.addi %mul3A_142, %add3A_143 : i32
      %dma_start3A_145 = arith.constant 7 : i32
      %dma_start3A_146 = arith.constant 0 : i32
      %dma_start3A_147 = tpu.memref_slice %arg5[%add3A_144, %dma_start3A_146] : memref<80x128xi32, #tpu.memory_space<vmem>> -> memref<1x128xi32, #tpu.memory_space<vmem>>
      %dma_start3A_148 = tpu.memref_squeeze %dma_start3A_147 : memref<1x128xi32, #tpu.memory_space<vmem>> -> memref<128xi32, #tpu.memory_space<vmem>>
      %dma_start3A_149 = arith.constant 0 : i32
      %dma_start3A_150 = tpu.memref_slice %arg7[%dma_start3A_149] : memref<10240xf32, #tpu.memory_space<vmem_shared>> -> memref<10240xf32, #tpu.memory_space<vmem_shared>>
      %dma_start3A_151 = tpu.memref_slice %arg8[%dma_start3A_145] : memref<8x!tpu.dma_semaphore, #tpu.memory_space<semaphore_mem>> -> memref<1x!tpu.dma_semaphore, #tpu.memory_space<semaphore_mem>>
      %dma_start3A_152 = tpu.memref_squeeze %dma_start3A_151 : memref<1x!tpu.dma_semaphore, #tpu.memory_space<semaphore_mem>> -> memref<!tpu.dma_semaphore, #tpu.memory_space<semaphore_mem>>
      tpu.enqueue_indirect_dma source(%arg6 : memref<128xf32, #tpu.memory_space<vmem>>) target(%dma_start3A_150 : memref<10240xf32, #tpu.memory_space<vmem_shared>>) offsets(%dma_start3A_148 : memref<128xi32, #tpu.memory_space<vmem>>) semaphore(%dma_start3A_152 : memref<!tpu.dma_semaphore, #tpu.memory_space<semaphore_mem>>) {add = true}
      %dma_wait3A = arith.constant 0 : i32
      %dma_wait3A_153 = arith.constant 0 : i32
      %dma_wait3A_154 = tpu.memref_slice %arg5[%add3A_61, %dma_wait3A_153] : memref<80x128xi32, #tpu.memory_space<vmem>> -> memref<1x128xi32, #tpu.memory_space<vmem>>
      %dma_wait3A_155 = tpu.memref_squeeze %dma_wait3A_154 : memref<1x128xi32, #tpu.memory_space<vmem>> -> memref<128xi32, #tpu.memory_space<vmem>>
      %dma_wait3A_156 = arith.constant 0 : i32
      %dma_wait3A_157 = tpu.memref_slice %arg7[%dma_wait3A_156] : memref<10240xf32, #tpu.memory_space<vmem_shared>> -> memref<10240xf32, #tpu.memory_space<vmem_shared>>
      %dma_wait3A_158 = tpu.memref_slice %arg8[%dma_wait3A] : memref<8x!tpu.dma_semaphore, #tpu.memory_space<semaphore_mem>> -> memref<1x!tpu.dma_semaphore, #tpu.memory_space<semaphore_mem>>
      %dma_wait3A_159 = tpu.memref_squeeze %dma_wait3A_158 : memref<1x!tpu.dma_semaphore, #tpu.memory_space<semaphore_mem>> -> memref<!tpu.dma_semaphore, #tpu.memory_space<semaphore_mem>>
      tpu.wait_indirect_dma semaphore(%dma_wait3A_159 : memref<!tpu.dma_semaphore, #tpu.memory_space<semaphore_mem>>) src(%arg6 : memref<128xf32, #tpu.memory_space<vmem>>) dst(%dma_wait3A_157 : memref<10240xf32, #tpu.memory_space<vmem_shared>>)
      %dma_wait3A_160 = arith.constant 1 : i32
      %dma_wait3A_161 = arith.constant 0 : i32
      %dma_wait3A_162 = tpu.memref_slice %arg5[%add3A_72, %dma_wait3A_161] : memref<80x128xi32, #tpu.memory_space<vmem>> -> memref<1x128xi32, #tpu.memory_space<vmem>>
      %dma_wait3A_163 = tpu.memref_squeeze %dma_wait3A_162 : memref<1x128xi32, #tpu.memory_space<vmem>> -> memref<128xi32, #tpu.memory_space<vmem>>
      %dma_wait3A_164 = arith.constant 0 : i32
      %dma_wait3A_165 = tpu.memref_slice %arg7[%dma_wait3A_164] : memref<10240xf32, #tpu.memory_space<vmem_shared>> -> memref<10240xf32, #tpu.memory_space<vmem_shared>>
      %dma_wait3A_166 = tpu.memref_slice %arg8[%dma_wait3A_160] : memref<8x!tpu.dma_semaphore, #tpu.memory_space<semaphore_mem>> -> memref<1x!tpu.dma_semaphore, #tpu.memory_space<semaphore_mem>>
      %dma_wait3A_167 = tpu.memref_squeeze %dma_wait3A_166 : memref<1x!tpu.dma_semaphore, #tpu.memory_space<semaphore_mem>> -> memref<!tpu.dma_semaphore, #tpu.memory_space<semaphore_mem>>
      tpu.wait_indirect_dma semaphore(%dma_wait3A_167 : memref<!tpu.dma_semaphore, #tpu.memory_space<semaphore_mem>>) src(%arg6 : memref<128xf32, #tpu.memory_space<vmem>>) dst(%dma_wait3A_165 : memref<10240xf32, #tpu.memory_space<vmem_shared>>)
      %dma_wait3A_168 = arith.constant 2 : i32
      %dma_wait3A_169 = arith.constant 0 : i32
      %dma_wait3A_170 = tpu.memref_slice %arg5[%add3A_84, %dma_wait3A_169] : memref<80x128xi32, #tpu.memory_space<vmem>> -> memref<1x128xi32, #tpu.memory_space<vmem>>
      %dma_wait3A_171 = tpu.memref_squeeze %dma_wait3A_170 : memref<1x128xi32, #tpu.memory_space<vmem>> -> memref<128xi32, #tpu.memory_space<vmem>>
      %dma_wait3A_172 = arith.constant 0 : i32
      %dma_wait3A_173 = tpu.memref_slice %arg7[%dma_wait3A_172] : memref<10240xf32, #tpu.memory_space<vmem_shared>> -> memref<10240xf32, #tpu.memory_space<vmem_shared>>
      %dma_wait3A_174 = tpu.memref_slice %arg8[%dma_wait3A_168] : memref<8x!tpu.dma_semaphore, #tpu.memory_space<semaphore_mem>> -> memref<1x!tpu.dma_semaphore, #tpu.memory_space<semaphore_mem>>
      %dma_wait3A_175 = tpu.memref_squeeze %dma_wait3A_174 : memref<1x!tpu.dma_semaphore, #tpu.memory_space<semaphore_mem>> -> memref<!tpu.dma_semaphore, #tpu.memory_space<semaphore_mem>>
      tpu.wait_indirect_dma semaphore(%dma_wait3A_175 : memref<!tpu.dma_semaphore, #tpu.memory_space<semaphore_mem>>) src(%arg6 : memref<128xf32, #tpu.memory_space<vmem>>) dst(%dma_wait3A_173 : memref<10240xf32, #tpu.memory_space<vmem_shared>>)
      %dma_wait3A_176 = arith.constant 3 : i32
      %dma_wait3A_177 = arith.constant 0 : i32
      %dma_wait3A_178 = tpu.memref_slice %arg5[%add3A_96, %dma_wait3A_177] : memref<80x128xi32, #tpu.memory_space<vmem>> -> memref<1x128xi32, #tpu.memory_space<vmem>>
      %dma_wait3A_179 = tpu.memref_squeeze %dma_wait3A_178 : memref<1x128xi32, #tpu.memory_space<vmem>> -> memref<128xi32, #tpu.memory_space<vmem>>
      %dma_wait3A_180 = arith.constant 0 : i32
      %dma_wait3A_181 = tpu.memref_slice %arg7[%dma_wait3A_180] : memref<10240xf32, #tpu.memory_space<vmem_shared>> -> memref<10240xf32, #tpu.memory_space<vmem_shared>>
      %dma_wait3A_182 = tpu.memref_slice %arg8[%dma_wait3A_176] : memref<8x!tpu.dma_semaphore, #tpu.memory_space<semaphore_mem>> -> memref<1x!tpu.dma_semaphore, #tpu.memory_space<semaphore_mem>>
      %dma_wait3A_183 = tpu.memref_squeeze %dma_wait3A_182 : memref<1x!tpu.dma_semaphore, #tpu.memory_space<semaphore_mem>> -> memref<!tpu.dma_semaphore, #tpu.memory_space<semaphore_mem>>
      tpu.wait_indirect_dma semaphore(%dma_wait3A_183 : memref<!tpu.dma_semaphore, #tpu.memory_space<semaphore_mem>>) src(%arg6 : memref<128xf32, #tpu.memory_space<vmem>>) dst(%dma_wait3A_181 : memref<10240xf32, #tpu.memory_space<vmem_shared>>)
      %dma_wait3A_184 = arith.constant 4 : i32
      %dma_wait3A_185 = arith.constant 0 : i32
      %dma_wait3A_186 = tpu.memref_slice %arg5[%add3A_108, %dma_wait3A_185] : memref<80x128xi32, #tpu.memory_space<vmem>> -> memref<1x128xi32, #tpu.memory_space<vmem>>
      %dma_wait3A_187 = tpu.memref_squeeze %dma_wait3A_186 : memref<1x128xi32, #tpu.memory_space<vmem>> -> memref<128xi32, #tpu.memory_space<vmem>>
      %dma_wait3A_188 = arith.constant 0 : i32
      %dma_wait3A_189 = tpu.memref_slice %arg7[%dma_wait3A_188] : memref<10240xf32, #tpu.memory_space<vmem_shared>> -> memref<10240xf32, #tpu.memory_space<vmem_shared>>
      %dma_wait3A_190 = tpu.memref_slice %arg8[%dma_wait3A_184] : memref<8x!tpu.dma_semaphore, #tpu.memory_space<semaphore_mem>> -> memref<1x!tpu.dma_semaphore, #tpu.memory_space<semaphore_mem>>
      %dma_wait3A_191 = tpu.memref_squeeze %dma_wait3A_190 : memref<1x!tpu.dma_semaphore, #tpu.memory_space<semaphore_mem>> -> memref<!tpu.dma_semaphore, #tpu.memory_space<semaphore_mem>>
      tpu.wait_indirect_dma semaphore(%dma_wait3A_191 : memref<!tpu.dma_semaphore, #tpu.memory_space<semaphore_mem>>) src(%arg6 : memref<128xf32, #tpu.memory_space<vmem>>) dst(%dma_wait3A_189 : memref<10240xf32, #tpu.memory_space<vmem_shared>>)
      %dma_wait3A_192 = arith.constant 5 : i32
      %dma_wait3A_193 = arith.constant 0 : i32
      %dma_wait3A_194 = tpu.memref_slice %arg5[%add3A_120, %dma_wait3A_193] : memref<80x128xi32, #tpu.memory_space<vmem>> -> memref<1x128xi32, #tpu.memory_space<vmem>>
      %dma_wait3A_195 = tpu.memref_squeeze %dma_wait3A_194 : memref<1x128xi32, #tpu.memory_space<vmem>> -> memref<128xi32, #tpu.memory_space<vmem>>
      %dma_wait3A_196 = arith.constant 0 : i32
      %dma_wait3A_197 = tpu.memref_slice %arg7[%dma_wait3A_196] : memref<10240xf32, #tpu.memory_space<vmem_shared>> -> memref<10240xf32, #tpu.memory_space<vmem_shared>>
      %dma_wait3A_198 = tpu.memref_slice %arg8[%dma_wait3A_192] : memref<8x!tpu.dma_semaphore, #tpu.memory_space<semaphore_mem>> -> memref<1x!tpu.dma_semaphore, #tpu.memory_space<semaphore_mem>>
      %dma_wait3A_199 = tpu.memref_squeeze %dma_wait3A_198 : memref<1x!tpu.dma_semaphore, #tpu.memory_space<semaphore_mem>> -> memref<!tpu.dma_semaphore, #tpu.memory_space<semaphore_mem>>
      tpu.wait_indirect_dma semaphore(%dma_wait3A_199 : memref<!tpu.dma_semaphore, #tpu.memory_space<semaphore_mem>>) src(%arg6 : memref<128xf32, #tpu.memory_space<vmem>>) dst(%dma_wait3A_197 : memref<10240xf32, #tpu.memory_space<vmem_shared>>)
      %dma_wait3A_200 = arith.constant 6 : i32
      %dma_wait3A_201 = arith.constant 0 : i32
      %dma_wait3A_202 = tpu.memref_slice %arg5[%add3A_132, %dma_wait3A_201] : memref<80x128xi32, #tpu.memory_space<vmem>> -> memref<1x128xi32, #tpu.memory_space<vmem>>
      %dma_wait3A_203 = tpu.memref_squeeze %dma_wait3A_202 : memref<1x128xi32, #tpu.memory_space<vmem>> -> memref<128xi32, #tpu.memory_space<vmem>>
      %dma_wait3A_204 = arith.constant 0 : i32
      %dma_wait3A_205 = tpu.memref_slice %arg7[%dma_wait3A_204] : memref<10240xf32, #tpu.memory_space<vmem_shared>> -> memref<10240xf32, #tpu.memory_space<vmem_shared>>
      %dma_wait3A_206 = tpu.memref_slice %arg8[%dma_wait3A_200] : memref<8x!tpu.dma_semaphore, #tpu.memory_space<semaphore_mem>> -> memref<1x!tpu.dma_semaphore, #tpu.memory_space<semaphore_mem>>
      %dma_wait3A_207 = tpu.memref_squeeze %dma_wait3A_206 : memref<1x!tpu.dma_semaphore, #tpu.memory_space<semaphore_mem>> -> memref<!tpu.dma_semaphore, #tpu.memory_space<semaphore_mem>>
      tpu.wait_indirect_dma semaphore(%dma_wait3A_207 : memref<!tpu.dma_semaphore, #tpu.memory_space<semaphore_mem>>) src(%arg6 : memref<128xf32, #tpu.memory_space<vmem>>) dst(%dma_wait3A_205 : memref<10240xf32, #tpu.memory_space<vmem_shared>>)
      %dma_wait3A_208 = arith.constant 7 : i32
      %dma_wait3A_209 = arith.constant 0 : i32
      %dma_wait3A_210 = tpu.memref_slice %arg5[%add3A_144, %dma_wait3A_209] : memref<80x128xi32, #tpu.memory_space<vmem>> -> memref<1x128xi32, #tpu.memory_space<vmem>>
      %dma_wait3A_211 = tpu.memref_squeeze %dma_wait3A_210 : memref<1x128xi32, #tpu.memory_space<vmem>> -> memref<128xi32, #tpu.memory_space<vmem>>
      %dma_wait3A_212 = arith.constant 0 : i32
      %dma_wait3A_213 = tpu.memref_slice %arg7[%dma_wait3A_212] : memref<10240xf32, #tpu.memory_space<vmem_shared>> -> memref<10240xf32, #tpu.memory_space<vmem_shared>>
      %dma_wait3A_214 = tpu.memref_slice %arg8[%dma_wait3A_208] : memref<8x!tpu.dma_semaphore, #tpu.memory_space<semaphore_mem>> -> memref<1x!tpu.dma_semaphore, #tpu.memory_space<semaphore_mem>>
      %dma_wait3A_215 = tpu.memref_squeeze %dma_wait3A_214 : memref<1x!tpu.dma_semaphore, #tpu.memory_space<semaphore_mem>> -> memref<!tpu.dma_semaphore, #tpu.memory_space<semaphore_mem>>
      tpu.wait_indirect_dma semaphore(%dma_wait3A_215 : memref<!tpu.dma_semaphore, #tpu.memory_space<semaphore_mem>>) src(%arg6 : memref<128xf32, #tpu.memory_space<vmem>>) dst(%dma_wait3A_213 : memref<10240xf32, #tpu.memory_space<vmem_shared>>)
    }
    %scan3A_55 = arith.constant 10 : i32
    %barrier3A_56 = arith.constant 0 : index
    tpu.barrier barrier_id(%barrier3A_56)
    "tpu.region"() ({
      %run_scoped3A = tpu.sem_alloc : memref<!tpu.dma_semaphore, #tpu.memory_space<semaphore_mem>>
      %dma_start3A = tpu.memref_slice %arg4[%arg0, %mul3A_4] : memref<2x10240xf32, #tpu.memory_space<hbm>> -> memref<1x640xf32, #tpu.memory_space<hbm>>
      %dma_start3A_57 = tpu.memref_squeeze %dma_start3A : memref<1x640xf32, #tpu.memory_space<hbm>> -> memref<640xf32, #tpu.memory_space<hbm>>
      %dma_start3A_58 = tpu.memref_slice %arg7[%mul3A_4] : memref<10240xf32, #tpu.memory_space<vmem_shared>> -> memref<640xf32, #tpu.memory_space<vmem_shared>>
      tpu.enqueue_dma source(%dma_start3A_58 : memref<640xf32, #tpu.memory_space<vmem_shared>>) target(%dma_start3A_57 : memref<640xf32, #tpu.memory_space<hbm>>) target_semaphore(%run_scoped3A : memref<!tpu.dma_semaphore, #tpu.memory_space<semaphore_mem>>)
      %dma_wait3A = tpu.memref_slice %arg4[%arg0, %mul3A_4] : memref<2x10240xf32, #tpu.memory_space<hbm>> -> memref<1x640xf32, #tpu.memory_space<hbm>>
      %dma_wait3A_59 = tpu.memref_squeeze %dma_wait3A : memref<1x640xf32, #tpu.memory_space<hbm>> -> memref<640xf32, #tpu.memory_space<hbm>>
      %dma_wait3A_60 = tpu.memref_slice %arg7[%mul3A_4] : memref<10240xf32, #tpu.memory_space<vmem_shared>> -> memref<640xf32, #tpu.memory_space<vmem_shared>>
      tpu.wait_dma2 semaphore(%run_scoped3A : memref<!tpu.dma_semaphore, #tpu.memory_space<semaphore_mem>>) src(%dma_wait3A_60 : memref<640xf32, #tpu.memory_space<vmem_shared>>) dst(%dma_wait3A_59 : memref<640xf32, #tpu.memory_space<hbm>>)
      tpu.yield
    }) : () -> ()
    return
  }
}

#map = affine_map<(d0, d1) -> (0, 0)>
#map1 = affine_map<(d0, d1) -> (0, 0, 0)>
module attributes {stable_mosaic.version = 14 : i64} {
  func.func @agg_kernel(%arg0: i32, %arg1: i32, %arg2: memref<2560x128xi32, #tpu.memory_space<hbm>>, %arg3: memref<2560x128xi32, #tpu.memory_space<hbm>>, %arg4: memref<10240x32xf32, #tpu.memory_space<hbm>>, %arg5: memref<10240x32xf32, #tpu.memory_space<hbm>>, %arg6: memref<2x10240x32xf32, #tpu.memory_space<hbm>>, %arg7: memref<80x128xi32, #tpu.memory_space<vmem>>, %arg8: memref<80x128xi32, #tpu.memory_space<vmem>>, %arg9: memref<8x128x32xf32, #tpu.memory_space<vmem>>, %arg10: memref<10240x32xf32, #tpu.memory_space<vmem_shared>>, %arg11: memref<8x!tpu.dma_semaphore, #tpu.memory_space<semaphore_mem>>, %arg12: memref<8x!tpu.dma_semaphore, #tpu.memory_space<semaphore_mem>>) attributes {dimension_semantics = [#tpu.dimension_semantics<core_parallel>, #tpu.dimension_semantics<subcore_parallel>], iteration_bounds = array<i64: 2, 16>, scalar_prefetch = 0 : i64, scratch_operands = 6 : i64, tpu.core_type = #tpu.core_type<sc_vector_subcore>, window_params = [{transform_indices = #map}, {transform_indices = #map}, {transform_indices = #map}, {transform_indices = #map}, {transform_indices = #map1}]} {
    %mul3A = arith.constant 16 : i32
    %mul3A_0 = arith.muli %arg0, %mul3A : i32
    %add3A = arith.addi %mul3A_0, %arg1 : i32
    %mul3A_1 = arith.constant 80 : i32
    %mul3A_2 = arith.muli %add3A, %mul3A_1 : i32
    %mul3A_3 = arith.constant 640 : i32
    %mul3A_4 = arith.muli %arg1, %mul3A_3 : i32
    "tpu.region"() ({
      %run_scoped3A = tpu.sem_alloc : memref<!tpu.dma_semaphore, #tpu.memory_space<semaphore_mem>>
      %dma_start3A = arith.constant 0 : i32
      %dma_start3A_11 = tpu.memref_slice %arg10[%mul3A_4, %dma_start3A] : memref<10240x32xf32, #tpu.memory_space<vmem_shared>> -> memref<640x32xf32, #tpu.memory_space<vmem_shared>>
      %dma_start3A_12 = arith.constant 0 : i32
      %dma_start3A_13 = tpu.memref_slice %arg5[%mul3A_4, %dma_start3A_12] : memref<10240x32xf32, #tpu.memory_space<hbm>> -> memref<640x32xf32, #tpu.memory_space<hbm>>
      tpu.enqueue_dma source(%dma_start3A_13 : memref<640x32xf32, #tpu.memory_space<hbm>>) target(%dma_start3A_11 : memref<640x32xf32, #tpu.memory_space<vmem_shared>>) target_semaphore(%run_scoped3A : memref<!tpu.dma_semaphore, #tpu.memory_space<semaphore_mem>>)
      %dma_wait3A = arith.constant 0 : i32
      %dma_wait3A_14 = tpu.memref_slice %arg10[%mul3A_4, %dma_wait3A] : memref<10240x32xf32, #tpu.memory_space<vmem_shared>> -> memref<640x32xf32, #tpu.memory_space<vmem_shared>>
      %dma_wait3A_15 = arith.constant 0 : i32
      %dma_wait3A_16 = tpu.memref_slice %arg5[%mul3A_4, %dma_wait3A_15] : memref<10240x32xf32, #tpu.memory_space<hbm>> -> memref<640x32xf32, #tpu.memory_space<hbm>>
      tpu.wait_dma2 semaphore(%run_scoped3A : memref<!tpu.dma_semaphore, #tpu.memory_space<semaphore_mem>>) src(%dma_wait3A_16 : memref<640x32xf32, #tpu.memory_space<hbm>>) dst(%dma_wait3A_14 : memref<640x32xf32, #tpu.memory_space<vmem_shared>>)
      tpu.yield
    }) : () -> ()
    "tpu.region"() ({
      %run_scoped3A = tpu.sem_alloc : memref<!tpu.dma_semaphore, #tpu.memory_space<semaphore_mem>>
      %dma_start3A = arith.constant 0 : i32
      %dma_start3A_11 = tpu.memref_slice %arg2[%mul3A_2, %dma_start3A] : memref<2560x128xi32, #tpu.memory_space<hbm>> -> memref<80x128xi32, #tpu.memory_space<hbm>>
      %dma_start3A_12 = arith.constant 0 : i32
      %dma_start3A_13 = tpu.memref_slice %arg2[%mul3A_2, %dma_start3A_12] : memref<2560x128xi32, #tpu.memory_space<hbm>> -> memref<80x128xi32, #tpu.memory_space<hbm>>
      tpu.enqueue_dma source(%dma_start3A_13 : memref<80x128xi32, #tpu.memory_space<hbm>>) target(%arg7 : memref<80x128xi32, #tpu.memory_space<vmem>>) target_semaphore(%run_scoped3A : memref<!tpu.dma_semaphore, #tpu.memory_space<semaphore_mem>>)
      %dma_wait3A = arith.constant 0 : i32
      %dma_wait3A_14 = tpu.memref_slice %arg2[%mul3A_2, %dma_wait3A] : memref<2560x128xi32, #tpu.memory_space<hbm>> -> memref<80x128xi32, #tpu.memory_space<hbm>>
      %dma_wait3A_15 = arith.constant 0 : i32
      %dma_wait3A_16 = tpu.memref_slice %arg2[%mul3A_2, %dma_wait3A_15] : memref<2560x128xi32, #tpu.memory_space<hbm>> -> memref<80x128xi32, #tpu.memory_space<hbm>>
      tpu.wait_dma2 semaphore(%run_scoped3A : memref<!tpu.dma_semaphore, #tpu.memory_space<semaphore_mem>>) src(%dma_wait3A_16 : memref<80x128xi32, #tpu.memory_space<hbm>>) dst(%arg7 : memref<80x128xi32, #tpu.memory_space<vmem>>)
      tpu.yield
    }) : () -> ()
    "tpu.region"() ({
      %run_scoped3A = tpu.sem_alloc : memref<!tpu.dma_semaphore, #tpu.memory_space<semaphore_mem>>
      %dma_start3A = arith.constant 0 : i32
      %dma_start3A_11 = tpu.memref_slice %arg3[%mul3A_2, %dma_start3A] : memref<2560x128xi32, #tpu.memory_space<hbm>> -> memref<80x128xi32, #tpu.memory_space<hbm>>
      %dma_start3A_12 = arith.constant 0 : i32
      %dma_start3A_13 = tpu.memref_slice %arg3[%mul3A_2, %dma_start3A_12] : memref<2560x128xi32, #tpu.memory_space<hbm>> -> memref<80x128xi32, #tpu.memory_space<hbm>>
      tpu.enqueue_dma source(%dma_start3A_13 : memref<80x128xi32, #tpu.memory_space<hbm>>) target(%arg8 : memref<80x128xi32, #tpu.memory_space<vmem>>) target_semaphore(%run_scoped3A : memref<!tpu.dma_semaphore, #tpu.memory_space<semaphore_mem>>)
      %dma_wait3A = arith.constant 0 : i32
      %dma_wait3A_14 = tpu.memref_slice %arg3[%mul3A_2, %dma_wait3A] : memref<2560x128xi32, #tpu.memory_space<hbm>> -> memref<80x128xi32, #tpu.memory_space<hbm>>
      %dma_wait3A_15 = arith.constant 0 : i32
      %dma_wait3A_16 = tpu.memref_slice %arg3[%mul3A_2, %dma_wait3A_15] : memref<2560x128xi32, #tpu.memory_space<hbm>> -> memref<80x128xi32, #tpu.memory_space<hbm>>
      tpu.wait_dma2 semaphore(%run_scoped3A : memref<!tpu.dma_semaphore, #tpu.memory_space<semaphore_mem>>) src(%dma_wait3A_16 : memref<80x128xi32, #tpu.memory_space<hbm>>) dst(%arg8 : memref<80x128xi32, #tpu.memory_space<vmem>>)
      tpu.yield
    }) : () -> ()
    %barrier3A = arith.constant 0 : index
    tpu.barrier barrier_id(%barrier3A)
    %scan3A = arith.constant 0 : i32
    %scan3A_5 = arith.constant 0 : i32
    %scan3A_6 = arith.constant 10 : i32
    %scan3A_7 = arith.addi %scan3A_5, %scan3A_6 : i32
    %scan3A_8 = arith.constant 1 : i32
    scf.for %scan3A_11 = %scan3A_5 to %scan3A_7 step %scan3A_8  : i32 {
      %mul3A_12 = arith.constant 8 : i32
      %mul3A_13 = arith.muli %scan3A_11, %mul3A_12 : i32
      %add3A_14 = arith.constant 0 : i32
      %add3A_15 = arith.addi %mul3A_13, %add3A_14 : i32
      %dma_start3A = arith.constant 0 : i32
      %dma_start3A_16 = arith.constant 0 : i32
      %dma_start3A_17 = arith.constant 0 : i32
      %dma_start3A_18 = arith.constant 0 : i32
      %dma_start3A_19 = tpu.memref_slice %arg9[%dma_start3A, %dma_start3A_17, %dma_start3A_18] : memref<8x128x32xf32, #tpu.memory_space<vmem>> -> memref<1x128x32xf32, #tpu.memory_space<vmem>>
      %dma_start3A_20 = tpu.memref_squeeze %dma_start3A_19 : memref<1x128x32xf32, #tpu.memory_space<vmem>> -> memref<128x32xf32, #tpu.memory_space<vmem>>
      %dma_start3A_21 = arith.constant 0 : i32
      %dma_start3A_22 = tpu.memref_slice %arg7[%add3A_15, %dma_start3A_21] : memref<80x128xi32, #tpu.memory_space<vmem>> -> memref<1x128xi32, #tpu.memory_space<vmem>>
      %dma_start3A_23 = tpu.memref_squeeze %dma_start3A_22 : memref<1x128xi32, #tpu.memory_space<vmem>> -> memref<128xi32, #tpu.memory_space<vmem>>
      %dma_start3A_24 = arith.constant 0 : i32
      %dma_start3A_25 = arith.constant 0 : i32
      %dma_start3A_26 = tpu.memref_slice %arg4[%dma_start3A_24, %dma_start3A_25] : memref<10240x32xf32, #tpu.memory_space<hbm>> -> memref<10240x32xf32, #tpu.memory_space<hbm>>
      %dma_start3A_27 = tpu.memref_slice %arg11[%dma_start3A_16] : memref<8x!tpu.dma_semaphore, #tpu.memory_space<semaphore_mem>> -> memref<1x!tpu.dma_semaphore, #tpu.memory_space<semaphore_mem>>
      %dma_start3A_28 = tpu.memref_squeeze %dma_start3A_27 : memref<1x!tpu.dma_semaphore, #tpu.memory_space<semaphore_mem>> -> memref<!tpu.dma_semaphore, #tpu.memory_space<semaphore_mem>>
      tpu.enqueue_indirect_dma source(%dma_start3A_26 : memref<10240x32xf32, #tpu.memory_space<hbm>>) target(%dma_start3A_20 : memref<128x32xf32, #tpu.memory_space<vmem>>) offsets(%dma_start3A_23 : memref<128xi32, #tpu.memory_space<vmem>>) semaphore(%dma_start3A_28 : memref<!tpu.dma_semaphore, #tpu.memory_space<semaphore_mem>>)
      %mul3A_29 = arith.constant 8 : i32
      %mul3A_30 = arith.muli %scan3A_11, %mul3A_29 : i32
      %add3A_31 = arith.constant 1 : i32
      %add3A_32 = arith.addi %mul3A_30, %add3A_31 : i32
      %dma_start3A_33 = arith.constant 1 : i32
      %dma_start3A_34 = arith.constant 1 : i32
      %dma_start3A_35 = arith.constant 0 : i32
      %dma_start3A_36 = arith.constant 0 : i32
      %dma_start3A_37 = tpu.memref_slice %arg9[%dma_start3A_33, %dma_start3A_35, %dma_start3A_36] : memref<8x128x32xf32, #tpu.memory_space<vmem>> -> memref<1x128x32xf32, #tpu.memory_space<vmem>>
      %dma_start3A_38 = tpu.memref_squeeze %dma_start3A_37 : memref<1x128x32xf32, #tpu.memory_space<vmem>> -> memref<128x32xf32, #tpu.memory_space<vmem>>
      %dma_start3A_39 = arith.constant 0 : i32
      %dma_start3A_40 = tpu.memref_slice %arg7[%add3A_32, %dma_start3A_39] : memref<80x128xi32, #tpu.memory_space<vmem>> -> memref<1x128xi32, #tpu.memory_space<vmem>>
      %dma_start3A_41 = tpu.memref_squeeze %dma_start3A_40 : memref<1x128xi32, #tpu.memory_space<vmem>> -> memref<128xi32, #tpu.memory_space<vmem>>
      %dma_start3A_42 = arith.constant 0 : i32
      %dma_start3A_43 = arith.constant 0 : i32
      %dma_start3A_44 = tpu.memref_slice %arg4[%dma_start3A_42, %dma_start3A_43] : memref<10240x32xf32, #tpu.memory_space<hbm>> -> memref<10240x32xf32, #tpu.memory_space<hbm>>
      %dma_start3A_45 = tpu.memref_slice %arg11[%dma_start3A_34] : memref<8x!tpu.dma_semaphore, #tpu.memory_space<semaphore_mem>> -> memref<1x!tpu.dma_semaphore, #tpu.memory_space<semaphore_mem>>
      %dma_start3A_46 = tpu.memref_squeeze %dma_start3A_45 : memref<1x!tpu.dma_semaphore, #tpu.memory_space<semaphore_mem>> -> memref<!tpu.dma_semaphore, #tpu.memory_space<semaphore_mem>>
      tpu.enqueue_indirect_dma source(%dma_start3A_44 : memref<10240x32xf32, #tpu.memory_space<hbm>>) target(%dma_start3A_38 : memref<128x32xf32, #tpu.memory_space<vmem>>) offsets(%dma_start3A_41 : memref<128xi32, #tpu.memory_space<vmem>>) semaphore(%dma_start3A_46 : memref<!tpu.dma_semaphore, #tpu.memory_space<semaphore_mem>>)
      %mul3A_47 = arith.constant 8 : i32
      %mul3A_48 = arith.muli %scan3A_11, %mul3A_47 : i32
      %add3A_49 = arith.constant 2 : i32
      %add3A_50 = arith.addi %mul3A_48, %add3A_49 : i32
      %dma_start3A_51 = arith.constant 2 : i32
      %dma_start3A_52 = arith.constant 2 : i32
      %dma_start3A_53 = arith.constant 0 : i32
      %dma_start3A_54 = arith.constant 0 : i32
      %dma_start3A_55 = tpu.memref_slice %arg9[%dma_start3A_51, %dma_start3A_53, %dma_start3A_54] : memref<8x128x32xf32, #tpu.memory_space<vmem>> -> memref<1x128x32xf32, #tpu.memory_space<vmem>>
      %dma_start3A_56 = tpu.memref_squeeze %dma_start3A_55 : memref<1x128x32xf32, #tpu.memory_space<vmem>> -> memref<128x32xf32, #tpu.memory_space<vmem>>
      %dma_start3A_57 = arith.constant 0 : i32
      %dma_start3A_58 = tpu.memref_slice %arg7[%add3A_50, %dma_start3A_57] : memref<80x128xi32, #tpu.memory_space<vmem>> -> memref<1x128xi32, #tpu.memory_space<vmem>>
      %dma_start3A_59 = tpu.memref_squeeze %dma_start3A_58 : memref<1x128xi32, #tpu.memory_space<vmem>> -> memref<128xi32, #tpu.memory_space<vmem>>
      %dma_start3A_60 = arith.constant 0 : i32
      %dma_start3A_61 = arith.constant 0 : i32
      %dma_start3A_62 = tpu.memref_slice %arg4[%dma_start3A_60, %dma_start3A_61] : memref<10240x32xf32, #tpu.memory_space<hbm>> -> memref<10240x32xf32, #tpu.memory_space<hbm>>
      %dma_start3A_63 = tpu.memref_slice %arg11[%dma_start3A_52] : memref<8x!tpu.dma_semaphore, #tpu.memory_space<semaphore_mem>> -> memref<1x!tpu.dma_semaphore, #tpu.memory_space<semaphore_mem>>
      %dma_start3A_64 = tpu.memref_squeeze %dma_start3A_63 : memref<1x!tpu.dma_semaphore, #tpu.memory_space<semaphore_mem>> -> memref<!tpu.dma_semaphore, #tpu.memory_space<semaphore_mem>>
      tpu.enqueue_indirect_dma source(%dma_start3A_62 : memref<10240x32xf32, #tpu.memory_space<hbm>>) target(%dma_start3A_56 : memref<128x32xf32, #tpu.memory_space<vmem>>) offsets(%dma_start3A_59 : memref<128xi32, #tpu.memory_space<vmem>>) semaphore(%dma_start3A_64 : memref<!tpu.dma_semaphore, #tpu.memory_space<semaphore_mem>>)
      %mul3A_65 = arith.constant 8 : i32
      %mul3A_66 = arith.muli %scan3A_11, %mul3A_65 : i32
      %add3A_67 = arith.constant 3 : i32
      %add3A_68 = arith.addi %mul3A_66, %add3A_67 : i32
      %dma_start3A_69 = arith.constant 3 : i32
      %dma_start3A_70 = arith.constant 3 : i32
      %dma_start3A_71 = arith.constant 0 : i32
      %dma_start3A_72 = arith.constant 0 : i32
      %dma_start3A_73 = tpu.memref_slice %arg9[%dma_start3A_69, %dma_start3A_71, %dma_start3A_72] : memref<8x128x32xf32, #tpu.memory_space<vmem>> -> memref<1x128x32xf32, #tpu.memory_space<vmem>>
      %dma_start3A_74 = tpu.memref_squeeze %dma_start3A_73 : memref<1x128x32xf32, #tpu.memory_space<vmem>> -> memref<128x32xf32, #tpu.memory_space<vmem>>
      %dma_start3A_75 = arith.constant 0 : i32
      %dma_start3A_76 = tpu.memref_slice %arg7[%add3A_68, %dma_start3A_75] : memref<80x128xi32, #tpu.memory_space<vmem>> -> memref<1x128xi32, #tpu.memory_space<vmem>>
      %dma_start3A_77 = tpu.memref_squeeze %dma_start3A_76 : memref<1x128xi32, #tpu.memory_space<vmem>> -> memref<128xi32, #tpu.memory_space<vmem>>
      %dma_start3A_78 = arith.constant 0 : i32
      %dma_start3A_79 = arith.constant 0 : i32
      %dma_start3A_80 = tpu.memref_slice %arg4[%dma_start3A_78, %dma_start3A_79] : memref<10240x32xf32, #tpu.memory_space<hbm>> -> memref<10240x32xf32, #tpu.memory_space<hbm>>
      %dma_start3A_81 = tpu.memref_slice %arg11[%dma_start3A_70] : memref<8x!tpu.dma_semaphore, #tpu.memory_space<semaphore_mem>> -> memref<1x!tpu.dma_semaphore, #tpu.memory_space<semaphore_mem>>
      %dma_start3A_82 = tpu.memref_squeeze %dma_start3A_81 : memref<1x!tpu.dma_semaphore, #tpu.memory_space<semaphore_mem>> -> memref<!tpu.dma_semaphore, #tpu.memory_space<semaphore_mem>>
      tpu.enqueue_indirect_dma source(%dma_start3A_80 : memref<10240x32xf32, #tpu.memory_space<hbm>>) target(%dma_start3A_74 : memref<128x32xf32, #tpu.memory_space<vmem>>) offsets(%dma_start3A_77 : memref<128xi32, #tpu.memory_space<vmem>>) semaphore(%dma_start3A_82 : memref<!tpu.dma_semaphore, #tpu.memory_space<semaphore_mem>>)
      %mul3A_83 = arith.constant 8 : i32
      %mul3A_84 = arith.muli %scan3A_11, %mul3A_83 : i32
      %add3A_85 = arith.constant 4 : i32
      %add3A_86 = arith.addi %mul3A_84, %add3A_85 : i32
      %dma_start3A_87 = arith.constant 4 : i32
      %dma_start3A_88 = arith.constant 4 : i32
      %dma_start3A_89 = arith.constant 0 : i32
      %dma_start3A_90 = arith.constant 0 : i32
      %dma_start3A_91 = tpu.memref_slice %arg9[%dma_start3A_87, %dma_start3A_89, %dma_start3A_90] : memref<8x128x32xf32, #tpu.memory_space<vmem>> -> memref<1x128x32xf32, #tpu.memory_space<vmem>>
      %dma_start3A_92 = tpu.memref_squeeze %dma_start3A_91 : memref<1x128x32xf32, #tpu.memory_space<vmem>> -> memref<128x32xf32, #tpu.memory_space<vmem>>
      %dma_start3A_93 = arith.constant 0 : i32
      %dma_start3A_94 = tpu.memref_slice %arg7[%add3A_86, %dma_start3A_93] : memref<80x128xi32, #tpu.memory_space<vmem>> -> memref<1x128xi32, #tpu.memory_space<vmem>>
      %dma_start3A_95 = tpu.memref_squeeze %dma_start3A_94 : memref<1x128xi32, #tpu.memory_space<vmem>> -> memref<128xi32, #tpu.memory_space<vmem>>
      %dma_start3A_96 = arith.constant 0 : i32
      %dma_start3A_97 = arith.constant 0 : i32
      %dma_start3A_98 = tpu.memref_slice %arg4[%dma_start3A_96, %dma_start3A_97] : memref<10240x32xf32, #tpu.memory_space<hbm>> -> memref<10240x32xf32, #tpu.memory_space<hbm>>
      %dma_start3A_99 = tpu.memref_slice %arg11[%dma_start3A_88] : memref<8x!tpu.dma_semaphore, #tpu.memory_space<semaphore_mem>> -> memref<1x!tpu.dma_semaphore, #tpu.memory_space<semaphore_mem>>
      %dma_start3A_100 = tpu.memref_squeeze %dma_start3A_99 : memref<1x!tpu.dma_semaphore, #tpu.memory_space<semaphore_mem>> -> memref<!tpu.dma_semaphore, #tpu.memory_space<semaphore_mem>>
      tpu.enqueue_indirect_dma source(%dma_start3A_98 : memref<10240x32xf32, #tpu.memory_space<hbm>>) target(%dma_start3A_92 : memref<128x32xf32, #tpu.memory_space<vmem>>) offsets(%dma_start3A_95 : memref<128xi32, #tpu.memory_space<vmem>>) semaphore(%dma_start3A_100 : memref<!tpu.dma_semaphore, #tpu.memory_space<semaphore_mem>>)
      %mul3A_101 = arith.constant 8 : i32
      %mul3A_102 = arith.muli %scan3A_11, %mul3A_101 : i32
      %add3A_103 = arith.constant 5 : i32
      %add3A_104 = arith.addi %mul3A_102, %add3A_103 : i32
      %dma_start3A_105 = arith.constant 5 : i32
      %dma_start3A_106 = arith.constant 5 : i32
      %dma_start3A_107 = arith.constant 0 : i32
      %dma_start3A_108 = arith.constant 0 : i32
      %dma_start3A_109 = tpu.memref_slice %arg9[%dma_start3A_105, %dma_start3A_107, %dma_start3A_108] : memref<8x128x32xf32, #tpu.memory_space<vmem>> -> memref<1x128x32xf32, #tpu.memory_space<vmem>>
      %dma_start3A_110 = tpu.memref_squeeze %dma_start3A_109 : memref<1x128x32xf32, #tpu.memory_space<vmem>> -> memref<128x32xf32, #tpu.memory_space<vmem>>
      %dma_start3A_111 = arith.constant 0 : i32
      %dma_start3A_112 = tpu.memref_slice %arg7[%add3A_104, %dma_start3A_111] : memref<80x128xi32, #tpu.memory_space<vmem>> -> memref<1x128xi32, #tpu.memory_space<vmem>>
      %dma_start3A_113 = tpu.memref_squeeze %dma_start3A_112 : memref<1x128xi32, #tpu.memory_space<vmem>> -> memref<128xi32, #tpu.memory_space<vmem>>
      %dma_start3A_114 = arith.constant 0 : i32
      %dma_start3A_115 = arith.constant 0 : i32
      %dma_start3A_116 = tpu.memref_slice %arg4[%dma_start3A_114, %dma_start3A_115] : memref<10240x32xf32, #tpu.memory_space<hbm>> -> memref<10240x32xf32, #tpu.memory_space<hbm>>
      %dma_start3A_117 = tpu.memref_slice %arg11[%dma_start3A_106] : memref<8x!tpu.dma_semaphore, #tpu.memory_space<semaphore_mem>> -> memref<1x!tpu.dma_semaphore, #tpu.memory_space<semaphore_mem>>
      %dma_start3A_118 = tpu.memref_squeeze %dma_start3A_117 : memref<1x!tpu.dma_semaphore, #tpu.memory_space<semaphore_mem>> -> memref<!tpu.dma_semaphore, #tpu.memory_space<semaphore_mem>>
      tpu.enqueue_indirect_dma source(%dma_start3A_116 : memref<10240x32xf32, #tpu.memory_space<hbm>>) target(%dma_start3A_110 : memref<128x32xf32, #tpu.memory_space<vmem>>) offsets(%dma_start3A_113 : memref<128xi32, #tpu.memory_space<vmem>>) semaphore(%dma_start3A_118 : memref<!tpu.dma_semaphore, #tpu.memory_space<semaphore_mem>>)
      %mul3A_119 = arith.constant 8 : i32
      %mul3A_120 = arith.muli %scan3A_11, %mul3A_119 : i32
      %add3A_121 = arith.constant 6 : i32
      %add3A_122 = arith.addi %mul3A_120, %add3A_121 : i32
      %dma_start3A_123 = arith.constant 6 : i32
      %dma_start3A_124 = arith.constant 6 : i32
      %dma_start3A_125 = arith.constant 0 : i32
      %dma_start3A_126 = arith.constant 0 : i32
      %dma_start3A_127 = tpu.memref_slice %arg9[%dma_start3A_123, %dma_start3A_125, %dma_start3A_126] : memref<8x128x32xf32, #tpu.memory_space<vmem>> -> memref<1x128x32xf32, #tpu.memory_space<vmem>>
      %dma_start3A_128 = tpu.memref_squeeze %dma_start3A_127 : memref<1x128x32xf32, #tpu.memory_space<vmem>> -> memref<128x32xf32, #tpu.memory_space<vmem>>
      %dma_start3A_129 = arith.constant 0 : i32
      %dma_start3A_130 = tpu.memref_slice %arg7[%add3A_122, %dma_start3A_129] : memref<80x128xi32, #tpu.memory_space<vmem>> -> memref<1x128xi32, #tpu.memory_space<vmem>>
      %dma_start3A_131 = tpu.memref_squeeze %dma_start3A_130 : memref<1x128xi32, #tpu.memory_space<vmem>> -> memref<128xi32, #tpu.memory_space<vmem>>
      %dma_start3A_132 = arith.constant 0 : i32
      %dma_start3A_133 = arith.constant 0 : i32
      %dma_start3A_134 = tpu.memref_slice %arg4[%dma_start3A_132, %dma_start3A_133] : memref<10240x32xf32, #tpu.memory_space<hbm>> -> memref<10240x32xf32, #tpu.memory_space<hbm>>
      %dma_start3A_135 = tpu.memref_slice %arg11[%dma_start3A_124] : memref<8x!tpu.dma_semaphore, #tpu.memory_space<semaphore_mem>> -> memref<1x!tpu.dma_semaphore, #tpu.memory_space<semaphore_mem>>
      %dma_start3A_136 = tpu.memref_squeeze %dma_start3A_135 : memref<1x!tpu.dma_semaphore, #tpu.memory_space<semaphore_mem>> -> memref<!tpu.dma_semaphore, #tpu.memory_space<semaphore_mem>>
      tpu.enqueue_indirect_dma source(%dma_start3A_134 : memref<10240x32xf32, #tpu.memory_space<hbm>>) target(%dma_start3A_128 : memref<128x32xf32, #tpu.memory_space<vmem>>) offsets(%dma_start3A_131 : memref<128xi32, #tpu.memory_space<vmem>>) semaphore(%dma_start3A_136 : memref<!tpu.dma_semaphore, #tpu.memory_space<semaphore_mem>>)
      %mul3A_137 = arith.constant 8 : i32
      %mul3A_138 = arith.muli %scan3A_11, %mul3A_137 : i32
      %add3A_139 = arith.constant 7 : i32
      %add3A_140 = arith.addi %mul3A_138, %add3A_139 : i32
      %dma_start3A_141 = arith.constant 7 : i32
      %dma_start3A_142 = arith.constant 7 : i32
      %dma_start3A_143 = arith.constant 0 : i32
      %dma_start3A_144 = arith.constant 0 : i32
      %dma_start3A_145 = tpu.memref_slice %arg9[%dma_start3A_141, %dma_start3A_143, %dma_start3A_144] : memref<8x128x32xf32, #tpu.memory_space<vmem>> -> memref<1x128x32xf32, #tpu.memory_space<vmem>>
      %dma_start3A_146 = tpu.memref_squeeze %dma_start3A_145 : memref<1x128x32xf32, #tpu.memory_space<vmem>> -> memref<128x32xf32, #tpu.memory_space<vmem>>
      %dma_start3A_147 = arith.constant 0 : i32
      %dma_start3A_148 = tpu.memref_slice %arg7[%add3A_140, %dma_start3A_147] : memref<80x128xi32, #tpu.memory_space<vmem>> -> memref<1x128xi32, #tpu.memory_space<vmem>>
      %dma_start3A_149 = tpu.memref_squeeze %dma_start3A_148 : memref<1x128xi32, #tpu.memory_space<vmem>> -> memref<128xi32, #tpu.memory_space<vmem>>
      %dma_start3A_150 = arith.constant 0 : i32
      %dma_start3A_151 = arith.constant 0 : i32
      %dma_start3A_152 = tpu.memref_slice %arg4[%dma_start3A_150, %dma_start3A_151] : memref<10240x32xf32, #tpu.memory_space<hbm>> -> memref<10240x32xf32, #tpu.memory_space<hbm>>
      %dma_start3A_153 = tpu.memref_slice %arg11[%dma_start3A_142] : memref<8x!tpu.dma_semaphore, #tpu.memory_space<semaphore_mem>> -> memref<1x!tpu.dma_semaphore, #tpu.memory_space<semaphore_mem>>
      %dma_start3A_154 = tpu.memref_squeeze %dma_start3A_153 : memref<1x!tpu.dma_semaphore, #tpu.memory_space<semaphore_mem>> -> memref<!tpu.dma_semaphore, #tpu.memory_space<semaphore_mem>>
      tpu.enqueue_indirect_dma source(%dma_start3A_152 : memref<10240x32xf32, #tpu.memory_space<hbm>>) target(%dma_start3A_146 : memref<128x32xf32, #tpu.memory_space<vmem>>) offsets(%dma_start3A_149 : memref<128xi32, #tpu.memory_space<vmem>>) semaphore(%dma_start3A_154 : memref<!tpu.dma_semaphore, #tpu.memory_space<semaphore_mem>>)
      %dma_wait3A = arith.constant 0 : i32
      %dma_wait3A_155 = arith.constant 0 : i32
      %dma_wait3A_156 = arith.constant 0 : i32
      %dma_wait3A_157 = arith.constant 0 : i32
      %dma_wait3A_158 = tpu.memref_slice %arg9[%dma_wait3A, %dma_wait3A_156, %dma_wait3A_157] : memref<8x128x32xf32, #tpu.memory_space<vmem>> -> memref<1x128x32xf32, #tpu.memory_space<vmem>>
      %dma_wait3A_159 = tpu.memref_squeeze %dma_wait3A_158 : memref<1x128x32xf32, #tpu.memory_space<vmem>> -> memref<128x32xf32, #tpu.memory_space<vmem>>
      %dma_wait3A_160 = arith.constant 0 : i32
      %dma_wait3A_161 = tpu.memref_slice %arg7[%add3A_15, %dma_wait3A_160] : memref<80x128xi32, #tpu.memory_space<vmem>> -> memref<1x128xi32, #tpu.memory_space<vmem>>
      %dma_wait3A_162 = tpu.memref_squeeze %dma_wait3A_161 : memref<1x128xi32, #tpu.memory_space<vmem>> -> memref<128xi32, #tpu.memory_space<vmem>>
      %dma_wait3A_163 = arith.constant 0 : i32
      %dma_wait3A_164 = arith.constant 0 : i32
      %dma_wait3A_165 = tpu.memref_slice %arg4[%dma_wait3A_163, %dma_wait3A_164] : memref<10240x32xf32, #tpu.memory_space<hbm>> -> memref<10240x32xf32, #tpu.memory_space<hbm>>
      %dma_wait3A_166 = tpu.memref_slice %arg11[%dma_wait3A_155] : memref<8x!tpu.dma_semaphore, #tpu.memory_space<semaphore_mem>> -> memref<1x!tpu.dma_semaphore, #tpu.memory_space<semaphore_mem>>
      %dma_wait3A_167 = tpu.memref_squeeze %dma_wait3A_166 : memref<1x!tpu.dma_semaphore, #tpu.memory_space<semaphore_mem>> -> memref<!tpu.dma_semaphore, #tpu.memory_space<semaphore_mem>>
      tpu.wait_indirect_dma semaphore(%dma_wait3A_167 : memref<!tpu.dma_semaphore, #tpu.memory_space<semaphore_mem>>) src(%dma_wait3A_165 : memref<10240x32xf32, #tpu.memory_space<hbm>>) dst(%dma_wait3A_159 : memref<128x32xf32, #tpu.memory_space<vmem>>)
      %mul3A_168 = arith.constant 8 : i32
      %mul3A_169 = arith.muli %scan3A_11, %mul3A_168 : i32
      %add3A_170 = arith.constant 0 : i32
      %add3A_171 = arith.addi %mul3A_169, %add3A_170 : i32
      %dma_start3A_172 = arith.constant 0 : i32
      %dma_start3A_173 = arith.constant 0 : i32
      %dma_start3A_174 = arith.constant 0 : i32
      %dma_start3A_175 = arith.constant 0 : i32
      %dma_start3A_176 = tpu.memref_slice %arg9[%dma_start3A_172, %dma_start3A_174, %dma_start3A_175] : memref<8x128x32xf32, #tpu.memory_space<vmem>> -> memref<1x128x32xf32, #tpu.memory_space<vmem>>
      %dma_start3A_177 = tpu.memref_squeeze %dma_start3A_176 : memref<1x128x32xf32, #tpu.memory_space<vmem>> -> memref<128x32xf32, #tpu.memory_space<vmem>>
      %dma_start3A_178 = arith.constant 0 : i32
      %dma_start3A_179 = tpu.memref_slice %arg8[%add3A_171, %dma_start3A_178] : memref<80x128xi32, #tpu.memory_space<vmem>> -> memref<1x128xi32, #tpu.memory_space<vmem>>
      %dma_start3A_180 = tpu.memref_squeeze %dma_start3A_179 : memref<1x128xi32, #tpu.memory_space<vmem>> -> memref<128xi32, #tpu.memory_space<vmem>>
      %dma_start3A_181 = arith.constant 0 : i32
      %dma_start3A_182 = arith.constant 0 : i32
      %dma_start3A_183 = tpu.memref_slice %arg10[%dma_start3A_181, %dma_start3A_182] : memref<10240x32xf32, #tpu.memory_space<vmem_shared>> -> memref<10240x32xf32, #tpu.memory_space<vmem_shared>>
      %dma_start3A_184 = tpu.memref_slice %arg12[%dma_start3A_173] : memref<8x!tpu.dma_semaphore, #tpu.memory_space<semaphore_mem>> -> memref<1x!tpu.dma_semaphore, #tpu.memory_space<semaphore_mem>>
      %dma_start3A_185 = tpu.memref_squeeze %dma_start3A_184 : memref<1x!tpu.dma_semaphore, #tpu.memory_space<semaphore_mem>> -> memref<!tpu.dma_semaphore, #tpu.memory_space<semaphore_mem>>
      tpu.enqueue_indirect_dma source(%dma_start3A_177 : memref<128x32xf32, #tpu.memory_space<vmem>>) target(%dma_start3A_183 : memref<10240x32xf32, #tpu.memory_space<vmem_shared>>) offsets(%dma_start3A_180 : memref<128xi32, #tpu.memory_space<vmem>>) semaphore(%dma_start3A_185 : memref<!tpu.dma_semaphore, #tpu.memory_space<semaphore_mem>>) {add = true}
      %dma_wait3A_186 = arith.constant 1 : i32
      %dma_wait3A_187 = arith.constant 1 : i32
      %dma_wait3A_188 = arith.constant 0 : i32
      %dma_wait3A_189 = arith.constant 0 : i32
      %dma_wait3A_190 = tpu.memref_slice %arg9[%dma_wait3A_186, %dma_wait3A_188, %dma_wait3A_189] : memref<8x128x32xf32, #tpu.memory_space<vmem>> -> memref<1x128x32xf32, #tpu.memory_space<vmem>>
      %dma_wait3A_191 = tpu.memref_squeeze %dma_wait3A_190 : memref<1x128x32xf32, #tpu.memory_space<vmem>> -> memref<128x32xf32, #tpu.memory_space<vmem>>
      %dma_wait3A_192 = arith.constant 0 : i32
      %dma_wait3A_193 = tpu.memref_slice %arg7[%add3A_32, %dma_wait3A_192] : memref<80x128xi32, #tpu.memory_space<vmem>> -> memref<1x128xi32, #tpu.memory_space<vmem>>
      %dma_wait3A_194 = tpu.memref_squeeze %dma_wait3A_193 : memref<1x128xi32, #tpu.memory_space<vmem>> -> memref<128xi32, #tpu.memory_space<vmem>>
      %dma_wait3A_195 = arith.constant 0 : i32
      %dma_wait3A_196 = arith.constant 0 : i32
      %dma_wait3A_197 = tpu.memref_slice %arg4[%dma_wait3A_195, %dma_wait3A_196] : memref<10240x32xf32, #tpu.memory_space<hbm>> -> memref<10240x32xf32, #tpu.memory_space<hbm>>
      %dma_wait3A_198 = tpu.memref_slice %arg11[%dma_wait3A_187] : memref<8x!tpu.dma_semaphore, #tpu.memory_space<semaphore_mem>> -> memref<1x!tpu.dma_semaphore, #tpu.memory_space<semaphore_mem>>
      %dma_wait3A_199 = tpu.memref_squeeze %dma_wait3A_198 : memref<1x!tpu.dma_semaphore, #tpu.memory_space<semaphore_mem>> -> memref<!tpu.dma_semaphore, #tpu.memory_space<semaphore_mem>>
      tpu.wait_indirect_dma semaphore(%dma_wait3A_199 : memref<!tpu.dma_semaphore, #tpu.memory_space<semaphore_mem>>) src(%dma_wait3A_197 : memref<10240x32xf32, #tpu.memory_space<hbm>>) dst(%dma_wait3A_191 : memref<128x32xf32, #tpu.memory_space<vmem>>)
      %mul3A_200 = arith.constant 8 : i32
      %mul3A_201 = arith.muli %scan3A_11, %mul3A_200 : i32
      %add3A_202 = arith.constant 1 : i32
      %add3A_203 = arith.addi %mul3A_201, %add3A_202 : i32
      %dma_start3A_204 = arith.constant 1 : i32
      %dma_start3A_205 = arith.constant 1 : i32
      %dma_start3A_206 = arith.constant 0 : i32
      %dma_start3A_207 = arith.constant 0 : i32
      %dma_start3A_208 = tpu.memref_slice %arg9[%dma_start3A_204, %dma_start3A_206, %dma_start3A_207] : memref<8x128x32xf32, #tpu.memory_space<vmem>> -> memref<1x128x32xf32, #tpu.memory_space<vmem>>
      %dma_start3A_209 = tpu.memref_squeeze %dma_start3A_208 : memref<1x128x32xf32, #tpu.memory_space<vmem>> -> memref<128x32xf32, #tpu.memory_space<vmem>>
      %dma_start3A_210 = arith.constant 0 : i32
      %dma_start3A_211 = tpu.memref_slice %arg8[%add3A_203, %dma_start3A_210] : memref<80x128xi32, #tpu.memory_space<vmem>> -> memref<1x128xi32, #tpu.memory_space<vmem>>
      %dma_start3A_212 = tpu.memref_squeeze %dma_start3A_211 : memref<1x128xi32, #tpu.memory_space<vmem>> -> memref<128xi32, #tpu.memory_space<vmem>>
      %dma_start3A_213 = arith.constant 0 : i32
      %dma_start3A_214 = arith.constant 0 : i32
      %dma_start3A_215 = tpu.memref_slice %arg10[%dma_start3A_213, %dma_start3A_214] : memref<10240x32xf32, #tpu.memory_space<vmem_shared>> -> memref<10240x32xf32, #tpu.memory_space<vmem_shared>>
      %dma_start3A_216 = tpu.memref_slice %arg12[%dma_start3A_205] : memref<8x!tpu.dma_semaphore, #tpu.memory_space<semaphore_mem>> -> memref<1x!tpu.dma_semaphore, #tpu.memory_space<semaphore_mem>>
      %dma_start3A_217 = tpu.memref_squeeze %dma_start3A_216 : memref<1x!tpu.dma_semaphore, #tpu.memory_space<semaphore_mem>> -> memref<!tpu.dma_semaphore, #tpu.memory_space<semaphore_mem>>
      tpu.enqueue_indirect_dma source(%dma_start3A_209 : memref<128x32xf32, #tpu.memory_space<vmem>>) target(%dma_start3A_215 : memref<10240x32xf32, #tpu.memory_space<vmem_shared>>) offsets(%dma_start3A_212 : memref<128xi32, #tpu.memory_space<vmem>>) semaphore(%dma_start3A_217 : memref<!tpu.dma_semaphore, #tpu.memory_space<semaphore_mem>>) {add = true}
      %dma_wait3A_218 = arith.constant 2 : i32
      %dma_wait3A_219 = arith.constant 2 : i32
      %dma_wait3A_220 = arith.constant 0 : i32
      %dma_wait3A_221 = arith.constant 0 : i32
      %dma_wait3A_222 = tpu.memref_slice %arg9[%dma_wait3A_218, %dma_wait3A_220, %dma_wait3A_221] : memref<8x128x32xf32, #tpu.memory_space<vmem>> -> memref<1x128x32xf32, #tpu.memory_space<vmem>>
      %dma_wait3A_223 = tpu.memref_squeeze %dma_wait3A_222 : memref<1x128x32xf32, #tpu.memory_space<vmem>> -> memref<128x32xf32, #tpu.memory_space<vmem>>
      %dma_wait3A_224 = arith.constant 0 : i32
      %dma_wait3A_225 = tpu.memref_slice %arg7[%add3A_50, %dma_wait3A_224] : memref<80x128xi32, #tpu.memory_space<vmem>> -> memref<1x128xi32, #tpu.memory_space<vmem>>
      %dma_wait3A_226 = tpu.memref_squeeze %dma_wait3A_225 : memref<1x128xi32, #tpu.memory_space<vmem>> -> memref<128xi32, #tpu.memory_space<vmem>>
      %dma_wait3A_227 = arith.constant 0 : i32
      %dma_wait3A_228 = arith.constant 0 : i32
      %dma_wait3A_229 = tpu.memref_slice %arg4[%dma_wait3A_227, %dma_wait3A_228] : memref<10240x32xf32, #tpu.memory_space<hbm>> -> memref<10240x32xf32, #tpu.memory_space<hbm>>
      %dma_wait3A_230 = tpu.memref_slice %arg11[%dma_wait3A_219] : memref<8x!tpu.dma_semaphore, #tpu.memory_space<semaphore_mem>> -> memref<1x!tpu.dma_semaphore, #tpu.memory_space<semaphore_mem>>
      %dma_wait3A_231 = tpu.memref_squeeze %dma_wait3A_230 : memref<1x!tpu.dma_semaphore, #tpu.memory_space<semaphore_mem>> -> memref<!tpu.dma_semaphore, #tpu.memory_space<semaphore_mem>>
      tpu.wait_indirect_dma semaphore(%dma_wait3A_231 : memref<!tpu.dma_semaphore, #tpu.memory_space<semaphore_mem>>) src(%dma_wait3A_229 : memref<10240x32xf32, #tpu.memory_space<hbm>>) dst(%dma_wait3A_223 : memref<128x32xf32, #tpu.memory_space<vmem>>)
      %mul3A_232 = arith.constant 8 : i32
      %mul3A_233 = arith.muli %scan3A_11, %mul3A_232 : i32
      %add3A_234 = arith.constant 2 : i32
      %add3A_235 = arith.addi %mul3A_233, %add3A_234 : i32
      %dma_start3A_236 = arith.constant 2 : i32
      %dma_start3A_237 = arith.constant 2 : i32
      %dma_start3A_238 = arith.constant 0 : i32
      %dma_start3A_239 = arith.constant 0 : i32
      %dma_start3A_240 = tpu.memref_slice %arg9[%dma_start3A_236, %dma_start3A_238, %dma_start3A_239] : memref<8x128x32xf32, #tpu.memory_space<vmem>> -> memref<1x128x32xf32, #tpu.memory_space<vmem>>
      %dma_start3A_241 = tpu.memref_squeeze %dma_start3A_240 : memref<1x128x32xf32, #tpu.memory_space<vmem>> -> memref<128x32xf32, #tpu.memory_space<vmem>>
      %dma_start3A_242 = arith.constant 0 : i32
      %dma_start3A_243 = tpu.memref_slice %arg8[%add3A_235, %dma_start3A_242] : memref<80x128xi32, #tpu.memory_space<vmem>> -> memref<1x128xi32, #tpu.memory_space<vmem>>
      %dma_start3A_244 = tpu.memref_squeeze %dma_start3A_243 : memref<1x128xi32, #tpu.memory_space<vmem>> -> memref<128xi32, #tpu.memory_space<vmem>>
      %dma_start3A_245 = arith.constant 0 : i32
      %dma_start3A_246 = arith.constant 0 : i32
      %dma_start3A_247 = tpu.memref_slice %arg10[%dma_start3A_245, %dma_start3A_246] : memref<10240x32xf32, #tpu.memory_space<vmem_shared>> -> memref<10240x32xf32, #tpu.memory_space<vmem_shared>>
      %dma_start3A_248 = tpu.memref_slice %arg12[%dma_start3A_237] : memref<8x!tpu.dma_semaphore, #tpu.memory_space<semaphore_mem>> -> memref<1x!tpu.dma_semaphore, #tpu.memory_space<semaphore_mem>>
      %dma_start3A_249 = tpu.memref_squeeze %dma_start3A_248 : memref<1x!tpu.dma_semaphore, #tpu.memory_space<semaphore_mem>> -> memref<!tpu.dma_semaphore, #tpu.memory_space<semaphore_mem>>
      tpu.enqueue_indirect_dma source(%dma_start3A_241 : memref<128x32xf32, #tpu.memory_space<vmem>>) target(%dma_start3A_247 : memref<10240x32xf32, #tpu.memory_space<vmem_shared>>) offsets(%dma_start3A_244 : memref<128xi32, #tpu.memory_space<vmem>>) semaphore(%dma_start3A_249 : memref<!tpu.dma_semaphore, #tpu.memory_space<semaphore_mem>>) {add = true}
      %dma_wait3A_250 = arith.constant 3 : i32
      %dma_wait3A_251 = arith.constant 3 : i32
      %dma_wait3A_252 = arith.constant 0 : i32
      %dma_wait3A_253 = arith.constant 0 : i32
      %dma_wait3A_254 = tpu.memref_slice %arg9[%dma_wait3A_250, %dma_wait3A_252, %dma_wait3A_253] : memref<8x128x32xf32, #tpu.memory_space<vmem>> -> memref<1x128x32xf32, #tpu.memory_space<vmem>>
      %dma_wait3A_255 = tpu.memref_squeeze %dma_wait3A_254 : memref<1x128x32xf32, #tpu.memory_space<vmem>> -> memref<128x32xf32, #tpu.memory_space<vmem>>
      %dma_wait3A_256 = arith.constant 0 : i32
      %dma_wait3A_257 = tpu.memref_slice %arg7[%add3A_68, %dma_wait3A_256] : memref<80x128xi32, #tpu.memory_space<vmem>> -> memref<1x128xi32, #tpu.memory_space<vmem>>
      %dma_wait3A_258 = tpu.memref_squeeze %dma_wait3A_257 : memref<1x128xi32, #tpu.memory_space<vmem>> -> memref<128xi32, #tpu.memory_space<vmem>>
      %dma_wait3A_259 = arith.constant 0 : i32
      %dma_wait3A_260 = arith.constant 0 : i32
      %dma_wait3A_261 = tpu.memref_slice %arg4[%dma_wait3A_259, %dma_wait3A_260] : memref<10240x32xf32, #tpu.memory_space<hbm>> -> memref<10240x32xf32, #tpu.memory_space<hbm>>
      %dma_wait3A_262 = tpu.memref_slice %arg11[%dma_wait3A_251] : memref<8x!tpu.dma_semaphore, #tpu.memory_space<semaphore_mem>> -> memref<1x!tpu.dma_semaphore, #tpu.memory_space<semaphore_mem>>
      %dma_wait3A_263 = tpu.memref_squeeze %dma_wait3A_262 : memref<1x!tpu.dma_semaphore, #tpu.memory_space<semaphore_mem>> -> memref<!tpu.dma_semaphore, #tpu.memory_space<semaphore_mem>>
      tpu.wait_indirect_dma semaphore(%dma_wait3A_263 : memref<!tpu.dma_semaphore, #tpu.memory_space<semaphore_mem>>) src(%dma_wait3A_261 : memref<10240x32xf32, #tpu.memory_space<hbm>>) dst(%dma_wait3A_255 : memref<128x32xf32, #tpu.memory_space<vmem>>)
      %mul3A_264 = arith.constant 8 : i32
      %mul3A_265 = arith.muli %scan3A_11, %mul3A_264 : i32
      %add3A_266 = arith.constant 3 : i32
      %add3A_267 = arith.addi %mul3A_265, %add3A_266 : i32
      %dma_start3A_268 = arith.constant 3 : i32
      %dma_start3A_269 = arith.constant 3 : i32
      %dma_start3A_270 = arith.constant 0 : i32
      %dma_start3A_271 = arith.constant 0 : i32
      %dma_start3A_272 = tpu.memref_slice %arg9[%dma_start3A_268, %dma_start3A_270, %dma_start3A_271] : memref<8x128x32xf32, #tpu.memory_space<vmem>> -> memref<1x128x32xf32, #tpu.memory_space<vmem>>
      %dma_start3A_273 = tpu.memref_squeeze %dma_start3A_272 : memref<1x128x32xf32, #tpu.memory_space<vmem>> -> memref<128x32xf32, #tpu.memory_space<vmem>>
      %dma_start3A_274 = arith.constant 0 : i32
      %dma_start3A_275 = tpu.memref_slice %arg8[%add3A_267, %dma_start3A_274] : memref<80x128xi32, #tpu.memory_space<vmem>> -> memref<1x128xi32, #tpu.memory_space<vmem>>
      %dma_start3A_276 = tpu.memref_squeeze %dma_start3A_275 : memref<1x128xi32, #tpu.memory_space<vmem>> -> memref<128xi32, #tpu.memory_space<vmem>>
      %dma_start3A_277 = arith.constant 0 : i32
      %dma_start3A_278 = arith.constant 0 : i32
      %dma_start3A_279 = tpu.memref_slice %arg10[%dma_start3A_277, %dma_start3A_278] : memref<10240x32xf32, #tpu.memory_space<vmem_shared>> -> memref<10240x32xf32, #tpu.memory_space<vmem_shared>>
      %dma_start3A_280 = tpu.memref_slice %arg12[%dma_start3A_269] : memref<8x!tpu.dma_semaphore, #tpu.memory_space<semaphore_mem>> -> memref<1x!tpu.dma_semaphore, #tpu.memory_space<semaphore_mem>>
      %dma_start3A_281 = tpu.memref_squeeze %dma_start3A_280 : memref<1x!tpu.dma_semaphore, #tpu.memory_space<semaphore_mem>> -> memref<!tpu.dma_semaphore, #tpu.memory_space<semaphore_mem>>
      tpu.enqueue_indirect_dma source(%dma_start3A_273 : memref<128x32xf32, #tpu.memory_space<vmem>>) target(%dma_start3A_279 : memref<10240x32xf32, #tpu.memory_space<vmem_shared>>) offsets(%dma_start3A_276 : memref<128xi32, #tpu.memory_space<vmem>>) semaphore(%dma_start3A_281 : memref<!tpu.dma_semaphore, #tpu.memory_space<semaphore_mem>>) {add = true}
      %dma_wait3A_282 = arith.constant 4 : i32
      %dma_wait3A_283 = arith.constant 4 : i32
      %dma_wait3A_284 = arith.constant 0 : i32
      %dma_wait3A_285 = arith.constant 0 : i32
      %dma_wait3A_286 = tpu.memref_slice %arg9[%dma_wait3A_282, %dma_wait3A_284, %dma_wait3A_285] : memref<8x128x32xf32, #tpu.memory_space<vmem>> -> memref<1x128x32xf32, #tpu.memory_space<vmem>>
      %dma_wait3A_287 = tpu.memref_squeeze %dma_wait3A_286 : memref<1x128x32xf32, #tpu.memory_space<vmem>> -> memref<128x32xf32, #tpu.memory_space<vmem>>
      %dma_wait3A_288 = arith.constant 0 : i32
      %dma_wait3A_289 = tpu.memref_slice %arg7[%add3A_86, %dma_wait3A_288] : memref<80x128xi32, #tpu.memory_space<vmem>> -> memref<1x128xi32, #tpu.memory_space<vmem>>
      %dma_wait3A_290 = tpu.memref_squeeze %dma_wait3A_289 : memref<1x128xi32, #tpu.memory_space<vmem>> -> memref<128xi32, #tpu.memory_space<vmem>>
      %dma_wait3A_291 = arith.constant 0 : i32
      %dma_wait3A_292 = arith.constant 0 : i32
      %dma_wait3A_293 = tpu.memref_slice %arg4[%dma_wait3A_291, %dma_wait3A_292] : memref<10240x32xf32, #tpu.memory_space<hbm>> -> memref<10240x32xf32, #tpu.memory_space<hbm>>
      %dma_wait3A_294 = tpu.memref_slice %arg11[%dma_wait3A_283] : memref<8x!tpu.dma_semaphore, #tpu.memory_space<semaphore_mem>> -> memref<1x!tpu.dma_semaphore, #tpu.memory_space<semaphore_mem>>
      %dma_wait3A_295 = tpu.memref_squeeze %dma_wait3A_294 : memref<1x!tpu.dma_semaphore, #tpu.memory_space<semaphore_mem>> -> memref<!tpu.dma_semaphore, #tpu.memory_space<semaphore_mem>>
      tpu.wait_indirect_dma semaphore(%dma_wait3A_295 : memref<!tpu.dma_semaphore, #tpu.memory_space<semaphore_mem>>) src(%dma_wait3A_293 : memref<10240x32xf32, #tpu.memory_space<hbm>>) dst(%dma_wait3A_287 : memref<128x32xf32, #tpu.memory_space<vmem>>)
      %mul3A_296 = arith.constant 8 : i32
      %mul3A_297 = arith.muli %scan3A_11, %mul3A_296 : i32
      %add3A_298 = arith.constant 4 : i32
      %add3A_299 = arith.addi %mul3A_297, %add3A_298 : i32
      %dma_start3A_300 = arith.constant 4 : i32
      %dma_start3A_301 = arith.constant 4 : i32
      %dma_start3A_302 = arith.constant 0 : i32
      %dma_start3A_303 = arith.constant 0 : i32
      %dma_start3A_304 = tpu.memref_slice %arg9[%dma_start3A_300, %dma_start3A_302, %dma_start3A_303] : memref<8x128x32xf32, #tpu.memory_space<vmem>> -> memref<1x128x32xf32, #tpu.memory_space<vmem>>
      %dma_start3A_305 = tpu.memref_squeeze %dma_start3A_304 : memref<1x128x32xf32, #tpu.memory_space<vmem>> -> memref<128x32xf32, #tpu.memory_space<vmem>>
      %dma_start3A_306 = arith.constant 0 : i32
      %dma_start3A_307 = tpu.memref_slice %arg8[%add3A_299, %dma_start3A_306] : memref<80x128xi32, #tpu.memory_space<vmem>> -> memref<1x128xi32, #tpu.memory_space<vmem>>
      %dma_start3A_308 = tpu.memref_squeeze %dma_start3A_307 : memref<1x128xi32, #tpu.memory_space<vmem>> -> memref<128xi32, #tpu.memory_space<vmem>>
      %dma_start3A_309 = arith.constant 0 : i32
      %dma_start3A_310 = arith.constant 0 : i32
      %dma_start3A_311 = tpu.memref_slice %arg10[%dma_start3A_309, %dma_start3A_310] : memref<10240x32xf32, #tpu.memory_space<vmem_shared>> -> memref<10240x32xf32, #tpu.memory_space<vmem_shared>>
      %dma_start3A_312 = tpu.memref_slice %arg12[%dma_start3A_301] : memref<8x!tpu.dma_semaphore, #tpu.memory_space<semaphore_mem>> -> memref<1x!tpu.dma_semaphore, #tpu.memory_space<semaphore_mem>>
      %dma_start3A_313 = tpu.memref_squeeze %dma_start3A_312 : memref<1x!tpu.dma_semaphore, #tpu.memory_space<semaphore_mem>> -> memref<!tpu.dma_semaphore, #tpu.memory_space<semaphore_mem>>
      tpu.enqueue_indirect_dma source(%dma_start3A_305 : memref<128x32xf32, #tpu.memory_space<vmem>>) target(%dma_start3A_311 : memref<10240x32xf32, #tpu.memory_space<vmem_shared>>) offsets(%dma_start3A_308 : memref<128xi32, #tpu.memory_space<vmem>>) semaphore(%dma_start3A_313 : memref<!tpu.dma_semaphore, #tpu.memory_space<semaphore_mem>>) {add = true}
      %dma_wait3A_314 = arith.constant 5 : i32
      %dma_wait3A_315 = arith.constant 5 : i32
      %dma_wait3A_316 = arith.constant 0 : i32
      %dma_wait3A_317 = arith.constant 0 : i32
      %dma_wait3A_318 = tpu.memref_slice %arg9[%dma_wait3A_314, %dma_wait3A_316, %dma_wait3A_317] : memref<8x128x32xf32, #tpu.memory_space<vmem>> -> memref<1x128x32xf32, #tpu.memory_space<vmem>>
      %dma_wait3A_319 = tpu.memref_squeeze %dma_wait3A_318 : memref<1x128x32xf32, #tpu.memory_space<vmem>> -> memref<128x32xf32, #tpu.memory_space<vmem>>
      %dma_wait3A_320 = arith.constant 0 : i32
      %dma_wait3A_321 = tpu.memref_slice %arg7[%add3A_104, %dma_wait3A_320] : memref<80x128xi32, #tpu.memory_space<vmem>> -> memref<1x128xi32, #tpu.memory_space<vmem>>
      %dma_wait3A_322 = tpu.memref_squeeze %dma_wait3A_321 : memref<1x128xi32, #tpu.memory_space<vmem>> -> memref<128xi32, #tpu.memory_space<vmem>>
      %dma_wait3A_323 = arith.constant 0 : i32
      %dma_wait3A_324 = arith.constant 0 : i32
      %dma_wait3A_325 = tpu.memref_slice %arg4[%dma_wait3A_323, %dma_wait3A_324] : memref<10240x32xf32, #tpu.memory_space<hbm>> -> memref<10240x32xf32, #tpu.memory_space<hbm>>
      %dma_wait3A_326 = tpu.memref_slice %arg11[%dma_wait3A_315] : memref<8x!tpu.dma_semaphore, #tpu.memory_space<semaphore_mem>> -> memref<1x!tpu.dma_semaphore, #tpu.memory_space<semaphore_mem>>
      %dma_wait3A_327 = tpu.memref_squeeze %dma_wait3A_326 : memref<1x!tpu.dma_semaphore, #tpu.memory_space<semaphore_mem>> -> memref<!tpu.dma_semaphore, #tpu.memory_space<semaphore_mem>>
      tpu.wait_indirect_dma semaphore(%dma_wait3A_327 : memref<!tpu.dma_semaphore, #tpu.memory_space<semaphore_mem>>) src(%dma_wait3A_325 : memref<10240x32xf32, #tpu.memory_space<hbm>>) dst(%dma_wait3A_319 : memref<128x32xf32, #tpu.memory_space<vmem>>)
      %mul3A_328 = arith.constant 8 : i32
      %mul3A_329 = arith.muli %scan3A_11, %mul3A_328 : i32
      %add3A_330 = arith.constant 5 : i32
      %add3A_331 = arith.addi %mul3A_329, %add3A_330 : i32
      %dma_start3A_332 = arith.constant 5 : i32
      %dma_start3A_333 = arith.constant 5 : i32
      %dma_start3A_334 = arith.constant 0 : i32
      %dma_start3A_335 = arith.constant 0 : i32
      %dma_start3A_336 = tpu.memref_slice %arg9[%dma_start3A_332, %dma_start3A_334, %dma_start3A_335] : memref<8x128x32xf32, #tpu.memory_space<vmem>> -> memref<1x128x32xf32, #tpu.memory_space<vmem>>
      %dma_start3A_337 = tpu.memref_squeeze %dma_start3A_336 : memref<1x128x32xf32, #tpu.memory_space<vmem>> -> memref<128x32xf32, #tpu.memory_space<vmem>>
      %dma_start3A_338 = arith.constant 0 : i32
      %dma_start3A_339 = tpu.memref_slice %arg8[%add3A_331, %dma_start3A_338] : memref<80x128xi32, #tpu.memory_space<vmem>> -> memref<1x128xi32, #tpu.memory_space<vmem>>
      %dma_start3A_340 = tpu.memref_squeeze %dma_start3A_339 : memref<1x128xi32, #tpu.memory_space<vmem>> -> memref<128xi32, #tpu.memory_space<vmem>>
      %dma_start3A_341 = arith.constant 0 : i32
      %dma_start3A_342 = arith.constant 0 : i32
      %dma_start3A_343 = tpu.memref_slice %arg10[%dma_start3A_341, %dma_start3A_342] : memref<10240x32xf32, #tpu.memory_space<vmem_shared>> -> memref<10240x32xf32, #tpu.memory_space<vmem_shared>>
      %dma_start3A_344 = tpu.memref_slice %arg12[%dma_start3A_333] : memref<8x!tpu.dma_semaphore, #tpu.memory_space<semaphore_mem>> -> memref<1x!tpu.dma_semaphore, #tpu.memory_space<semaphore_mem>>
      %dma_start3A_345 = tpu.memref_squeeze %dma_start3A_344 : memref<1x!tpu.dma_semaphore, #tpu.memory_space<semaphore_mem>> -> memref<!tpu.dma_semaphore, #tpu.memory_space<semaphore_mem>>
      tpu.enqueue_indirect_dma source(%dma_start3A_337 : memref<128x32xf32, #tpu.memory_space<vmem>>) target(%dma_start3A_343 : memref<10240x32xf32, #tpu.memory_space<vmem_shared>>) offsets(%dma_start3A_340 : memref<128xi32, #tpu.memory_space<vmem>>) semaphore(%dma_start3A_345 : memref<!tpu.dma_semaphore, #tpu.memory_space<semaphore_mem>>) {add = true}
      %dma_wait3A_346 = arith.constant 6 : i32
      %dma_wait3A_347 = arith.constant 6 : i32
      %dma_wait3A_348 = arith.constant 0 : i32
      %dma_wait3A_349 = arith.constant 0 : i32
      %dma_wait3A_350 = tpu.memref_slice %arg9[%dma_wait3A_346, %dma_wait3A_348, %dma_wait3A_349] : memref<8x128x32xf32, #tpu.memory_space<vmem>> -> memref<1x128x32xf32, #tpu.memory_space<vmem>>
      %dma_wait3A_351 = tpu.memref_squeeze %dma_wait3A_350 : memref<1x128x32xf32, #tpu.memory_space<vmem>> -> memref<128x32xf32, #tpu.memory_space<vmem>>
      %dma_wait3A_352 = arith.constant 0 : i32
      %dma_wait3A_353 = tpu.memref_slice %arg7[%add3A_122, %dma_wait3A_352] : memref<80x128xi32, #tpu.memory_space<vmem>> -> memref<1x128xi32, #tpu.memory_space<vmem>>
      %dma_wait3A_354 = tpu.memref_squeeze %dma_wait3A_353 : memref<1x128xi32, #tpu.memory_space<vmem>> -> memref<128xi32, #tpu.memory_space<vmem>>
      %dma_wait3A_355 = arith.constant 0 : i32
      %dma_wait3A_356 = arith.constant 0 : i32
      %dma_wait3A_357 = tpu.memref_slice %arg4[%dma_wait3A_355, %dma_wait3A_356] : memref<10240x32xf32, #tpu.memory_space<hbm>> -> memref<10240x32xf32, #tpu.memory_space<hbm>>
      %dma_wait3A_358 = tpu.memref_slice %arg11[%dma_wait3A_347] : memref<8x!tpu.dma_semaphore, #tpu.memory_space<semaphore_mem>> -> memref<1x!tpu.dma_semaphore, #tpu.memory_space<semaphore_mem>>
      %dma_wait3A_359 = tpu.memref_squeeze %dma_wait3A_358 : memref<1x!tpu.dma_semaphore, #tpu.memory_space<semaphore_mem>> -> memref<!tpu.dma_semaphore, #tpu.memory_space<semaphore_mem>>
      tpu.wait_indirect_dma semaphore(%dma_wait3A_359 : memref<!tpu.dma_semaphore, #tpu.memory_space<semaphore_mem>>) src(%dma_wait3A_357 : memref<10240x32xf32, #tpu.memory_space<hbm>>) dst(%dma_wait3A_351 : memref<128x32xf32, #tpu.memory_space<vmem>>)
      %mul3A_360 = arith.constant 8 : i32
      %mul3A_361 = arith.muli %scan3A_11, %mul3A_360 : i32
      %add3A_362 = arith.constant 6 : i32
      %add3A_363 = arith.addi %mul3A_361, %add3A_362 : i32
      %dma_start3A_364 = arith.constant 6 : i32
      %dma_start3A_365 = arith.constant 6 : i32
      %dma_start3A_366 = arith.constant 0 : i32
      %dma_start3A_367 = arith.constant 0 : i32
      %dma_start3A_368 = tpu.memref_slice %arg9[%dma_start3A_364, %dma_start3A_366, %dma_start3A_367] : memref<8x128x32xf32, #tpu.memory_space<vmem>> -> memref<1x128x32xf32, #tpu.memory_space<vmem>>
      %dma_start3A_369 = tpu.memref_squeeze %dma_start3A_368 : memref<1x128x32xf32, #tpu.memory_space<vmem>> -> memref<128x32xf32, #tpu.memory_space<vmem>>
      %dma_start3A_370 = arith.constant 0 : i32
      %dma_start3A_371 = tpu.memref_slice %arg8[%add3A_363, %dma_start3A_370] : memref<80x128xi32, #tpu.memory_space<vmem>> -> memref<1x128xi32, #tpu.memory_space<vmem>>
      %dma_start3A_372 = tpu.memref_squeeze %dma_start3A_371 : memref<1x128xi32, #tpu.memory_space<vmem>> -> memref<128xi32, #tpu.memory_space<vmem>>
      %dma_start3A_373 = arith.constant 0 : i32
      %dma_start3A_374 = arith.constant 0 : i32
      %dma_start3A_375 = tpu.memref_slice %arg10[%dma_start3A_373, %dma_start3A_374] : memref<10240x32xf32, #tpu.memory_space<vmem_shared>> -> memref<10240x32xf32, #tpu.memory_space<vmem_shared>>
      %dma_start3A_376 = tpu.memref_slice %arg12[%dma_start3A_365] : memref<8x!tpu.dma_semaphore, #tpu.memory_space<semaphore_mem>> -> memref<1x!tpu.dma_semaphore, #tpu.memory_space<semaphore_mem>>
      %dma_start3A_377 = tpu.memref_squeeze %dma_start3A_376 : memref<1x!tpu.dma_semaphore, #tpu.memory_space<semaphore_mem>> -> memref<!tpu.dma_semaphore, #tpu.memory_space<semaphore_mem>>
      tpu.enqueue_indirect_dma source(%dma_start3A_369 : memref<128x32xf32, #tpu.memory_space<vmem>>) target(%dma_start3A_375 : memref<10240x32xf32, #tpu.memory_space<vmem_shared>>) offsets(%dma_start3A_372 : memref<128xi32, #tpu.memory_space<vmem>>) semaphore(%dma_start3A_377 : memref<!tpu.dma_semaphore, #tpu.memory_space<semaphore_mem>>) {add = true}
      %dma_wait3A_378 = arith.constant 7 : i32
      %dma_wait3A_379 = arith.constant 7 : i32
      %dma_wait3A_380 = arith.constant 0 : i32
      %dma_wait3A_381 = arith.constant 0 : i32
      %dma_wait3A_382 = tpu.memref_slice %arg9[%dma_wait3A_378, %dma_wait3A_380, %dma_wait3A_381] : memref<8x128x32xf32, #tpu.memory_space<vmem>> -> memref<1x128x32xf32, #tpu.memory_space<vmem>>
      %dma_wait3A_383 = tpu.memref_squeeze %dma_wait3A_382 : memref<1x128x32xf32, #tpu.memory_space<vmem>> -> memref<128x32xf32, #tpu.memory_space<vmem>>
      %dma_wait3A_384 = arith.constant 0 : i32
      %dma_wait3A_385 = tpu.memref_slice %arg7[%add3A_140, %dma_wait3A_384] : memref<80x128xi32, #tpu.memory_space<vmem>> -> memref<1x128xi32, #tpu.memory_space<vmem>>
      %dma_wait3A_386 = tpu.memref_squeeze %dma_wait3A_385 : memref<1x128xi32, #tpu.memory_space<vmem>> -> memref<128xi32, #tpu.memory_space<vmem>>
      %dma_wait3A_387 = arith.constant 0 : i32
      %dma_wait3A_388 = arith.constant 0 : i32
      %dma_wait3A_389 = tpu.memref_slice %arg4[%dma_wait3A_387, %dma_wait3A_388] : memref<10240x32xf32, #tpu.memory_space<hbm>> -> memref<10240x32xf32, #tpu.memory_space<hbm>>
      %dma_wait3A_390 = tpu.memref_slice %arg11[%dma_wait3A_379] : memref<8x!tpu.dma_semaphore, #tpu.memory_space<semaphore_mem>> -> memref<1x!tpu.dma_semaphore, #tpu.memory_space<semaphore_mem>>
      %dma_wait3A_391 = tpu.memref_squeeze %dma_wait3A_390 : memref<1x!tpu.dma_semaphore, #tpu.memory_space<semaphore_mem>> -> memref<!tpu.dma_semaphore, #tpu.memory_space<semaphore_mem>>
      tpu.wait_indirect_dma semaphore(%dma_wait3A_391 : memref<!tpu.dma_semaphore, #tpu.memory_space<semaphore_mem>>) src(%dma_wait3A_389 : memref<10240x32xf32, #tpu.memory_space<hbm>>) dst(%dma_wait3A_383 : memref<128x32xf32, #tpu.memory_space<vmem>>)
      %mul3A_392 = arith.constant 8 : i32
      %mul3A_393 = arith.muli %scan3A_11, %mul3A_392 : i32
      %add3A_394 = arith.constant 7 : i32
      %add3A_395 = arith.addi %mul3A_393, %add3A_394 : i32
      %dma_start3A_396 = arith.constant 7 : i32
      %dma_start3A_397 = arith.constant 7 : i32
      %dma_start3A_398 = arith.constant 0 : i32
      %dma_start3A_399 = arith.constant 0 : i32
      %dma_start3A_400 = tpu.memref_slice %arg9[%dma_start3A_396, %dma_start3A_398, %dma_start3A_399] : memref<8x128x32xf32, #tpu.memory_space<vmem>> -> memref<1x128x32xf32, #tpu.memory_space<vmem>>
      %dma_start3A_401 = tpu.memref_squeeze %dma_start3A_400 : memref<1x128x32xf32, #tpu.memory_space<vmem>> -> memref<128x32xf32, #tpu.memory_space<vmem>>
      %dma_start3A_402 = arith.constant 0 : i32
      %dma_start3A_403 = tpu.memref_slice %arg8[%add3A_395, %dma_start3A_402] : memref<80x128xi32, #tpu.memory_space<vmem>> -> memref<1x128xi32, #tpu.memory_space<vmem>>
      %dma_start3A_404 = tpu.memref_squeeze %dma_start3A_403 : memref<1x128xi32, #tpu.memory_space<vmem>> -> memref<128xi32, #tpu.memory_space<vmem>>
      %dma_start3A_405 = arith.constant 0 : i32
      %dma_start3A_406 = arith.constant 0 : i32
      %dma_start3A_407 = tpu.memref_slice %arg10[%dma_start3A_405, %dma_start3A_406] : memref<10240x32xf32, #tpu.memory_space<vmem_shared>> -> memref<10240x32xf32, #tpu.memory_space<vmem_shared>>
      %dma_start3A_408 = tpu.memref_slice %arg12[%dma_start3A_397] : memref<8x!tpu.dma_semaphore, #tpu.memory_space<semaphore_mem>> -> memref<1x!tpu.dma_semaphore, #tpu.memory_space<semaphore_mem>>
      %dma_start3A_409 = tpu.memref_squeeze %dma_start3A_408 : memref<1x!tpu.dma_semaphore, #tpu.memory_space<semaphore_mem>> -> memref<!tpu.dma_semaphore, #tpu.memory_space<semaphore_mem>>
      tpu.enqueue_indirect_dma source(%dma_start3A_401 : memref<128x32xf32, #tpu.memory_space<vmem>>) target(%dma_start3A_407 : memref<10240x32xf32, #tpu.memory_space<vmem_shared>>) offsets(%dma_start3A_404 : memref<128xi32, #tpu.memory_space<vmem>>) semaphore(%dma_start3A_409 : memref<!tpu.dma_semaphore, #tpu.memory_space<semaphore_mem>>) {add = true}
      %dma_wait3A_410 = arith.constant 0 : i32
      %dma_wait3A_411 = arith.constant 0 : i32
      %dma_wait3A_412 = arith.constant 0 : i32
      %dma_wait3A_413 = arith.constant 0 : i32
      %dma_wait3A_414 = tpu.memref_slice %arg9[%dma_wait3A_410, %dma_wait3A_412, %dma_wait3A_413] : memref<8x128x32xf32, #tpu.memory_space<vmem>> -> memref<1x128x32xf32, #tpu.memory_space<vmem>>
      %dma_wait3A_415 = tpu.memref_squeeze %dma_wait3A_414 : memref<1x128x32xf32, #tpu.memory_space<vmem>> -> memref<128x32xf32, #tpu.memory_space<vmem>>
      %dma_wait3A_416 = arith.constant 0 : i32
      %dma_wait3A_417 = tpu.memref_slice %arg8[%add3A_171, %dma_wait3A_416] : memref<80x128xi32, #tpu.memory_space<vmem>> -> memref<1x128xi32, #tpu.memory_space<vmem>>
      %dma_wait3A_418 = tpu.memref_squeeze %dma_wait3A_417 : memref<1x128xi32, #tpu.memory_space<vmem>> -> memref<128xi32, #tpu.memory_space<vmem>>
      %dma_wait3A_419 = arith.constant 0 : i32
      %dma_wait3A_420 = arith.constant 0 : i32
      %dma_wait3A_421 = tpu.memref_slice %arg10[%dma_wait3A_419, %dma_wait3A_420] : memref<10240x32xf32, #tpu.memory_space<vmem_shared>> -> memref<10240x32xf32, #tpu.memory_space<vmem_shared>>
      %dma_wait3A_422 = tpu.memref_slice %arg12[%dma_wait3A_411] : memref<8x!tpu.dma_semaphore, #tpu.memory_space<semaphore_mem>> -> memref<1x!tpu.dma_semaphore, #tpu.memory_space<semaphore_mem>>
      %dma_wait3A_423 = tpu.memref_squeeze %dma_wait3A_422 : memref<1x!tpu.dma_semaphore, #tpu.memory_space<semaphore_mem>> -> memref<!tpu.dma_semaphore, #tpu.memory_space<semaphore_mem>>
      tpu.wait_indirect_dma semaphore(%dma_wait3A_423 : memref<!tpu.dma_semaphore, #tpu.memory_space<semaphore_mem>>) src(%dma_wait3A_415 : memref<128x32xf32, #tpu.memory_space<vmem>>) dst(%dma_wait3A_421 : memref<10240x32xf32, #tpu.memory_space<vmem_shared>>)
      %dma_wait3A_424 = arith.constant 1 : i32
      %dma_wait3A_425 = arith.constant 1 : i32
      %dma_wait3A_426 = arith.constant 0 : i32
      %dma_wait3A_427 = arith.constant 0 : i32
      %dma_wait3A_428 = tpu.memref_slice %arg9[%dma_wait3A_424, %dma_wait3A_426, %dma_wait3A_427] : memref<8x128x32xf32, #tpu.memory_space<vmem>> -> memref<1x128x32xf32, #tpu.memory_space<vmem>>
      %dma_wait3A_429 = tpu.memref_squeeze %dma_wait3A_428 : memref<1x128x32xf32, #tpu.memory_space<vmem>> -> memref<128x32xf32, #tpu.memory_space<vmem>>
      %dma_wait3A_430 = arith.constant 0 : i32
      %dma_wait3A_431 = tpu.memref_slice %arg8[%add3A_203, %dma_wait3A_430] : memref<80x128xi32, #tpu.memory_space<vmem>> -> memref<1x128xi32, #tpu.memory_space<vmem>>
      %dma_wait3A_432 = tpu.memref_squeeze %dma_wait3A_431 : memref<1x128xi32, #tpu.memory_space<vmem>> -> memref<128xi32, #tpu.memory_space<vmem>>
      %dma_wait3A_433 = arith.constant 0 : i32
      %dma_wait3A_434 = arith.constant 0 : i32
      %dma_wait3A_435 = tpu.memref_slice %arg10[%dma_wait3A_433, %dma_wait3A_434] : memref<10240x32xf32, #tpu.memory_space<vmem_shared>> -> memref<10240x32xf32, #tpu.memory_space<vmem_shared>>
      %dma_wait3A_436 = tpu.memref_slice %arg12[%dma_wait3A_425] : memref<8x!tpu.dma_semaphore, #tpu.memory_space<semaphore_mem>> -> memref<1x!tpu.dma_semaphore, #tpu.memory_space<semaphore_mem>>
      %dma_wait3A_437 = tpu.memref_squeeze %dma_wait3A_436 : memref<1x!tpu.dma_semaphore, #tpu.memory_space<semaphore_mem>> -> memref<!tpu.dma_semaphore, #tpu.memory_space<semaphore_mem>>
      tpu.wait_indirect_dma semaphore(%dma_wait3A_437 : memref<!tpu.dma_semaphore, #tpu.memory_space<semaphore_mem>>) src(%dma_wait3A_429 : memref<128x32xf32, #tpu.memory_space<vmem>>) dst(%dma_wait3A_435 : memref<10240x32xf32, #tpu.memory_space<vmem_shared>>)
      %dma_wait3A_438 = arith.constant 2 : i32
      %dma_wait3A_439 = arith.constant 2 : i32
      %dma_wait3A_440 = arith.constant 0 : i32
      %dma_wait3A_441 = arith.constant 0 : i32
      %dma_wait3A_442 = tpu.memref_slice %arg9[%dma_wait3A_438, %dma_wait3A_440, %dma_wait3A_441] : memref<8x128x32xf32, #tpu.memory_space<vmem>> -> memref<1x128x32xf32, #tpu.memory_space<vmem>>
      %dma_wait3A_443 = tpu.memref_squeeze %dma_wait3A_442 : memref<1x128x32xf32, #tpu.memory_space<vmem>> -> memref<128x32xf32, #tpu.memory_space<vmem>>
      %dma_wait3A_444 = arith.constant 0 : i32
      %dma_wait3A_445 = tpu.memref_slice %arg8[%add3A_235, %dma_wait3A_444] : memref<80x128xi32, #tpu.memory_space<vmem>> -> memref<1x128xi32, #tpu.memory_space<vmem>>
      %dma_wait3A_446 = tpu.memref_squeeze %dma_wait3A_445 : memref<1x128xi32, #tpu.memory_space<vmem>> -> memref<128xi32, #tpu.memory_space<vmem>>
      %dma_wait3A_447 = arith.constant 0 : i32
      %dma_wait3A_448 = arith.constant 0 : i32
      %dma_wait3A_449 = tpu.memref_slice %arg10[%dma_wait3A_447, %dma_wait3A_448] : memref<10240x32xf32, #tpu.memory_space<vmem_shared>> -> memref<10240x32xf32, #tpu.memory_space<vmem_shared>>
      %dma_wait3A_450 = tpu.memref_slice %arg12[%dma_wait3A_439] : memref<8x!tpu.dma_semaphore, #tpu.memory_space<semaphore_mem>> -> memref<1x!tpu.dma_semaphore, #tpu.memory_space<semaphore_mem>>
      %dma_wait3A_451 = tpu.memref_squeeze %dma_wait3A_450 : memref<1x!tpu.dma_semaphore, #tpu.memory_space<semaphore_mem>> -> memref<!tpu.dma_semaphore, #tpu.memory_space<semaphore_mem>>
      tpu.wait_indirect_dma semaphore(%dma_wait3A_451 : memref<!tpu.dma_semaphore, #tpu.memory_space<semaphore_mem>>) src(%dma_wait3A_443 : memref<128x32xf32, #tpu.memory_space<vmem>>) dst(%dma_wait3A_449 : memref<10240x32xf32, #tpu.memory_space<vmem_shared>>)
      %dma_wait3A_452 = arith.constant 3 : i32
      %dma_wait3A_453 = arith.constant 3 : i32
      %dma_wait3A_454 = arith.constant 0 : i32
      %dma_wait3A_455 = arith.constant 0 : i32
      %dma_wait3A_456 = tpu.memref_slice %arg9[%dma_wait3A_452, %dma_wait3A_454, %dma_wait3A_455] : memref<8x128x32xf32, #tpu.memory_space<vmem>> -> memref<1x128x32xf32, #tpu.memory_space<vmem>>
      %dma_wait3A_457 = tpu.memref_squeeze %dma_wait3A_456 : memref<1x128x32xf32, #tpu.memory_space<vmem>> -> memref<128x32xf32, #tpu.memory_space<vmem>>
      %dma_wait3A_458 = arith.constant 0 : i32
      %dma_wait3A_459 = tpu.memref_slice %arg8[%add3A_267, %dma_wait3A_458] : memref<80x128xi32, #tpu.memory_space<vmem>> -> memref<1x128xi32, #tpu.memory_space<vmem>>
      %dma_wait3A_460 = tpu.memref_squeeze %dma_wait3A_459 : memref<1x128xi32, #tpu.memory_space<vmem>> -> memref<128xi32, #tpu.memory_space<vmem>>
      %dma_wait3A_461 = arith.constant 0 : i32
      %dma_wait3A_462 = arith.constant 0 : i32
      %dma_wait3A_463 = tpu.memref_slice %arg10[%dma_wait3A_461, %dma_wait3A_462] : memref<10240x32xf32, #tpu.memory_space<vmem_shared>> -> memref<10240x32xf32, #tpu.memory_space<vmem_shared>>
      %dma_wait3A_464 = tpu.memref_slice %arg12[%dma_wait3A_453] : memref<8x!tpu.dma_semaphore, #tpu.memory_space<semaphore_mem>> -> memref<1x!tpu.dma_semaphore, #tpu.memory_space<semaphore_mem>>
      %dma_wait3A_465 = tpu.memref_squeeze %dma_wait3A_464 : memref<1x!tpu.dma_semaphore, #tpu.memory_space<semaphore_mem>> -> memref<!tpu.dma_semaphore, #tpu.memory_space<semaphore_mem>>
      tpu.wait_indirect_dma semaphore(%dma_wait3A_465 : memref<!tpu.dma_semaphore, #tpu.memory_space<semaphore_mem>>) src(%dma_wait3A_457 : memref<128x32xf32, #tpu.memory_space<vmem>>) dst(%dma_wait3A_463 : memref<10240x32xf32, #tpu.memory_space<vmem_shared>>)
      %dma_wait3A_466 = arith.constant 4 : i32
      %dma_wait3A_467 = arith.constant 4 : i32
      %dma_wait3A_468 = arith.constant 0 : i32
      %dma_wait3A_469 = arith.constant 0 : i32
      %dma_wait3A_470 = tpu.memref_slice %arg9[%dma_wait3A_466, %dma_wait3A_468, %dma_wait3A_469] : memref<8x128x32xf32, #tpu.memory_space<vmem>> -> memref<1x128x32xf32, #tpu.memory_space<vmem>>
      %dma_wait3A_471 = tpu.memref_squeeze %dma_wait3A_470 : memref<1x128x32xf32, #tpu.memory_space<vmem>> -> memref<128x32xf32, #tpu.memory_space<vmem>>
      %dma_wait3A_472 = arith.constant 0 : i32
      %dma_wait3A_473 = tpu.memref_slice %arg8[%add3A_299, %dma_wait3A_472] : memref<80x128xi32, #tpu.memory_space<vmem>> -> memref<1x128xi32, #tpu.memory_space<vmem>>
      %dma_wait3A_474 = tpu.memref_squeeze %dma_wait3A_473 : memref<1x128xi32, #tpu.memory_space<vmem>> -> memref<128xi32, #tpu.memory_space<vmem>>
      %dma_wait3A_475 = arith.constant 0 : i32
      %dma_wait3A_476 = arith.constant 0 : i32
      %dma_wait3A_477 = tpu.memref_slice %arg10[%dma_wait3A_475, %dma_wait3A_476] : memref<10240x32xf32, #tpu.memory_space<vmem_shared>> -> memref<10240x32xf32, #tpu.memory_space<vmem_shared>>
      %dma_wait3A_478 = tpu.memref_slice %arg12[%dma_wait3A_467] : memref<8x!tpu.dma_semaphore, #tpu.memory_space<semaphore_mem>> -> memref<1x!tpu.dma_semaphore, #tpu.memory_space<semaphore_mem>>
      %dma_wait3A_479 = tpu.memref_squeeze %dma_wait3A_478 : memref<1x!tpu.dma_semaphore, #tpu.memory_space<semaphore_mem>> -> memref<!tpu.dma_semaphore, #tpu.memory_space<semaphore_mem>>
      tpu.wait_indirect_dma semaphore(%dma_wait3A_479 : memref<!tpu.dma_semaphore, #tpu.memory_space<semaphore_mem>>) src(%dma_wait3A_471 : memref<128x32xf32, #tpu.memory_space<vmem>>) dst(%dma_wait3A_477 : memref<10240x32xf32, #tpu.memory_space<vmem_shared>>)
      %dma_wait3A_480 = arith.constant 5 : i32
      %dma_wait3A_481 = arith.constant 5 : i32
      %dma_wait3A_482 = arith.constant 0 : i32
      %dma_wait3A_483 = arith.constant 0 : i32
      %dma_wait3A_484 = tpu.memref_slice %arg9[%dma_wait3A_480, %dma_wait3A_482, %dma_wait3A_483] : memref<8x128x32xf32, #tpu.memory_space<vmem>> -> memref<1x128x32xf32, #tpu.memory_space<vmem>>
      %dma_wait3A_485 = tpu.memref_squeeze %dma_wait3A_484 : memref<1x128x32xf32, #tpu.memory_space<vmem>> -> memref<128x32xf32, #tpu.memory_space<vmem>>
      %dma_wait3A_486 = arith.constant 0 : i32
      %dma_wait3A_487 = tpu.memref_slice %arg8[%add3A_331, %dma_wait3A_486] : memref<80x128xi32, #tpu.memory_space<vmem>> -> memref<1x128xi32, #tpu.memory_space<vmem>>
      %dma_wait3A_488 = tpu.memref_squeeze %dma_wait3A_487 : memref<1x128xi32, #tpu.memory_space<vmem>> -> memref<128xi32, #tpu.memory_space<vmem>>
      %dma_wait3A_489 = arith.constant 0 : i32
      %dma_wait3A_490 = arith.constant 0 : i32
      %dma_wait3A_491 = tpu.memref_slice %arg10[%dma_wait3A_489, %dma_wait3A_490] : memref<10240x32xf32, #tpu.memory_space<vmem_shared>> -> memref<10240x32xf32, #tpu.memory_space<vmem_shared>>
      %dma_wait3A_492 = tpu.memref_slice %arg12[%dma_wait3A_481] : memref<8x!tpu.dma_semaphore, #tpu.memory_space<semaphore_mem>> -> memref<1x!tpu.dma_semaphore, #tpu.memory_space<semaphore_mem>>
      %dma_wait3A_493 = tpu.memref_squeeze %dma_wait3A_492 : memref<1x!tpu.dma_semaphore, #tpu.memory_space<semaphore_mem>> -> memref<!tpu.dma_semaphore, #tpu.memory_space<semaphore_mem>>
      tpu.wait_indirect_dma semaphore(%dma_wait3A_493 : memref<!tpu.dma_semaphore, #tpu.memory_space<semaphore_mem>>) src(%dma_wait3A_485 : memref<128x32xf32, #tpu.memory_space<vmem>>) dst(%dma_wait3A_491 : memref<10240x32xf32, #tpu.memory_space<vmem_shared>>)
      %dma_wait3A_494 = arith.constant 6 : i32
      %dma_wait3A_495 = arith.constant 6 : i32
      %dma_wait3A_496 = arith.constant 0 : i32
      %dma_wait3A_497 = arith.constant 0 : i32
      %dma_wait3A_498 = tpu.memref_slice %arg9[%dma_wait3A_494, %dma_wait3A_496, %dma_wait3A_497] : memref<8x128x32xf32, #tpu.memory_space<vmem>> -> memref<1x128x32xf32, #tpu.memory_space<vmem>>
      %dma_wait3A_499 = tpu.memref_squeeze %dma_wait3A_498 : memref<1x128x32xf32, #tpu.memory_space<vmem>> -> memref<128x32xf32, #tpu.memory_space<vmem>>
      %dma_wait3A_500 = arith.constant 0 : i32
      %dma_wait3A_501 = tpu.memref_slice %arg8[%add3A_363, %dma_wait3A_500] : memref<80x128xi32, #tpu.memory_space<vmem>> -> memref<1x128xi32, #tpu.memory_space<vmem>>
      %dma_wait3A_502 = tpu.memref_squeeze %dma_wait3A_501 : memref<1x128xi32, #tpu.memory_space<vmem>> -> memref<128xi32, #tpu.memory_space<vmem>>
      %dma_wait3A_503 = arith.constant 0 : i32
      %dma_wait3A_504 = arith.constant 0 : i32
      %dma_wait3A_505 = tpu.memref_slice %arg10[%dma_wait3A_503, %dma_wait3A_504] : memref<10240x32xf32, #tpu.memory_space<vmem_shared>> -> memref<10240x32xf32, #tpu.memory_space<vmem_shared>>
      %dma_wait3A_506 = tpu.memref_slice %arg12[%dma_wait3A_495] : memref<8x!tpu.dma_semaphore, #tpu.memory_space<semaphore_mem>> -> memref<1x!tpu.dma_semaphore, #tpu.memory_space<semaphore_mem>>
      %dma_wait3A_507 = tpu.memref_squeeze %dma_wait3A_506 : memref<1x!tpu.dma_semaphore, #tpu.memory_space<semaphore_mem>> -> memref<!tpu.dma_semaphore, #tpu.memory_space<semaphore_mem>>
      tpu.wait_indirect_dma semaphore(%dma_wait3A_507 : memref<!tpu.dma_semaphore, #tpu.memory_space<semaphore_mem>>) src(%dma_wait3A_499 : memref<128x32xf32, #tpu.memory_space<vmem>>) dst(%dma_wait3A_505 : memref<10240x32xf32, #tpu.memory_space<vmem_shared>>)
      %dma_wait3A_508 = arith.constant 7 : i32
      %dma_wait3A_509 = arith.constant 7 : i32
      %dma_wait3A_510 = arith.constant 0 : i32
      %dma_wait3A_511 = arith.constant 0 : i32
      %dma_wait3A_512 = tpu.memref_slice %arg9[%dma_wait3A_508, %dma_wait3A_510, %dma_wait3A_511] : memref<8x128x32xf32, #tpu.memory_space<vmem>> -> memref<1x128x32xf32, #tpu.memory_space<vmem>>
      %dma_wait3A_513 = tpu.memref_squeeze %dma_wait3A_512 : memref<1x128x32xf32, #tpu.memory_space<vmem>> -> memref<128x32xf32, #tpu.memory_space<vmem>>
      %dma_wait3A_514 = arith.constant 0 : i32
      %dma_wait3A_515 = tpu.memref_slice %arg8[%add3A_395, %dma_wait3A_514] : memref<80x128xi32, #tpu.memory_space<vmem>> -> memref<1x128xi32, #tpu.memory_space<vmem>>
      %dma_wait3A_516 = tpu.memref_squeeze %dma_wait3A_515 : memref<1x128xi32, #tpu.memory_space<vmem>> -> memref<128xi32, #tpu.memory_space<vmem>>
      %dma_wait3A_517 = arith.constant 0 : i32
      %dma_wait3A_518 = arith.constant 0 : i32
      %dma_wait3A_519 = tpu.memref_slice %arg10[%dma_wait3A_517, %dma_wait3A_518] : memref<10240x32xf32, #tpu.memory_space<vmem_shared>> -> memref<10240x32xf32, #tpu.memory_space<vmem_shared>>
      %dma_wait3A_520 = tpu.memref_slice %arg12[%dma_wait3A_509] : memref<8x!tpu.dma_semaphore, #tpu.memory_space<semaphore_mem>> -> memref<1x!tpu.dma_semaphore, #tpu.memory_space<semaphore_mem>>
      %dma_wait3A_521 = tpu.memref_squeeze %dma_wait3A_520 : memref<1x!tpu.dma_semaphore, #tpu.memory_space<semaphore_mem>> -> memref<!tpu.dma_semaphore, #tpu.memory_space<semaphore_mem>>
      tpu.wait_indirect_dma semaphore(%dma_wait3A_521 : memref<!tpu.dma_semaphore, #tpu.memory_space<semaphore_mem>>) src(%dma_wait3A_513 : memref<128x32xf32, #tpu.memory_space<vmem>>) dst(%dma_wait3A_519 : memref<10240x32xf32, #tpu.memory_space<vmem_shared>>)
    }
    %scan3A_9 = arith.constant 10 : i32
    %barrier3A_10 = arith.constant 0 : index
    tpu.barrier barrier_id(%barrier3A_10)
    "tpu.region"() ({
      %run_scoped3A = tpu.sem_alloc : memref<!tpu.dma_semaphore, #tpu.memory_space<semaphore_mem>>
      %dma_start3A = arith.constant 0 : i32
      %dma_start3A_11 = tpu.memref_slice %arg6[%arg0, %mul3A_4, %dma_start3A] : memref<2x10240x32xf32, #tpu.memory_space<hbm>> -> memref<1x640x32xf32, #tpu.memory_space<hbm>>
      %dma_start3A_12 = tpu.memref_squeeze %dma_start3A_11 : memref<1x640x32xf32, #tpu.memory_space<hbm>> -> memref<640x32xf32, #tpu.memory_space<hbm>>
      %dma_start3A_13 = arith.constant 0 : i32
      %dma_start3A_14 = tpu.memref_slice %arg10[%mul3A_4, %dma_start3A_13] : memref<10240x32xf32, #tpu.memory_space<vmem_shared>> -> memref<640x32xf32, #tpu.memory_space<vmem_shared>>
      tpu.enqueue_dma source(%dma_start3A_14 : memref<640x32xf32, #tpu.memory_space<vmem_shared>>) target(%dma_start3A_12 : memref<640x32xf32, #tpu.memory_space<hbm>>) target_semaphore(%run_scoped3A : memref<!tpu.dma_semaphore, #tpu.memory_space<semaphore_mem>>)
      %dma_wait3A = arith.constant 0 : i32
      %dma_wait3A_15 = tpu.memref_slice %arg6[%arg0, %mul3A_4, %dma_wait3A] : memref<2x10240x32xf32, #tpu.memory_space<hbm>> -> memref<1x640x32xf32, #tpu.memory_space<hbm>>
      %dma_wait3A_16 = tpu.memref_squeeze %dma_wait3A_15 : memref<1x640x32xf32, #tpu.memory_space<hbm>> -> memref<640x32xf32, #tpu.memory_space<hbm>>
      %dma_wait3A_17 = arith.constant 0 : i32
      %dma_wait3A_18 = tpu.memref_slice %arg10[%mul3A_4, %dma_wait3A_17] : memref<10240x32xf32, #tpu.memory_space<vmem_shared>> -> memref<640x32xf32, #tpu.memory_space<vmem_shared>>
      tpu.wait_dma2 semaphore(%run_scoped3A : memref<!tpu.dma_semaphore, #tpu.memory_space<semaphore_mem>>) src(%dma_wait3A_18 : memref<640x32xf32, #tpu.memory_space<vmem_shared>>) dst(%dma_wait3A_16 : memref<640x32xf32, #tpu.memory_space<hbm>>)
      tpu.yield
    }) : () -> ()
    return
  }
}

#map = affine_map<(d0, d1) -> (0, 0)>
#map1 = affine_map<(d0, d1) -> (0, 0, 0)>
module attributes {stable_mosaic.version = 14 : i64} {
  func.func @agg_kernel(%arg0: i32, %arg1: i32, %arg2: memref<2560x128xi32, #tpu.memory_space<hbm>>, %arg3: memref<2560x128xi32, #tpu.memory_space<hbm>>, %arg4: memref<10240x64xf32, #tpu.memory_space<hbm>>, %arg5: memref<10240x64xf32, #tpu.memory_space<hbm>>, %arg6: memref<2x10240x64xf32, #tpu.memory_space<hbm>>, %arg7: memref<80x128xi32, #tpu.memory_space<vmem>>, %arg8: memref<80x128xi32, #tpu.memory_space<vmem>>, %arg9: memref<8x128x64xf32, #tpu.memory_space<vmem>>, %arg10: memref<10240x64xf32, #tpu.memory_space<vmem_shared>>, %arg11: memref<8x!tpu.dma_semaphore, #tpu.memory_space<semaphore_mem>>, %arg12: memref<8x!tpu.dma_semaphore, #tpu.memory_space<semaphore_mem>>) attributes {dimension_semantics = [#tpu.dimension_semantics<core_parallel>, #tpu.dimension_semantics<subcore_parallel>], iteration_bounds = array<i64: 2, 16>, scalar_prefetch = 0 : i64, scratch_operands = 6 : i64, tpu.core_type = #tpu.core_type<sc_vector_subcore>, window_params = [{transform_indices = #map}, {transform_indices = #map}, {transform_indices = #map}, {transform_indices = #map}, {transform_indices = #map1}]} {
    %mul3A = arith.constant 16 : i32
    %mul3A_0 = arith.muli %arg0, %mul3A : i32
    %add3A = arith.addi %mul3A_0, %arg1 : i32
    %mul3A_1 = arith.constant 80 : i32
    %mul3A_2 = arith.muli %add3A, %mul3A_1 : i32
    %mul3A_3 = arith.constant 640 : i32
    %mul3A_4 = arith.muli %arg1, %mul3A_3 : i32
    "tpu.region"() ({
      %run_scoped3A = tpu.sem_alloc : memref<!tpu.dma_semaphore, #tpu.memory_space<semaphore_mem>>
      %dma_start3A = arith.constant 0 : i32
      %dma_start3A_11 = tpu.memref_slice %arg10[%mul3A_4, %dma_start3A] : memref<10240x64xf32, #tpu.memory_space<vmem_shared>> -> memref<640x64xf32, #tpu.memory_space<vmem_shared>>
      %dma_start3A_12 = arith.constant 0 : i32
      %dma_start3A_13 = tpu.memref_slice %arg5[%mul3A_4, %dma_start3A_12] : memref<10240x64xf32, #tpu.memory_space<hbm>> -> memref<640x64xf32, #tpu.memory_space<hbm>>
      tpu.enqueue_dma source(%dma_start3A_13 : memref<640x64xf32, #tpu.memory_space<hbm>>) target(%dma_start3A_11 : memref<640x64xf32, #tpu.memory_space<vmem_shared>>) target_semaphore(%run_scoped3A : memref<!tpu.dma_semaphore, #tpu.memory_space<semaphore_mem>>)
      %dma_wait3A = arith.constant 0 : i32
      %dma_wait3A_14 = tpu.memref_slice %arg10[%mul3A_4, %dma_wait3A] : memref<10240x64xf32, #tpu.memory_space<vmem_shared>> -> memref<640x64xf32, #tpu.memory_space<vmem_shared>>
      %dma_wait3A_15 = arith.constant 0 : i32
      %dma_wait3A_16 = tpu.memref_slice %arg5[%mul3A_4, %dma_wait3A_15] : memref<10240x64xf32, #tpu.memory_space<hbm>> -> memref<640x64xf32, #tpu.memory_space<hbm>>
      tpu.wait_dma2 semaphore(%run_scoped3A : memref<!tpu.dma_semaphore, #tpu.memory_space<semaphore_mem>>) src(%dma_wait3A_16 : memref<640x64xf32, #tpu.memory_space<hbm>>) dst(%dma_wait3A_14 : memref<640x64xf32, #tpu.memory_space<vmem_shared>>)
      tpu.yield
    }) : () -> ()
    "tpu.region"() ({
      %run_scoped3A = tpu.sem_alloc : memref<!tpu.dma_semaphore, #tpu.memory_space<semaphore_mem>>
      %dma_start3A = arith.constant 0 : i32
      %dma_start3A_11 = tpu.memref_slice %arg2[%mul3A_2, %dma_start3A] : memref<2560x128xi32, #tpu.memory_space<hbm>> -> memref<80x128xi32, #tpu.memory_space<hbm>>
      %dma_start3A_12 = arith.constant 0 : i32
      %dma_start3A_13 = tpu.memref_slice %arg2[%mul3A_2, %dma_start3A_12] : memref<2560x128xi32, #tpu.memory_space<hbm>> -> memref<80x128xi32, #tpu.memory_space<hbm>>
      tpu.enqueue_dma source(%dma_start3A_13 : memref<80x128xi32, #tpu.memory_space<hbm>>) target(%arg7 : memref<80x128xi32, #tpu.memory_space<vmem>>) target_semaphore(%run_scoped3A : memref<!tpu.dma_semaphore, #tpu.memory_space<semaphore_mem>>)
      %dma_wait3A = arith.constant 0 : i32
      %dma_wait3A_14 = tpu.memref_slice %arg2[%mul3A_2, %dma_wait3A] : memref<2560x128xi32, #tpu.memory_space<hbm>> -> memref<80x128xi32, #tpu.memory_space<hbm>>
      %dma_wait3A_15 = arith.constant 0 : i32
      %dma_wait3A_16 = tpu.memref_slice %arg2[%mul3A_2, %dma_wait3A_15] : memref<2560x128xi32, #tpu.memory_space<hbm>> -> memref<80x128xi32, #tpu.memory_space<hbm>>
      tpu.wait_dma2 semaphore(%run_scoped3A : memref<!tpu.dma_semaphore, #tpu.memory_space<semaphore_mem>>) src(%dma_wait3A_16 : memref<80x128xi32, #tpu.memory_space<hbm>>) dst(%arg7 : memref<80x128xi32, #tpu.memory_space<vmem>>)
      tpu.yield
    }) : () -> ()
    "tpu.region"() ({
      %run_scoped3A = tpu.sem_alloc : memref<!tpu.dma_semaphore, #tpu.memory_space<semaphore_mem>>
      %dma_start3A = arith.constant 0 : i32
      %dma_start3A_11 = tpu.memref_slice %arg3[%mul3A_2, %dma_start3A] : memref<2560x128xi32, #tpu.memory_space<hbm>> -> memref<80x128xi32, #tpu.memory_space<hbm>>
      %dma_start3A_12 = arith.constant 0 : i32
      %dma_start3A_13 = tpu.memref_slice %arg3[%mul3A_2, %dma_start3A_12] : memref<2560x128xi32, #tpu.memory_space<hbm>> -> memref<80x128xi32, #tpu.memory_space<hbm>>
      tpu.enqueue_dma source(%dma_start3A_13 : memref<80x128xi32, #tpu.memory_space<hbm>>) target(%arg8 : memref<80x128xi32, #tpu.memory_space<vmem>>) target_semaphore(%run_scoped3A : memref<!tpu.dma_semaphore, #tpu.memory_space<semaphore_mem>>)
      %dma_wait3A = arith.constant 0 : i32
      %dma_wait3A_14 = tpu.memref_slice %arg3[%mul3A_2, %dma_wait3A] : memref<2560x128xi32, #tpu.memory_space<hbm>> -> memref<80x128xi32, #tpu.memory_space<hbm>>
      %dma_wait3A_15 = arith.constant 0 : i32
      %dma_wait3A_16 = tpu.memref_slice %arg3[%mul3A_2, %dma_wait3A_15] : memref<2560x128xi32, #tpu.memory_space<hbm>> -> memref<80x128xi32, #tpu.memory_space<hbm>>
      tpu.wait_dma2 semaphore(%run_scoped3A : memref<!tpu.dma_semaphore, #tpu.memory_space<semaphore_mem>>) src(%dma_wait3A_16 : memref<80x128xi32, #tpu.memory_space<hbm>>) dst(%arg8 : memref<80x128xi32, #tpu.memory_space<vmem>>)
      tpu.yield
    }) : () -> ()
    %barrier3A = arith.constant 0 : index
    tpu.barrier barrier_id(%barrier3A)
    %scan3A = arith.constant 0 : i32
    %scan3A_5 = arith.constant 0 : i32
    %scan3A_6 = arith.constant 10 : i32
    %scan3A_7 = arith.addi %scan3A_5, %scan3A_6 : i32
    %scan3A_8 = arith.constant 1 : i32
    scf.for %scan3A_11 = %scan3A_5 to %scan3A_7 step %scan3A_8  : i32 {
      %mul3A_12 = arith.constant 8 : i32
      %mul3A_13 = arith.muli %scan3A_11, %mul3A_12 : i32
      %add3A_14 = arith.constant 0 : i32
      %add3A_15 = arith.addi %mul3A_13, %add3A_14 : i32
      %dma_start3A = arith.constant 0 : i32
      %dma_start3A_16 = arith.constant 0 : i32
      %dma_start3A_17 = arith.constant 0 : i32
      %dma_start3A_18 = arith.constant 0 : i32
      %dma_start3A_19 = tpu.memref_slice %arg9[%dma_start3A, %dma_start3A_17, %dma_start3A_18] : memref<8x128x64xf32, #tpu.memory_space<vmem>> -> memref<1x128x64xf32, #tpu.memory_space<vmem>>
      %dma_start3A_20 = tpu.memref_squeeze %dma_start3A_19 : memref<1x128x64xf32, #tpu.memory_space<vmem>> -> memref<128x64xf32, #tpu.memory_space<vmem>>
      %dma_start3A_21 = arith.constant 0 : i32
      %dma_start3A_22 = tpu.memref_slice %arg7[%add3A_15, %dma_start3A_21] : memref<80x128xi32, #tpu.memory_space<vmem>> -> memref<1x128xi32, #tpu.memory_space<vmem>>
      %dma_start3A_23 = tpu.memref_squeeze %dma_start3A_22 : memref<1x128xi32, #tpu.memory_space<vmem>> -> memref<128xi32, #tpu.memory_space<vmem>>
      %dma_start3A_24 = arith.constant 0 : i32
      %dma_start3A_25 = arith.constant 0 : i32
      %dma_start3A_26 = tpu.memref_slice %arg4[%dma_start3A_24, %dma_start3A_25] : memref<10240x64xf32, #tpu.memory_space<hbm>> -> memref<10240x64xf32, #tpu.memory_space<hbm>>
      %dma_start3A_27 = tpu.memref_slice %arg11[%dma_start3A_16] : memref<8x!tpu.dma_semaphore, #tpu.memory_space<semaphore_mem>> -> memref<1x!tpu.dma_semaphore, #tpu.memory_space<semaphore_mem>>
      %dma_start3A_28 = tpu.memref_squeeze %dma_start3A_27 : memref<1x!tpu.dma_semaphore, #tpu.memory_space<semaphore_mem>> -> memref<!tpu.dma_semaphore, #tpu.memory_space<semaphore_mem>>
      tpu.enqueue_indirect_dma source(%dma_start3A_26 : memref<10240x64xf32, #tpu.memory_space<hbm>>) target(%dma_start3A_20 : memref<128x64xf32, #tpu.memory_space<vmem>>) offsets(%dma_start3A_23 : memref<128xi32, #tpu.memory_space<vmem>>) semaphore(%dma_start3A_28 : memref<!tpu.dma_semaphore, #tpu.memory_space<semaphore_mem>>)
      %mul3A_29 = arith.constant 8 : i32
      %mul3A_30 = arith.muli %scan3A_11, %mul3A_29 : i32
      %add3A_31 = arith.constant 1 : i32
      %add3A_32 = arith.addi %mul3A_30, %add3A_31 : i32
      %dma_start3A_33 = arith.constant 1 : i32
      %dma_start3A_34 = arith.constant 1 : i32
      %dma_start3A_35 = arith.constant 0 : i32
      %dma_start3A_36 = arith.constant 0 : i32
      %dma_start3A_37 = tpu.memref_slice %arg9[%dma_start3A_33, %dma_start3A_35, %dma_start3A_36] : memref<8x128x64xf32, #tpu.memory_space<vmem>> -> memref<1x128x64xf32, #tpu.memory_space<vmem>>
      %dma_start3A_38 = tpu.memref_squeeze %dma_start3A_37 : memref<1x128x64xf32, #tpu.memory_space<vmem>> -> memref<128x64xf32, #tpu.memory_space<vmem>>
      %dma_start3A_39 = arith.constant 0 : i32
      %dma_start3A_40 = tpu.memref_slice %arg7[%add3A_32, %dma_start3A_39] : memref<80x128xi32, #tpu.memory_space<vmem>> -> memref<1x128xi32, #tpu.memory_space<vmem>>
      %dma_start3A_41 = tpu.memref_squeeze %dma_start3A_40 : memref<1x128xi32, #tpu.memory_space<vmem>> -> memref<128xi32, #tpu.memory_space<vmem>>
      %dma_start3A_42 = arith.constant 0 : i32
      %dma_start3A_43 = arith.constant 0 : i32
      %dma_start3A_44 = tpu.memref_slice %arg4[%dma_start3A_42, %dma_start3A_43] : memref<10240x64xf32, #tpu.memory_space<hbm>> -> memref<10240x64xf32, #tpu.memory_space<hbm>>
      %dma_start3A_45 = tpu.memref_slice %arg11[%dma_start3A_34] : memref<8x!tpu.dma_semaphore, #tpu.memory_space<semaphore_mem>> -> memref<1x!tpu.dma_semaphore, #tpu.memory_space<semaphore_mem>>
      %dma_start3A_46 = tpu.memref_squeeze %dma_start3A_45 : memref<1x!tpu.dma_semaphore, #tpu.memory_space<semaphore_mem>> -> memref<!tpu.dma_semaphore, #tpu.memory_space<semaphore_mem>>
      tpu.enqueue_indirect_dma source(%dma_start3A_44 : memref<10240x64xf32, #tpu.memory_space<hbm>>) target(%dma_start3A_38 : memref<128x64xf32, #tpu.memory_space<vmem>>) offsets(%dma_start3A_41 : memref<128xi32, #tpu.memory_space<vmem>>) semaphore(%dma_start3A_46 : memref<!tpu.dma_semaphore, #tpu.memory_space<semaphore_mem>>)
      %mul3A_47 = arith.constant 8 : i32
      %mul3A_48 = arith.muli %scan3A_11, %mul3A_47 : i32
      %add3A_49 = arith.constant 2 : i32
      %add3A_50 = arith.addi %mul3A_48, %add3A_49 : i32
      %dma_start3A_51 = arith.constant 2 : i32
      %dma_start3A_52 = arith.constant 2 : i32
      %dma_start3A_53 = arith.constant 0 : i32
      %dma_start3A_54 = arith.constant 0 : i32
      %dma_start3A_55 = tpu.memref_slice %arg9[%dma_start3A_51, %dma_start3A_53, %dma_start3A_54] : memref<8x128x64xf32, #tpu.memory_space<vmem>> -> memref<1x128x64xf32, #tpu.memory_space<vmem>>
      %dma_start3A_56 = tpu.memref_squeeze %dma_start3A_55 : memref<1x128x64xf32, #tpu.memory_space<vmem>> -> memref<128x64xf32, #tpu.memory_space<vmem>>
      %dma_start3A_57 = arith.constant 0 : i32
      %dma_start3A_58 = tpu.memref_slice %arg7[%add3A_50, %dma_start3A_57] : memref<80x128xi32, #tpu.memory_space<vmem>> -> memref<1x128xi32, #tpu.memory_space<vmem>>
      %dma_start3A_59 = tpu.memref_squeeze %dma_start3A_58 : memref<1x128xi32, #tpu.memory_space<vmem>> -> memref<128xi32, #tpu.memory_space<vmem>>
      %dma_start3A_60 = arith.constant 0 : i32
      %dma_start3A_61 = arith.constant 0 : i32
      %dma_start3A_62 = tpu.memref_slice %arg4[%dma_start3A_60, %dma_start3A_61] : memref<10240x64xf32, #tpu.memory_space<hbm>> -> memref<10240x64xf32, #tpu.memory_space<hbm>>
      %dma_start3A_63 = tpu.memref_slice %arg11[%dma_start3A_52] : memref<8x!tpu.dma_semaphore, #tpu.memory_space<semaphore_mem>> -> memref<1x!tpu.dma_semaphore, #tpu.memory_space<semaphore_mem>>
      %dma_start3A_64 = tpu.memref_squeeze %dma_start3A_63 : memref<1x!tpu.dma_semaphore, #tpu.memory_space<semaphore_mem>> -> memref<!tpu.dma_semaphore, #tpu.memory_space<semaphore_mem>>
      tpu.enqueue_indirect_dma source(%dma_start3A_62 : memref<10240x64xf32, #tpu.memory_space<hbm>>) target(%dma_start3A_56 : memref<128x64xf32, #tpu.memory_space<vmem>>) offsets(%dma_start3A_59 : memref<128xi32, #tpu.memory_space<vmem>>) semaphore(%dma_start3A_64 : memref<!tpu.dma_semaphore, #tpu.memory_space<semaphore_mem>>)
      %mul3A_65 = arith.constant 8 : i32
      %mul3A_66 = arith.muli %scan3A_11, %mul3A_65 : i32
      %add3A_67 = arith.constant 3 : i32
      %add3A_68 = arith.addi %mul3A_66, %add3A_67 : i32
      %dma_start3A_69 = arith.constant 3 : i32
      %dma_start3A_70 = arith.constant 3 : i32
      %dma_start3A_71 = arith.constant 0 : i32
      %dma_start3A_72 = arith.constant 0 : i32
      %dma_start3A_73 = tpu.memref_slice %arg9[%dma_start3A_69, %dma_start3A_71, %dma_start3A_72] : memref<8x128x64xf32, #tpu.memory_space<vmem>> -> memref<1x128x64xf32, #tpu.memory_space<vmem>>
      %dma_start3A_74 = tpu.memref_squeeze %dma_start3A_73 : memref<1x128x64xf32, #tpu.memory_space<vmem>> -> memref<128x64xf32, #tpu.memory_space<vmem>>
      %dma_start3A_75 = arith.constant 0 : i32
      %dma_start3A_76 = tpu.memref_slice %arg7[%add3A_68, %dma_start3A_75] : memref<80x128xi32, #tpu.memory_space<vmem>> -> memref<1x128xi32, #tpu.memory_space<vmem>>
      %dma_start3A_77 = tpu.memref_squeeze %dma_start3A_76 : memref<1x128xi32, #tpu.memory_space<vmem>> -> memref<128xi32, #tpu.memory_space<vmem>>
      %dma_start3A_78 = arith.constant 0 : i32
      %dma_start3A_79 = arith.constant 0 : i32
      %dma_start3A_80 = tpu.memref_slice %arg4[%dma_start3A_78, %dma_start3A_79] : memref<10240x64xf32, #tpu.memory_space<hbm>> -> memref<10240x64xf32, #tpu.memory_space<hbm>>
      %dma_start3A_81 = tpu.memref_slice %arg11[%dma_start3A_70] : memref<8x!tpu.dma_semaphore, #tpu.memory_space<semaphore_mem>> -> memref<1x!tpu.dma_semaphore, #tpu.memory_space<semaphore_mem>>
      %dma_start3A_82 = tpu.memref_squeeze %dma_start3A_81 : memref<1x!tpu.dma_semaphore, #tpu.memory_space<semaphore_mem>> -> memref<!tpu.dma_semaphore, #tpu.memory_space<semaphore_mem>>
      tpu.enqueue_indirect_dma source(%dma_start3A_80 : memref<10240x64xf32, #tpu.memory_space<hbm>>) target(%dma_start3A_74 : memref<128x64xf32, #tpu.memory_space<vmem>>) offsets(%dma_start3A_77 : memref<128xi32, #tpu.memory_space<vmem>>) semaphore(%dma_start3A_82 : memref<!tpu.dma_semaphore, #tpu.memory_space<semaphore_mem>>)
      %mul3A_83 = arith.constant 8 : i32
      %mul3A_84 = arith.muli %scan3A_11, %mul3A_83 : i32
      %add3A_85 = arith.constant 4 : i32
      %add3A_86 = arith.addi %mul3A_84, %add3A_85 : i32
      %dma_start3A_87 = arith.constant 4 : i32
      %dma_start3A_88 = arith.constant 4 : i32
      %dma_start3A_89 = arith.constant 0 : i32
      %dma_start3A_90 = arith.constant 0 : i32
      %dma_start3A_91 = tpu.memref_slice %arg9[%dma_start3A_87, %dma_start3A_89, %dma_start3A_90] : memref<8x128x64xf32, #tpu.memory_space<vmem>> -> memref<1x128x64xf32, #tpu.memory_space<vmem>>
      %dma_start3A_92 = tpu.memref_squeeze %dma_start3A_91 : memref<1x128x64xf32, #tpu.memory_space<vmem>> -> memref<128x64xf32, #tpu.memory_space<vmem>>
      %dma_start3A_93 = arith.constant 0 : i32
      %dma_start3A_94 = tpu.memref_slice %arg7[%add3A_86, %dma_start3A_93] : memref<80x128xi32, #tpu.memory_space<vmem>> -> memref<1x128xi32, #tpu.memory_space<vmem>>
      %dma_start3A_95 = tpu.memref_squeeze %dma_start3A_94 : memref<1x128xi32, #tpu.memory_space<vmem>> -> memref<128xi32, #tpu.memory_space<vmem>>
      %dma_start3A_96 = arith.constant 0 : i32
      %dma_start3A_97 = arith.constant 0 : i32
      %dma_start3A_98 = tpu.memref_slice %arg4[%dma_start3A_96, %dma_start3A_97] : memref<10240x64xf32, #tpu.memory_space<hbm>> -> memref<10240x64xf32, #tpu.memory_space<hbm>>
      %dma_start3A_99 = tpu.memref_slice %arg11[%dma_start3A_88] : memref<8x!tpu.dma_semaphore, #tpu.memory_space<semaphore_mem>> -> memref<1x!tpu.dma_semaphore, #tpu.memory_space<semaphore_mem>>
      %dma_start3A_100 = tpu.memref_squeeze %dma_start3A_99 : memref<1x!tpu.dma_semaphore, #tpu.memory_space<semaphore_mem>> -> memref<!tpu.dma_semaphore, #tpu.memory_space<semaphore_mem>>
      tpu.enqueue_indirect_dma source(%dma_start3A_98 : memref<10240x64xf32, #tpu.memory_space<hbm>>) target(%dma_start3A_92 : memref<128x64xf32, #tpu.memory_space<vmem>>) offsets(%dma_start3A_95 : memref<128xi32, #tpu.memory_space<vmem>>) semaphore(%dma_start3A_100 : memref<!tpu.dma_semaphore, #tpu.memory_space<semaphore_mem>>)
      %mul3A_101 = arith.constant 8 : i32
      %mul3A_102 = arith.muli %scan3A_11, %mul3A_101 : i32
      %add3A_103 = arith.constant 5 : i32
      %add3A_104 = arith.addi %mul3A_102, %add3A_103 : i32
      %dma_start3A_105 = arith.constant 5 : i32
      %dma_start3A_106 = arith.constant 5 : i32
      %dma_start3A_107 = arith.constant 0 : i32
      %dma_start3A_108 = arith.constant 0 : i32
      %dma_start3A_109 = tpu.memref_slice %arg9[%dma_start3A_105, %dma_start3A_107, %dma_start3A_108] : memref<8x128x64xf32, #tpu.memory_space<vmem>> -> memref<1x128x64xf32, #tpu.memory_space<vmem>>
      %dma_start3A_110 = tpu.memref_squeeze %dma_start3A_109 : memref<1x128x64xf32, #tpu.memory_space<vmem>> -> memref<128x64xf32, #tpu.memory_space<vmem>>
      %dma_start3A_111 = arith.constant 0 : i32
      %dma_start3A_112 = tpu.memref_slice %arg7[%add3A_104, %dma_start3A_111] : memref<80x128xi32, #tpu.memory_space<vmem>> -> memref<1x128xi32, #tpu.memory_space<vmem>>
      %dma_start3A_113 = tpu.memref_squeeze %dma_start3A_112 : memref<1x128xi32, #tpu.memory_space<vmem>> -> memref<128xi32, #tpu.memory_space<vmem>>
      %dma_start3A_114 = arith.constant 0 : i32
      %dma_start3A_115 = arith.constant 0 : i32
      %dma_start3A_116 = tpu.memref_slice %arg4[%dma_start3A_114, %dma_start3A_115] : memref<10240x64xf32, #tpu.memory_space<hbm>> -> memref<10240x64xf32, #tpu.memory_space<hbm>>
      %dma_start3A_117 = tpu.memref_slice %arg11[%dma_start3A_106] : memref<8x!tpu.dma_semaphore, #tpu.memory_space<semaphore_mem>> -> memref<1x!tpu.dma_semaphore, #tpu.memory_space<semaphore_mem>>
      %dma_start3A_118 = tpu.memref_squeeze %dma_start3A_117 : memref<1x!tpu.dma_semaphore, #tpu.memory_space<semaphore_mem>> -> memref<!tpu.dma_semaphore, #tpu.memory_space<semaphore_mem>>
      tpu.enqueue_indirect_dma source(%dma_start3A_116 : memref<10240x64xf32, #tpu.memory_space<hbm>>) target(%dma_start3A_110 : memref<128x64xf32, #tpu.memory_space<vmem>>) offsets(%dma_start3A_113 : memref<128xi32, #tpu.memory_space<vmem>>) semaphore(%dma_start3A_118 : memref<!tpu.dma_semaphore, #tpu.memory_space<semaphore_mem>>)
      %mul3A_119 = arith.constant 8 : i32
      %mul3A_120 = arith.muli %scan3A_11, %mul3A_119 : i32
      %add3A_121 = arith.constant 6 : i32
      %add3A_122 = arith.addi %mul3A_120, %add3A_121 : i32
      %dma_start3A_123 = arith.constant 6 : i32
      %dma_start3A_124 = arith.constant 6 : i32
      %dma_start3A_125 = arith.constant 0 : i32
      %dma_start3A_126 = arith.constant 0 : i32
      %dma_start3A_127 = tpu.memref_slice %arg9[%dma_start3A_123, %dma_start3A_125, %dma_start3A_126] : memref<8x128x64xf32, #tpu.memory_space<vmem>> -> memref<1x128x64xf32, #tpu.memory_space<vmem>>
      %dma_start3A_128 = tpu.memref_squeeze %dma_start3A_127 : memref<1x128x64xf32, #tpu.memory_space<vmem>> -> memref<128x64xf32, #tpu.memory_space<vmem>>
      %dma_start3A_129 = arith.constant 0 : i32
      %dma_start3A_130 = tpu.memref_slice %arg7[%add3A_122, %dma_start3A_129] : memref<80x128xi32, #tpu.memory_space<vmem>> -> memref<1x128xi32, #tpu.memory_space<vmem>>
      %dma_start3A_131 = tpu.memref_squeeze %dma_start3A_130 : memref<1x128xi32, #tpu.memory_space<vmem>> -> memref<128xi32, #tpu.memory_space<vmem>>
      %dma_start3A_132 = arith.constant 0 : i32
      %dma_start3A_133 = arith.constant 0 : i32
      %dma_start3A_134 = tpu.memref_slice %arg4[%dma_start3A_132, %dma_start3A_133] : memref<10240x64xf32, #tpu.memory_space<hbm>> -> memref<10240x64xf32, #tpu.memory_space<hbm>>
      %dma_start3A_135 = tpu.memref_slice %arg11[%dma_start3A_124] : memref<8x!tpu.dma_semaphore, #tpu.memory_space<semaphore_mem>> -> memref<1x!tpu.dma_semaphore, #tpu.memory_space<semaphore_mem>>
      %dma_start3A_136 = tpu.memref_squeeze %dma_start3A_135 : memref<1x!tpu.dma_semaphore, #tpu.memory_space<semaphore_mem>> -> memref<!tpu.dma_semaphore, #tpu.memory_space<semaphore_mem>>
      tpu.enqueue_indirect_dma source(%dma_start3A_134 : memref<10240x64xf32, #tpu.memory_space<hbm>>) target(%dma_start3A_128 : memref<128x64xf32, #tpu.memory_space<vmem>>) offsets(%dma_start3A_131 : memref<128xi32, #tpu.memory_space<vmem>>) semaphore(%dma_start3A_136 : memref<!tpu.dma_semaphore, #tpu.memory_space<semaphore_mem>>)
      %mul3A_137 = arith.constant 8 : i32
      %mul3A_138 = arith.muli %scan3A_11, %mul3A_137 : i32
      %add3A_139 = arith.constant 7 : i32
      %add3A_140 = arith.addi %mul3A_138, %add3A_139 : i32
      %dma_start3A_141 = arith.constant 7 : i32
      %dma_start3A_142 = arith.constant 7 : i32
      %dma_start3A_143 = arith.constant 0 : i32
      %dma_start3A_144 = arith.constant 0 : i32
      %dma_start3A_145 = tpu.memref_slice %arg9[%dma_start3A_141, %dma_start3A_143, %dma_start3A_144] : memref<8x128x64xf32, #tpu.memory_space<vmem>> -> memref<1x128x64xf32, #tpu.memory_space<vmem>>
      %dma_start3A_146 = tpu.memref_squeeze %dma_start3A_145 : memref<1x128x64xf32, #tpu.memory_space<vmem>> -> memref<128x64xf32, #tpu.memory_space<vmem>>
      %dma_start3A_147 = arith.constant 0 : i32
      %dma_start3A_148 = tpu.memref_slice %arg7[%add3A_140, %dma_start3A_147] : memref<80x128xi32, #tpu.memory_space<vmem>> -> memref<1x128xi32, #tpu.memory_space<vmem>>
      %dma_start3A_149 = tpu.memref_squeeze %dma_start3A_148 : memref<1x128xi32, #tpu.memory_space<vmem>> -> memref<128xi32, #tpu.memory_space<vmem>>
      %dma_start3A_150 = arith.constant 0 : i32
      %dma_start3A_151 = arith.constant 0 : i32
      %dma_start3A_152 = tpu.memref_slice %arg4[%dma_start3A_150, %dma_start3A_151] : memref<10240x64xf32, #tpu.memory_space<hbm>> -> memref<10240x64xf32, #tpu.memory_space<hbm>>
      %dma_start3A_153 = tpu.memref_slice %arg11[%dma_start3A_142] : memref<8x!tpu.dma_semaphore, #tpu.memory_space<semaphore_mem>> -> memref<1x!tpu.dma_semaphore, #tpu.memory_space<semaphore_mem>>
      %dma_start3A_154 = tpu.memref_squeeze %dma_start3A_153 : memref<1x!tpu.dma_semaphore, #tpu.memory_space<semaphore_mem>> -> memref<!tpu.dma_semaphore, #tpu.memory_space<semaphore_mem>>
      tpu.enqueue_indirect_dma source(%dma_start3A_152 : memref<10240x64xf32, #tpu.memory_space<hbm>>) target(%dma_start3A_146 : memref<128x64xf32, #tpu.memory_space<vmem>>) offsets(%dma_start3A_149 : memref<128xi32, #tpu.memory_space<vmem>>) semaphore(%dma_start3A_154 : memref<!tpu.dma_semaphore, #tpu.memory_space<semaphore_mem>>)
      %dma_wait3A = arith.constant 0 : i32
      %dma_wait3A_155 = arith.constant 0 : i32
      %dma_wait3A_156 = arith.constant 0 : i32
      %dma_wait3A_157 = arith.constant 0 : i32
      %dma_wait3A_158 = tpu.memref_slice %arg9[%dma_wait3A, %dma_wait3A_156, %dma_wait3A_157] : memref<8x128x64xf32, #tpu.memory_space<vmem>> -> memref<1x128x64xf32, #tpu.memory_space<vmem>>
      %dma_wait3A_159 = tpu.memref_squeeze %dma_wait3A_158 : memref<1x128x64xf32, #tpu.memory_space<vmem>> -> memref<128x64xf32, #tpu.memory_space<vmem>>
      %dma_wait3A_160 = arith.constant 0 : i32
      %dma_wait3A_161 = tpu.memref_slice %arg7[%add3A_15, %dma_wait3A_160] : memref<80x128xi32, #tpu.memory_space<vmem>> -> memref<1x128xi32, #tpu.memory_space<vmem>>
      %dma_wait3A_162 = tpu.memref_squeeze %dma_wait3A_161 : memref<1x128xi32, #tpu.memory_space<vmem>> -> memref<128xi32, #tpu.memory_space<vmem>>
      %dma_wait3A_163 = arith.constant 0 : i32
      %dma_wait3A_164 = arith.constant 0 : i32
      %dma_wait3A_165 = tpu.memref_slice %arg4[%dma_wait3A_163, %dma_wait3A_164] : memref<10240x64xf32, #tpu.memory_space<hbm>> -> memref<10240x64xf32, #tpu.memory_space<hbm>>
      %dma_wait3A_166 = tpu.memref_slice %arg11[%dma_wait3A_155] : memref<8x!tpu.dma_semaphore, #tpu.memory_space<semaphore_mem>> -> memref<1x!tpu.dma_semaphore, #tpu.memory_space<semaphore_mem>>
      %dma_wait3A_167 = tpu.memref_squeeze %dma_wait3A_166 : memref<1x!tpu.dma_semaphore, #tpu.memory_space<semaphore_mem>> -> memref<!tpu.dma_semaphore, #tpu.memory_space<semaphore_mem>>
      tpu.wait_indirect_dma semaphore(%dma_wait3A_167 : memref<!tpu.dma_semaphore, #tpu.memory_space<semaphore_mem>>) src(%dma_wait3A_165 : memref<10240x64xf32, #tpu.memory_space<hbm>>) dst(%dma_wait3A_159 : memref<128x64xf32, #tpu.memory_space<vmem>>)
      %mul3A_168 = arith.constant 8 : i32
      %mul3A_169 = arith.muli %scan3A_11, %mul3A_168 : i32
      %add3A_170 = arith.constant 0 : i32
      %add3A_171 = arith.addi %mul3A_169, %add3A_170 : i32
      %dma_start3A_172 = arith.constant 0 : i32
      %dma_start3A_173 = arith.constant 0 : i32
      %dma_start3A_174 = arith.constant 0 : i32
      %dma_start3A_175 = arith.constant 0 : i32
      %dma_start3A_176 = tpu.memref_slice %arg9[%dma_start3A_172, %dma_start3A_174, %dma_start3A_175] : memref<8x128x64xf32, #tpu.memory_space<vmem>> -> memref<1x128x64xf32, #tpu.memory_space<vmem>>
      %dma_start3A_177 = tpu.memref_squeeze %dma_start3A_176 : memref<1x128x64xf32, #tpu.memory_space<vmem>> -> memref<128x64xf32, #tpu.memory_space<vmem>>
      %dma_start3A_178 = arith.constant 0 : i32
      %dma_start3A_179 = tpu.memref_slice %arg8[%add3A_171, %dma_start3A_178] : memref<80x128xi32, #tpu.memory_space<vmem>> -> memref<1x128xi32, #tpu.memory_space<vmem>>
      %dma_start3A_180 = tpu.memref_squeeze %dma_start3A_179 : memref<1x128xi32, #tpu.memory_space<vmem>> -> memref<128xi32, #tpu.memory_space<vmem>>
      %dma_start3A_181 = arith.constant 0 : i32
      %dma_start3A_182 = arith.constant 0 : i32
      %dma_start3A_183 = tpu.memref_slice %arg10[%dma_start3A_181, %dma_start3A_182] : memref<10240x64xf32, #tpu.memory_space<vmem_shared>> -> memref<10240x64xf32, #tpu.memory_space<vmem_shared>>
      %dma_start3A_184 = tpu.memref_slice %arg12[%dma_start3A_173] : memref<8x!tpu.dma_semaphore, #tpu.memory_space<semaphore_mem>> -> memref<1x!tpu.dma_semaphore, #tpu.memory_space<semaphore_mem>>
      %dma_start3A_185 = tpu.memref_squeeze %dma_start3A_184 : memref<1x!tpu.dma_semaphore, #tpu.memory_space<semaphore_mem>> -> memref<!tpu.dma_semaphore, #tpu.memory_space<semaphore_mem>>
      tpu.enqueue_indirect_dma source(%dma_start3A_177 : memref<128x64xf32, #tpu.memory_space<vmem>>) target(%dma_start3A_183 : memref<10240x64xf32, #tpu.memory_space<vmem_shared>>) offsets(%dma_start3A_180 : memref<128xi32, #tpu.memory_space<vmem>>) semaphore(%dma_start3A_185 : memref<!tpu.dma_semaphore, #tpu.memory_space<semaphore_mem>>) {add = true}
      %dma_wait3A_186 = arith.constant 1 : i32
      %dma_wait3A_187 = arith.constant 1 : i32
      %dma_wait3A_188 = arith.constant 0 : i32
      %dma_wait3A_189 = arith.constant 0 : i32
      %dma_wait3A_190 = tpu.memref_slice %arg9[%dma_wait3A_186, %dma_wait3A_188, %dma_wait3A_189] : memref<8x128x64xf32, #tpu.memory_space<vmem>> -> memref<1x128x64xf32, #tpu.memory_space<vmem>>
      %dma_wait3A_191 = tpu.memref_squeeze %dma_wait3A_190 : memref<1x128x64xf32, #tpu.memory_space<vmem>> -> memref<128x64xf32, #tpu.memory_space<vmem>>
      %dma_wait3A_192 = arith.constant 0 : i32
      %dma_wait3A_193 = tpu.memref_slice %arg7[%add3A_32, %dma_wait3A_192] : memref<80x128xi32, #tpu.memory_space<vmem>> -> memref<1x128xi32, #tpu.memory_space<vmem>>
      %dma_wait3A_194 = tpu.memref_squeeze %dma_wait3A_193 : memref<1x128xi32, #tpu.memory_space<vmem>> -> memref<128xi32, #tpu.memory_space<vmem>>
      %dma_wait3A_195 = arith.constant 0 : i32
      %dma_wait3A_196 = arith.constant 0 : i32
      %dma_wait3A_197 = tpu.memref_slice %arg4[%dma_wait3A_195, %dma_wait3A_196] : memref<10240x64xf32, #tpu.memory_space<hbm>> -> memref<10240x64xf32, #tpu.memory_space<hbm>>
      %dma_wait3A_198 = tpu.memref_slice %arg11[%dma_wait3A_187] : memref<8x!tpu.dma_semaphore, #tpu.memory_space<semaphore_mem>> -> memref<1x!tpu.dma_semaphore, #tpu.memory_space<semaphore_mem>>
      %dma_wait3A_199 = tpu.memref_squeeze %dma_wait3A_198 : memref<1x!tpu.dma_semaphore, #tpu.memory_space<semaphore_mem>> -> memref<!tpu.dma_semaphore, #tpu.memory_space<semaphore_mem>>
      tpu.wait_indirect_dma semaphore(%dma_wait3A_199 : memref<!tpu.dma_semaphore, #tpu.memory_space<semaphore_mem>>) src(%dma_wait3A_197 : memref<10240x64xf32, #tpu.memory_space<hbm>>) dst(%dma_wait3A_191 : memref<128x64xf32, #tpu.memory_space<vmem>>)
      %mul3A_200 = arith.constant 8 : i32
      %mul3A_201 = arith.muli %scan3A_11, %mul3A_200 : i32
      %add3A_202 = arith.constant 1 : i32
      %add3A_203 = arith.addi %mul3A_201, %add3A_202 : i32
      %dma_start3A_204 = arith.constant 1 : i32
      %dma_start3A_205 = arith.constant 1 : i32
      %dma_start3A_206 = arith.constant 0 : i32
      %dma_start3A_207 = arith.constant 0 : i32
      %dma_start3A_208 = tpu.memref_slice %arg9[%dma_start3A_204, %dma_start3A_206, %dma_start3A_207] : memref<8x128x64xf32, #tpu.memory_space<vmem>> -> memref<1x128x64xf32, #tpu.memory_space<vmem>>
      %dma_start3A_209 = tpu.memref_squeeze %dma_start3A_208 : memref<1x128x64xf32, #tpu.memory_space<vmem>> -> memref<128x64xf32, #tpu.memory_space<vmem>>
      %dma_start3A_210 = arith.constant 0 : i32
      %dma_start3A_211 = tpu.memref_slice %arg8[%add3A_203, %dma_start3A_210] : memref<80x128xi32, #tpu.memory_space<vmem>> -> memref<1x128xi32, #tpu.memory_space<vmem>>
      %dma_start3A_212 = tpu.memref_squeeze %dma_start3A_211 : memref<1x128xi32, #tpu.memory_space<vmem>> -> memref<128xi32, #tpu.memory_space<vmem>>
      %dma_start3A_213 = arith.constant 0 : i32
      %dma_start3A_214 = arith.constant 0 : i32
      %dma_start3A_215 = tpu.memref_slice %arg10[%dma_start3A_213, %dma_start3A_214] : memref<10240x64xf32, #tpu.memory_space<vmem_shared>> -> memref<10240x64xf32, #tpu.memory_space<vmem_shared>>
      %dma_start3A_216 = tpu.memref_slice %arg12[%dma_start3A_205] : memref<8x!tpu.dma_semaphore, #tpu.memory_space<semaphore_mem>> -> memref<1x!tpu.dma_semaphore, #tpu.memory_space<semaphore_mem>>
      %dma_start3A_217 = tpu.memref_squeeze %dma_start3A_216 : memref<1x!tpu.dma_semaphore, #tpu.memory_space<semaphore_mem>> -> memref<!tpu.dma_semaphore, #tpu.memory_space<semaphore_mem>>
      tpu.enqueue_indirect_dma source(%dma_start3A_209 : memref<128x64xf32, #tpu.memory_space<vmem>>) target(%dma_start3A_215 : memref<10240x64xf32, #tpu.memory_space<vmem_shared>>) offsets(%dma_start3A_212 : memref<128xi32, #tpu.memory_space<vmem>>) semaphore(%dma_start3A_217 : memref<!tpu.dma_semaphore, #tpu.memory_space<semaphore_mem>>) {add = true}
      %dma_wait3A_218 = arith.constant 2 : i32
      %dma_wait3A_219 = arith.constant 2 : i32
      %dma_wait3A_220 = arith.constant 0 : i32
      %dma_wait3A_221 = arith.constant 0 : i32
      %dma_wait3A_222 = tpu.memref_slice %arg9[%dma_wait3A_218, %dma_wait3A_220, %dma_wait3A_221] : memref<8x128x64xf32, #tpu.memory_space<vmem>> -> memref<1x128x64xf32, #tpu.memory_space<vmem>>
      %dma_wait3A_223 = tpu.memref_squeeze %dma_wait3A_222 : memref<1x128x64xf32, #tpu.memory_space<vmem>> -> memref<128x64xf32, #tpu.memory_space<vmem>>
      %dma_wait3A_224 = arith.constant 0 : i32
      %dma_wait3A_225 = tpu.memref_slice %arg7[%add3A_50, %dma_wait3A_224] : memref<80x128xi32, #tpu.memory_space<vmem>> -> memref<1x128xi32, #tpu.memory_space<vmem>>
      %dma_wait3A_226 = tpu.memref_squeeze %dma_wait3A_225 : memref<1x128xi32, #tpu.memory_space<vmem>> -> memref<128xi32, #tpu.memory_space<vmem>>
      %dma_wait3A_227 = arith.constant 0 : i32
      %dma_wait3A_228 = arith.constant 0 : i32
      %dma_wait3A_229 = tpu.memref_slice %arg4[%dma_wait3A_227, %dma_wait3A_228] : memref<10240x64xf32, #tpu.memory_space<hbm>> -> memref<10240x64xf32, #tpu.memory_space<hbm>>
      %dma_wait3A_230 = tpu.memref_slice %arg11[%dma_wait3A_219] : memref<8x!tpu.dma_semaphore, #tpu.memory_space<semaphore_mem>> -> memref<1x!tpu.dma_semaphore, #tpu.memory_space<semaphore_mem>>
      %dma_wait3A_231 = tpu.memref_squeeze %dma_wait3A_230 : memref<1x!tpu.dma_semaphore, #tpu.memory_space<semaphore_mem>> -> memref<!tpu.dma_semaphore, #tpu.memory_space<semaphore_mem>>
      tpu.wait_indirect_dma semaphore(%dma_wait3A_231 : memref<!tpu.dma_semaphore, #tpu.memory_space<semaphore_mem>>) src(%dma_wait3A_229 : memref<10240x64xf32, #tpu.memory_space<hbm>>) dst(%dma_wait3A_223 : memref<128x64xf32, #tpu.memory_space<vmem>>)
      %mul3A_232 = arith.constant 8 : i32
      %mul3A_233 = arith.muli %scan3A_11, %mul3A_232 : i32
      %add3A_234 = arith.constant 2 : i32
      %add3A_235 = arith.addi %mul3A_233, %add3A_234 : i32
      %dma_start3A_236 = arith.constant 2 : i32
      %dma_start3A_237 = arith.constant 2 : i32
      %dma_start3A_238 = arith.constant 0 : i32
      %dma_start3A_239 = arith.constant 0 : i32
      %dma_start3A_240 = tpu.memref_slice %arg9[%dma_start3A_236, %dma_start3A_238, %dma_start3A_239] : memref<8x128x64xf32, #tpu.memory_space<vmem>> -> memref<1x128x64xf32, #tpu.memory_space<vmem>>
      %dma_start3A_241 = tpu.memref_squeeze %dma_start3A_240 : memref<1x128x64xf32, #tpu.memory_space<vmem>> -> memref<128x64xf32, #tpu.memory_space<vmem>>
      %dma_start3A_242 = arith.constant 0 : i32
      %dma_start3A_243 = tpu.memref_slice %arg8[%add3A_235, %dma_start3A_242] : memref<80x128xi32, #tpu.memory_space<vmem>> -> memref<1x128xi32, #tpu.memory_space<vmem>>
      %dma_start3A_244 = tpu.memref_squeeze %dma_start3A_243 : memref<1x128xi32, #tpu.memory_space<vmem>> -> memref<128xi32, #tpu.memory_space<vmem>>
      %dma_start3A_245 = arith.constant 0 : i32
      %dma_start3A_246 = arith.constant 0 : i32
      %dma_start3A_247 = tpu.memref_slice %arg10[%dma_start3A_245, %dma_start3A_246] : memref<10240x64xf32, #tpu.memory_space<vmem_shared>> -> memref<10240x64xf32, #tpu.memory_space<vmem_shared>>
      %dma_start3A_248 = tpu.memref_slice %arg12[%dma_start3A_237] : memref<8x!tpu.dma_semaphore, #tpu.memory_space<semaphore_mem>> -> memref<1x!tpu.dma_semaphore, #tpu.memory_space<semaphore_mem>>
      %dma_start3A_249 = tpu.memref_squeeze %dma_start3A_248 : memref<1x!tpu.dma_semaphore, #tpu.memory_space<semaphore_mem>> -> memref<!tpu.dma_semaphore, #tpu.memory_space<semaphore_mem>>
      tpu.enqueue_indirect_dma source(%dma_start3A_241 : memref<128x64xf32, #tpu.memory_space<vmem>>) target(%dma_start3A_247 : memref<10240x64xf32, #tpu.memory_space<vmem_shared>>) offsets(%dma_start3A_244 : memref<128xi32, #tpu.memory_space<vmem>>) semaphore(%dma_start3A_249 : memref<!tpu.dma_semaphore, #tpu.memory_space<semaphore_mem>>) {add = true}
      %dma_wait3A_250 = arith.constant 3 : i32
      %dma_wait3A_251 = arith.constant 3 : i32
      %dma_wait3A_252 = arith.constant 0 : i32
      %dma_wait3A_253 = arith.constant 0 : i32
      %dma_wait3A_254 = tpu.memref_slice %arg9[%dma_wait3A_250, %dma_wait3A_252, %dma_wait3A_253] : memref<8x128x64xf32, #tpu.memory_space<vmem>> -> memref<1x128x64xf32, #tpu.memory_space<vmem>>
      %dma_wait3A_255 = tpu.memref_squeeze %dma_wait3A_254 : memref<1x128x64xf32, #tpu.memory_space<vmem>> -> memref<128x64xf32, #tpu.memory_space<vmem>>
      %dma_wait3A_256 = arith.constant 0 : i32
      %dma_wait3A_257 = tpu.memref_slice %arg7[%add3A_68, %dma_wait3A_256] : memref<80x128xi32, #tpu.memory_space<vmem>> -> memref<1x128xi32, #tpu.memory_space<vmem>>
      %dma_wait3A_258 = tpu.memref_squeeze %dma_wait3A_257 : memref<1x128xi32, #tpu.memory_space<vmem>> -> memref<128xi32, #tpu.memory_space<vmem>>
      %dma_wait3A_259 = arith.constant 0 : i32
      %dma_wait3A_260 = arith.constant 0 : i32
      %dma_wait3A_261 = tpu.memref_slice %arg4[%dma_wait3A_259, %dma_wait3A_260] : memref<10240x64xf32, #tpu.memory_space<hbm>> -> memref<10240x64xf32, #tpu.memory_space<hbm>>
      %dma_wait3A_262 = tpu.memref_slice %arg11[%dma_wait3A_251] : memref<8x!tpu.dma_semaphore, #tpu.memory_space<semaphore_mem>> -> memref<1x!tpu.dma_semaphore, #tpu.memory_space<semaphore_mem>>
      %dma_wait3A_263 = tpu.memref_squeeze %dma_wait3A_262 : memref<1x!tpu.dma_semaphore, #tpu.memory_space<semaphore_mem>> -> memref<!tpu.dma_semaphore, #tpu.memory_space<semaphore_mem>>
      tpu.wait_indirect_dma semaphore(%dma_wait3A_263 : memref<!tpu.dma_semaphore, #tpu.memory_space<semaphore_mem>>) src(%dma_wait3A_261 : memref<10240x64xf32, #tpu.memory_space<hbm>>) dst(%dma_wait3A_255 : memref<128x64xf32, #tpu.memory_space<vmem>>)
      %mul3A_264 = arith.constant 8 : i32
      %mul3A_265 = arith.muli %scan3A_11, %mul3A_264 : i32
      %add3A_266 = arith.constant 3 : i32
      %add3A_267 = arith.addi %mul3A_265, %add3A_266 : i32
      %dma_start3A_268 = arith.constant 3 : i32
      %dma_start3A_269 = arith.constant 3 : i32
      %dma_start3A_270 = arith.constant 0 : i32
      %dma_start3A_271 = arith.constant 0 : i32
      %dma_start3A_272 = tpu.memref_slice %arg9[%dma_start3A_268, %dma_start3A_270, %dma_start3A_271] : memref<8x128x64xf32, #tpu.memory_space<vmem>> -> memref<1x128x64xf32, #tpu.memory_space<vmem>>
      %dma_start3A_273 = tpu.memref_squeeze %dma_start3A_272 : memref<1x128x64xf32, #tpu.memory_space<vmem>> -> memref<128x64xf32, #tpu.memory_space<vmem>>
      %dma_start3A_274 = arith.constant 0 : i32
      %dma_start3A_275 = tpu.memref_slice %arg8[%add3A_267, %dma_start3A_274] : memref<80x128xi32, #tpu.memory_space<vmem>> -> memref<1x128xi32, #tpu.memory_space<vmem>>
      %dma_start3A_276 = tpu.memref_squeeze %dma_start3A_275 : memref<1x128xi32, #tpu.memory_space<vmem>> -> memref<128xi32, #tpu.memory_space<vmem>>
      %dma_start3A_277 = arith.constant 0 : i32
      %dma_start3A_278 = arith.constant 0 : i32
      %dma_start3A_279 = tpu.memref_slice %arg10[%dma_start3A_277, %dma_start3A_278] : memref<10240x64xf32, #tpu.memory_space<vmem_shared>> -> memref<10240x64xf32, #tpu.memory_space<vmem_shared>>
      %dma_start3A_280 = tpu.memref_slice %arg12[%dma_start3A_269] : memref<8x!tpu.dma_semaphore, #tpu.memory_space<semaphore_mem>> -> memref<1x!tpu.dma_semaphore, #tpu.memory_space<semaphore_mem>>
      %dma_start3A_281 = tpu.memref_squeeze %dma_start3A_280 : memref<1x!tpu.dma_semaphore, #tpu.memory_space<semaphore_mem>> -> memref<!tpu.dma_semaphore, #tpu.memory_space<semaphore_mem>>
      tpu.enqueue_indirect_dma source(%dma_start3A_273 : memref<128x64xf32, #tpu.memory_space<vmem>>) target(%dma_start3A_279 : memref<10240x64xf32, #tpu.memory_space<vmem_shared>>) offsets(%dma_start3A_276 : memref<128xi32, #tpu.memory_space<vmem>>) semaphore(%dma_start3A_281 : memref<!tpu.dma_semaphore, #tpu.memory_space<semaphore_mem>>) {add = true}
      %dma_wait3A_282 = arith.constant 4 : i32
      %dma_wait3A_283 = arith.constant 4 : i32
      %dma_wait3A_284 = arith.constant 0 : i32
      %dma_wait3A_285 = arith.constant 0 : i32
      %dma_wait3A_286 = tpu.memref_slice %arg9[%dma_wait3A_282, %dma_wait3A_284, %dma_wait3A_285] : memref<8x128x64xf32, #tpu.memory_space<vmem>> -> memref<1x128x64xf32, #tpu.memory_space<vmem>>
      %dma_wait3A_287 = tpu.memref_squeeze %dma_wait3A_286 : memref<1x128x64xf32, #tpu.memory_space<vmem>> -> memref<128x64xf32, #tpu.memory_space<vmem>>
      %dma_wait3A_288 = arith.constant 0 : i32
      %dma_wait3A_289 = tpu.memref_slice %arg7[%add3A_86, %dma_wait3A_288] : memref<80x128xi32, #tpu.memory_space<vmem>> -> memref<1x128xi32, #tpu.memory_space<vmem>>
      %dma_wait3A_290 = tpu.memref_squeeze %dma_wait3A_289 : memref<1x128xi32, #tpu.memory_space<vmem>> -> memref<128xi32, #tpu.memory_space<vmem>>
      %dma_wait3A_291 = arith.constant 0 : i32
      %dma_wait3A_292 = arith.constant 0 : i32
      %dma_wait3A_293 = tpu.memref_slice %arg4[%dma_wait3A_291, %dma_wait3A_292] : memref<10240x64xf32, #tpu.memory_space<hbm>> -> memref<10240x64xf32, #tpu.memory_space<hbm>>
      %dma_wait3A_294 = tpu.memref_slice %arg11[%dma_wait3A_283] : memref<8x!tpu.dma_semaphore, #tpu.memory_space<semaphore_mem>> -> memref<1x!tpu.dma_semaphore, #tpu.memory_space<semaphore_mem>>
      %dma_wait3A_295 = tpu.memref_squeeze %dma_wait3A_294 : memref<1x!tpu.dma_semaphore, #tpu.memory_space<semaphore_mem>> -> memref<!tpu.dma_semaphore, #tpu.memory_space<semaphore_mem>>
      tpu.wait_indirect_dma semaphore(%dma_wait3A_295 : memref<!tpu.dma_semaphore, #tpu.memory_space<semaphore_mem>>) src(%dma_wait3A_293 : memref<10240x64xf32, #tpu.memory_space<hbm>>) dst(%dma_wait3A_287 : memref<128x64xf32, #tpu.memory_space<vmem>>)
      %mul3A_296 = arith.constant 8 : i32
      %mul3A_297 = arith.muli %scan3A_11, %mul3A_296 : i32
      %add3A_298 = arith.constant 4 : i32
      %add3A_299 = arith.addi %mul3A_297, %add3A_298 : i32
      %dma_start3A_300 = arith.constant 4 : i32
      %dma_start3A_301 = arith.constant 4 : i32
      %dma_start3A_302 = arith.constant 0 : i32
      %dma_start3A_303 = arith.constant 0 : i32
      %dma_start3A_304 = tpu.memref_slice %arg9[%dma_start3A_300, %dma_start3A_302, %dma_start3A_303] : memref<8x128x64xf32, #tpu.memory_space<vmem>> -> memref<1x128x64xf32, #tpu.memory_space<vmem>>
      %dma_start3A_305 = tpu.memref_squeeze %dma_start3A_304 : memref<1x128x64xf32, #tpu.memory_space<vmem>> -> memref<128x64xf32, #tpu.memory_space<vmem>>
      %dma_start3A_306 = arith.constant 0 : i32
      %dma_start3A_307 = tpu.memref_slice %arg8[%add3A_299, %dma_start3A_306] : memref<80x128xi32, #tpu.memory_space<vmem>> -> memref<1x128xi32, #tpu.memory_space<vmem>>
      %dma_start3A_308 = tpu.memref_squeeze %dma_start3A_307 : memref<1x128xi32, #tpu.memory_space<vmem>> -> memref<128xi32, #tpu.memory_space<vmem>>
      %dma_start3A_309 = arith.constant 0 : i32
      %dma_start3A_310 = arith.constant 0 : i32
      %dma_start3A_311 = tpu.memref_slice %arg10[%dma_start3A_309, %dma_start3A_310] : memref<10240x64xf32, #tpu.memory_space<vmem_shared>> -> memref<10240x64xf32, #tpu.memory_space<vmem_shared>>
      %dma_start3A_312 = tpu.memref_slice %arg12[%dma_start3A_301] : memref<8x!tpu.dma_semaphore, #tpu.memory_space<semaphore_mem>> -> memref<1x!tpu.dma_semaphore, #tpu.memory_space<semaphore_mem>>
      %dma_start3A_313 = tpu.memref_squeeze %dma_start3A_312 : memref<1x!tpu.dma_semaphore, #tpu.memory_space<semaphore_mem>> -> memref<!tpu.dma_semaphore, #tpu.memory_space<semaphore_mem>>
      tpu.enqueue_indirect_dma source(%dma_start3A_305 : memref<128x64xf32, #tpu.memory_space<vmem>>) target(%dma_start3A_311 : memref<10240x64xf32, #tpu.memory_space<vmem_shared>>) offsets(%dma_start3A_308 : memref<128xi32, #tpu.memory_space<vmem>>) semaphore(%dma_start3A_313 : memref<!tpu.dma_semaphore, #tpu.memory_space<semaphore_mem>>) {add = true}
      %dma_wait3A_314 = arith.constant 5 : i32
      %dma_wait3A_315 = arith.constant 5 : i32
      %dma_wait3A_316 = arith.constant 0 : i32
      %dma_wait3A_317 = arith.constant 0 : i32
      %dma_wait3A_318 = tpu.memref_slice %arg9[%dma_wait3A_314, %dma_wait3A_316, %dma_wait3A_317] : memref<8x128x64xf32, #tpu.memory_space<vmem>> -> memref<1x128x64xf32, #tpu.memory_space<vmem>>
      %dma_wait3A_319 = tpu.memref_squeeze %dma_wait3A_318 : memref<1x128x64xf32, #tpu.memory_space<vmem>> -> memref<128x64xf32, #tpu.memory_space<vmem>>
      %dma_wait3A_320 = arith.constant 0 : i32
      %dma_wait3A_321 = tpu.memref_slice %arg7[%add3A_104, %dma_wait3A_320] : memref<80x128xi32, #tpu.memory_space<vmem>> -> memref<1x128xi32, #tpu.memory_space<vmem>>
      %dma_wait3A_322 = tpu.memref_squeeze %dma_wait3A_321 : memref<1x128xi32, #tpu.memory_space<vmem>> -> memref<128xi32, #tpu.memory_space<vmem>>
      %dma_wait3A_323 = arith.constant 0 : i32
      %dma_wait3A_324 = arith.constant 0 : i32
      %dma_wait3A_325 = tpu.memref_slice %arg4[%dma_wait3A_323, %dma_wait3A_324] : memref<10240x64xf32, #tpu.memory_space<hbm>> -> memref<10240x64xf32, #tpu.memory_space<hbm>>
      %dma_wait3A_326 = tpu.memref_slice %arg11[%dma_wait3A_315] : memref<8x!tpu.dma_semaphore, #tpu.memory_space<semaphore_mem>> -> memref<1x!tpu.dma_semaphore, #tpu.memory_space<semaphore_mem>>
      %dma_wait3A_327 = tpu.memref_squeeze %dma_wait3A_326 : memref<1x!tpu.dma_semaphore, #tpu.memory_space<semaphore_mem>> -> memref<!tpu.dma_semaphore, #tpu.memory_space<semaphore_mem>>
      tpu.wait_indirect_dma semaphore(%dma_wait3A_327 : memref<!tpu.dma_semaphore, #tpu.memory_space<semaphore_mem>>) src(%dma_wait3A_325 : memref<10240x64xf32, #tpu.memory_space<hbm>>) dst(%dma_wait3A_319 : memref<128x64xf32, #tpu.memory_space<vmem>>)
      %mul3A_328 = arith.constant 8 : i32
      %mul3A_329 = arith.muli %scan3A_11, %mul3A_328 : i32
      %add3A_330 = arith.constant 5 : i32
      %add3A_331 = arith.addi %mul3A_329, %add3A_330 : i32
      %dma_start3A_332 = arith.constant 5 : i32
      %dma_start3A_333 = arith.constant 5 : i32
      %dma_start3A_334 = arith.constant 0 : i32
      %dma_start3A_335 = arith.constant 0 : i32
      %dma_start3A_336 = tpu.memref_slice %arg9[%dma_start3A_332, %dma_start3A_334, %dma_start3A_335] : memref<8x128x64xf32, #tpu.memory_space<vmem>> -> memref<1x128x64xf32, #tpu.memory_space<vmem>>
      %dma_start3A_337 = tpu.memref_squeeze %dma_start3A_336 : memref<1x128x64xf32, #tpu.memory_space<vmem>> -> memref<128x64xf32, #tpu.memory_space<vmem>>
      %dma_start3A_338 = arith.constant 0 : i32
      %dma_start3A_339 = tpu.memref_slice %arg8[%add3A_331, %dma_start3A_338] : memref<80x128xi32, #tpu.memory_space<vmem>> -> memref<1x128xi32, #tpu.memory_space<vmem>>
      %dma_start3A_340 = tpu.memref_squeeze %dma_start3A_339 : memref<1x128xi32, #tpu.memory_space<vmem>> -> memref<128xi32, #tpu.memory_space<vmem>>
      %dma_start3A_341 = arith.constant 0 : i32
      %dma_start3A_342 = arith.constant 0 : i32
      %dma_start3A_343 = tpu.memref_slice %arg10[%dma_start3A_341, %dma_start3A_342] : memref<10240x64xf32, #tpu.memory_space<vmem_shared>> -> memref<10240x64xf32, #tpu.memory_space<vmem_shared>>
      %dma_start3A_344 = tpu.memref_slice %arg12[%dma_start3A_333] : memref<8x!tpu.dma_semaphore, #tpu.memory_space<semaphore_mem>> -> memref<1x!tpu.dma_semaphore, #tpu.memory_space<semaphore_mem>>
      %dma_start3A_345 = tpu.memref_squeeze %dma_start3A_344 : memref<1x!tpu.dma_semaphore, #tpu.memory_space<semaphore_mem>> -> memref<!tpu.dma_semaphore, #tpu.memory_space<semaphore_mem>>
      tpu.enqueue_indirect_dma source(%dma_start3A_337 : memref<128x64xf32, #tpu.memory_space<vmem>>) target(%dma_start3A_343 : memref<10240x64xf32, #tpu.memory_space<vmem_shared>>) offsets(%dma_start3A_340 : memref<128xi32, #tpu.memory_space<vmem>>) semaphore(%dma_start3A_345 : memref<!tpu.dma_semaphore, #tpu.memory_space<semaphore_mem>>) {add = true}
      %dma_wait3A_346 = arith.constant 6 : i32
      %dma_wait3A_347 = arith.constant 6 : i32
      %dma_wait3A_348 = arith.constant 0 : i32
      %dma_wait3A_349 = arith.constant 0 : i32
      %dma_wait3A_350 = tpu.memref_slice %arg9[%dma_wait3A_346, %dma_wait3A_348, %dma_wait3A_349] : memref<8x128x64xf32, #tpu.memory_space<vmem>> -> memref<1x128x64xf32, #tpu.memory_space<vmem>>
      %dma_wait3A_351 = tpu.memref_squeeze %dma_wait3A_350 : memref<1x128x64xf32, #tpu.memory_space<vmem>> -> memref<128x64xf32, #tpu.memory_space<vmem>>
      %dma_wait3A_352 = arith.constant 0 : i32
      %dma_wait3A_353 = tpu.memref_slice %arg7[%add3A_122, %dma_wait3A_352] : memref<80x128xi32, #tpu.memory_space<vmem>> -> memref<1x128xi32, #tpu.memory_space<vmem>>
      %dma_wait3A_354 = tpu.memref_squeeze %dma_wait3A_353 : memref<1x128xi32, #tpu.memory_space<vmem>> -> memref<128xi32, #tpu.memory_space<vmem>>
      %dma_wait3A_355 = arith.constant 0 : i32
      %dma_wait3A_356 = arith.constant 0 : i32
      %dma_wait3A_357 = tpu.memref_slice %arg4[%dma_wait3A_355, %dma_wait3A_356] : memref<10240x64xf32, #tpu.memory_space<hbm>> -> memref<10240x64xf32, #tpu.memory_space<hbm>>
      %dma_wait3A_358 = tpu.memref_slice %arg11[%dma_wait3A_347] : memref<8x!tpu.dma_semaphore, #tpu.memory_space<semaphore_mem>> -> memref<1x!tpu.dma_semaphore, #tpu.memory_space<semaphore_mem>>
      %dma_wait3A_359 = tpu.memref_squeeze %dma_wait3A_358 : memref<1x!tpu.dma_semaphore, #tpu.memory_space<semaphore_mem>> -> memref<!tpu.dma_semaphore, #tpu.memory_space<semaphore_mem>>
      tpu.wait_indirect_dma semaphore(%dma_wait3A_359 : memref<!tpu.dma_semaphore, #tpu.memory_space<semaphore_mem>>) src(%dma_wait3A_357 : memref<10240x64xf32, #tpu.memory_space<hbm>>) dst(%dma_wait3A_351 : memref<128x64xf32, #tpu.memory_space<vmem>>)
      %mul3A_360 = arith.constant 8 : i32
      %mul3A_361 = arith.muli %scan3A_11, %mul3A_360 : i32
      %add3A_362 = arith.constant 6 : i32
      %add3A_363 = arith.addi %mul3A_361, %add3A_362 : i32
      %dma_start3A_364 = arith.constant 6 : i32
      %dma_start3A_365 = arith.constant 6 : i32
      %dma_start3A_366 = arith.constant 0 : i32
      %dma_start3A_367 = arith.constant 0 : i32
      %dma_start3A_368 = tpu.memref_slice %arg9[%dma_start3A_364, %dma_start3A_366, %dma_start3A_367] : memref<8x128x64xf32, #tpu.memory_space<vmem>> -> memref<1x128x64xf32, #tpu.memory_space<vmem>>
      %dma_start3A_369 = tpu.memref_squeeze %dma_start3A_368 : memref<1x128x64xf32, #tpu.memory_space<vmem>> -> memref<128x64xf32, #tpu.memory_space<vmem>>
      %dma_start3A_370 = arith.constant 0 : i32
      %dma_start3A_371 = tpu.memref_slice %arg8[%add3A_363, %dma_start3A_370] : memref<80x128xi32, #tpu.memory_space<vmem>> -> memref<1x128xi32, #tpu.memory_space<vmem>>
      %dma_start3A_372 = tpu.memref_squeeze %dma_start3A_371 : memref<1x128xi32, #tpu.memory_space<vmem>> -> memref<128xi32, #tpu.memory_space<vmem>>
      %dma_start3A_373 = arith.constant 0 : i32
      %dma_start3A_374 = arith.constant 0 : i32
      %dma_start3A_375 = tpu.memref_slice %arg10[%dma_start3A_373, %dma_start3A_374] : memref<10240x64xf32, #tpu.memory_space<vmem_shared>> -> memref<10240x64xf32, #tpu.memory_space<vmem_shared>>
      %dma_start3A_376 = tpu.memref_slice %arg12[%dma_start3A_365] : memref<8x!tpu.dma_semaphore, #tpu.memory_space<semaphore_mem>> -> memref<1x!tpu.dma_semaphore, #tpu.memory_space<semaphore_mem>>
      %dma_start3A_377 = tpu.memref_squeeze %dma_start3A_376 : memref<1x!tpu.dma_semaphore, #tpu.memory_space<semaphore_mem>> -> memref<!tpu.dma_semaphore, #tpu.memory_space<semaphore_mem>>
      tpu.enqueue_indirect_dma source(%dma_start3A_369 : memref<128x64xf32, #tpu.memory_space<vmem>>) target(%dma_start3A_375 : memref<10240x64xf32, #tpu.memory_space<vmem_shared>>) offsets(%dma_start3A_372 : memref<128xi32, #tpu.memory_space<vmem>>) semaphore(%dma_start3A_377 : memref<!tpu.dma_semaphore, #tpu.memory_space<semaphore_mem>>) {add = true}
      %dma_wait3A_378 = arith.constant 7 : i32
      %dma_wait3A_379 = arith.constant 7 : i32
      %dma_wait3A_380 = arith.constant 0 : i32
      %dma_wait3A_381 = arith.constant 0 : i32
      %dma_wait3A_382 = tpu.memref_slice %arg9[%dma_wait3A_378, %dma_wait3A_380, %dma_wait3A_381] : memref<8x128x64xf32, #tpu.memory_space<vmem>> -> memref<1x128x64xf32, #tpu.memory_space<vmem>>
      %dma_wait3A_383 = tpu.memref_squeeze %dma_wait3A_382 : memref<1x128x64xf32, #tpu.memory_space<vmem>> -> memref<128x64xf32, #tpu.memory_space<vmem>>
      %dma_wait3A_384 = arith.constant 0 : i32
      %dma_wait3A_385 = tpu.memref_slice %arg7[%add3A_140, %dma_wait3A_384] : memref<80x128xi32, #tpu.memory_space<vmem>> -> memref<1x128xi32, #tpu.memory_space<vmem>>
      %dma_wait3A_386 = tpu.memref_squeeze %dma_wait3A_385 : memref<1x128xi32, #tpu.memory_space<vmem>> -> memref<128xi32, #tpu.memory_space<vmem>>
      %dma_wait3A_387 = arith.constant 0 : i32
      %dma_wait3A_388 = arith.constant 0 : i32
      %dma_wait3A_389 = tpu.memref_slice %arg4[%dma_wait3A_387, %dma_wait3A_388] : memref<10240x64xf32, #tpu.memory_space<hbm>> -> memref<10240x64xf32, #tpu.memory_space<hbm>>
      %dma_wait3A_390 = tpu.memref_slice %arg11[%dma_wait3A_379] : memref<8x!tpu.dma_semaphore, #tpu.memory_space<semaphore_mem>> -> memref<1x!tpu.dma_semaphore, #tpu.memory_space<semaphore_mem>>
      %dma_wait3A_391 = tpu.memref_squeeze %dma_wait3A_390 : memref<1x!tpu.dma_semaphore, #tpu.memory_space<semaphore_mem>> -> memref<!tpu.dma_semaphore, #tpu.memory_space<semaphore_mem>>
      tpu.wait_indirect_dma semaphore(%dma_wait3A_391 : memref<!tpu.dma_semaphore, #tpu.memory_space<semaphore_mem>>) src(%dma_wait3A_389 : memref<10240x64xf32, #tpu.memory_space<hbm>>) dst(%dma_wait3A_383 : memref<128x64xf32, #tpu.memory_space<vmem>>)
      %mul3A_392 = arith.constant 8 : i32
      %mul3A_393 = arith.muli %scan3A_11, %mul3A_392 : i32
      %add3A_394 = arith.constant 7 : i32
      %add3A_395 = arith.addi %mul3A_393, %add3A_394 : i32
      %dma_start3A_396 = arith.constant 7 : i32
      %dma_start3A_397 = arith.constant 7 : i32
      %dma_start3A_398 = arith.constant 0 : i32
      %dma_start3A_399 = arith.constant 0 : i32
      %dma_start3A_400 = tpu.memref_slice %arg9[%dma_start3A_396, %dma_start3A_398, %dma_start3A_399] : memref<8x128x64xf32, #tpu.memory_space<vmem>> -> memref<1x128x64xf32, #tpu.memory_space<vmem>>
      %dma_start3A_401 = tpu.memref_squeeze %dma_start3A_400 : memref<1x128x64xf32, #tpu.memory_space<vmem>> -> memref<128x64xf32, #tpu.memory_space<vmem>>
      %dma_start3A_402 = arith.constant 0 : i32
      %dma_start3A_403 = tpu.memref_slice %arg8[%add3A_395, %dma_start3A_402] : memref<80x128xi32, #tpu.memory_space<vmem>> -> memref<1x128xi32, #tpu.memory_space<vmem>>
      %dma_start3A_404 = tpu.memref_squeeze %dma_start3A_403 : memref<1x128xi32, #tpu.memory_space<vmem>> -> memref<128xi32, #tpu.memory_space<vmem>>
      %dma_start3A_405 = arith.constant 0 : i32
      %dma_start3A_406 = arith.constant 0 : i32
      %dma_start3A_407 = tpu.memref_slice %arg10[%dma_start3A_405, %dma_start3A_406] : memref<10240x64xf32, #tpu.memory_space<vmem_shared>> -> memref<10240x64xf32, #tpu.memory_space<vmem_shared>>
      %dma_start3A_408 = tpu.memref_slice %arg12[%dma_start3A_397] : memref<8x!tpu.dma_semaphore, #tpu.memory_space<semaphore_mem>> -> memref<1x!tpu.dma_semaphore, #tpu.memory_space<semaphore_mem>>
      %dma_start3A_409 = tpu.memref_squeeze %dma_start3A_408 : memref<1x!tpu.dma_semaphore, #tpu.memory_space<semaphore_mem>> -> memref<!tpu.dma_semaphore, #tpu.memory_space<semaphore_mem>>
      tpu.enqueue_indirect_dma source(%dma_start3A_401 : memref<128x64xf32, #tpu.memory_space<vmem>>) target(%dma_start3A_407 : memref<10240x64xf32, #tpu.memory_space<vmem_shared>>) offsets(%dma_start3A_404 : memref<128xi32, #tpu.memory_space<vmem>>) semaphore(%dma_start3A_409 : memref<!tpu.dma_semaphore, #tpu.memory_space<semaphore_mem>>) {add = true}
      %dma_wait3A_410 = arith.constant 0 : i32
      %dma_wait3A_411 = arith.constant 0 : i32
      %dma_wait3A_412 = arith.constant 0 : i32
      %dma_wait3A_413 = arith.constant 0 : i32
      %dma_wait3A_414 = tpu.memref_slice %arg9[%dma_wait3A_410, %dma_wait3A_412, %dma_wait3A_413] : memref<8x128x64xf32, #tpu.memory_space<vmem>> -> memref<1x128x64xf32, #tpu.memory_space<vmem>>
      %dma_wait3A_415 = tpu.memref_squeeze %dma_wait3A_414 : memref<1x128x64xf32, #tpu.memory_space<vmem>> -> memref<128x64xf32, #tpu.memory_space<vmem>>
      %dma_wait3A_416 = arith.constant 0 : i32
      %dma_wait3A_417 = tpu.memref_slice %arg8[%add3A_171, %dma_wait3A_416] : memref<80x128xi32, #tpu.memory_space<vmem>> -> memref<1x128xi32, #tpu.memory_space<vmem>>
      %dma_wait3A_418 = tpu.memref_squeeze %dma_wait3A_417 : memref<1x128xi32, #tpu.memory_space<vmem>> -> memref<128xi32, #tpu.memory_space<vmem>>
      %dma_wait3A_419 = arith.constant 0 : i32
      %dma_wait3A_420 = arith.constant 0 : i32
      %dma_wait3A_421 = tpu.memref_slice %arg10[%dma_wait3A_419, %dma_wait3A_420] : memref<10240x64xf32, #tpu.memory_space<vmem_shared>> -> memref<10240x64xf32, #tpu.memory_space<vmem_shared>>
      %dma_wait3A_422 = tpu.memref_slice %arg12[%dma_wait3A_411] : memref<8x!tpu.dma_semaphore, #tpu.memory_space<semaphore_mem>> -> memref<1x!tpu.dma_semaphore, #tpu.memory_space<semaphore_mem>>
      %dma_wait3A_423 = tpu.memref_squeeze %dma_wait3A_422 : memref<1x!tpu.dma_semaphore, #tpu.memory_space<semaphore_mem>> -> memref<!tpu.dma_semaphore, #tpu.memory_space<semaphore_mem>>
      tpu.wait_indirect_dma semaphore(%dma_wait3A_423 : memref<!tpu.dma_semaphore, #tpu.memory_space<semaphore_mem>>) src(%dma_wait3A_415 : memref<128x64xf32, #tpu.memory_space<vmem>>) dst(%dma_wait3A_421 : memref<10240x64xf32, #tpu.memory_space<vmem_shared>>)
      %dma_wait3A_424 = arith.constant 1 : i32
      %dma_wait3A_425 = arith.constant 1 : i32
      %dma_wait3A_426 = arith.constant 0 : i32
      %dma_wait3A_427 = arith.constant 0 : i32
      %dma_wait3A_428 = tpu.memref_slice %arg9[%dma_wait3A_424, %dma_wait3A_426, %dma_wait3A_427] : memref<8x128x64xf32, #tpu.memory_space<vmem>> -> memref<1x128x64xf32, #tpu.memory_space<vmem>>
      %dma_wait3A_429 = tpu.memref_squeeze %dma_wait3A_428 : memref<1x128x64xf32, #tpu.memory_space<vmem>> -> memref<128x64xf32, #tpu.memory_space<vmem>>
      %dma_wait3A_430 = arith.constant 0 : i32
      %dma_wait3A_431 = tpu.memref_slice %arg8[%add3A_203, %dma_wait3A_430] : memref<80x128xi32, #tpu.memory_space<vmem>> -> memref<1x128xi32, #tpu.memory_space<vmem>>
      %dma_wait3A_432 = tpu.memref_squeeze %dma_wait3A_431 : memref<1x128xi32, #tpu.memory_space<vmem>> -> memref<128xi32, #tpu.memory_space<vmem>>
      %dma_wait3A_433 = arith.constant 0 : i32
      %dma_wait3A_434 = arith.constant 0 : i32
      %dma_wait3A_435 = tpu.memref_slice %arg10[%dma_wait3A_433, %dma_wait3A_434] : memref<10240x64xf32, #tpu.memory_space<vmem_shared>> -> memref<10240x64xf32, #tpu.memory_space<vmem_shared>>
      %dma_wait3A_436 = tpu.memref_slice %arg12[%dma_wait3A_425] : memref<8x!tpu.dma_semaphore, #tpu.memory_space<semaphore_mem>> -> memref<1x!tpu.dma_semaphore, #tpu.memory_space<semaphore_mem>>
      %dma_wait3A_437 = tpu.memref_squeeze %dma_wait3A_436 : memref<1x!tpu.dma_semaphore, #tpu.memory_space<semaphore_mem>> -> memref<!tpu.dma_semaphore, #tpu.memory_space<semaphore_mem>>
      tpu.wait_indirect_dma semaphore(%dma_wait3A_437 : memref<!tpu.dma_semaphore, #tpu.memory_space<semaphore_mem>>) src(%dma_wait3A_429 : memref<128x64xf32, #tpu.memory_space<vmem>>) dst(%dma_wait3A_435 : memref<10240x64xf32, #tpu.memory_space<vmem_shared>>)
      %dma_wait3A_438 = arith.constant 2 : i32
      %dma_wait3A_439 = arith.constant 2 : i32
      %dma_wait3A_440 = arith.constant 0 : i32
      %dma_wait3A_441 = arith.constant 0 : i32
      %dma_wait3A_442 = tpu.memref_slice %arg9[%dma_wait3A_438, %dma_wait3A_440, %dma_wait3A_441] : memref<8x128x64xf32, #tpu.memory_space<vmem>> -> memref<1x128x64xf32, #tpu.memory_space<vmem>>
      %dma_wait3A_443 = tpu.memref_squeeze %dma_wait3A_442 : memref<1x128x64xf32, #tpu.memory_space<vmem>> -> memref<128x64xf32, #tpu.memory_space<vmem>>
      %dma_wait3A_444 = arith.constant 0 : i32
      %dma_wait3A_445 = tpu.memref_slice %arg8[%add3A_235, %dma_wait3A_444] : memref<80x128xi32, #tpu.memory_space<vmem>> -> memref<1x128xi32, #tpu.memory_space<vmem>>
      %dma_wait3A_446 = tpu.memref_squeeze %dma_wait3A_445 : memref<1x128xi32, #tpu.memory_space<vmem>> -> memref<128xi32, #tpu.memory_space<vmem>>
      %dma_wait3A_447 = arith.constant 0 : i32
      %dma_wait3A_448 = arith.constant 0 : i32
      %dma_wait3A_449 = tpu.memref_slice %arg10[%dma_wait3A_447, %dma_wait3A_448] : memref<10240x64xf32, #tpu.memory_space<vmem_shared>> -> memref<10240x64xf32, #tpu.memory_space<vmem_shared>>
      %dma_wait3A_450 = tpu.memref_slice %arg12[%dma_wait3A_439] : memref<8x!tpu.dma_semaphore, #tpu.memory_space<semaphore_mem>> -> memref<1x!tpu.dma_semaphore, #tpu.memory_space<semaphore_mem>>
      %dma_wait3A_451 = tpu.memref_squeeze %dma_wait3A_450 : memref<1x!tpu.dma_semaphore, #tpu.memory_space<semaphore_mem>> -> memref<!tpu.dma_semaphore, #tpu.memory_space<semaphore_mem>>
      tpu.wait_indirect_dma semaphore(%dma_wait3A_451 : memref<!tpu.dma_semaphore, #tpu.memory_space<semaphore_mem>>) src(%dma_wait3A_443 : memref<128x64xf32, #tpu.memory_space<vmem>>) dst(%dma_wait3A_449 : memref<10240x64xf32, #tpu.memory_space<vmem_shared>>)
      %dma_wait3A_452 = arith.constant 3 : i32
      %dma_wait3A_453 = arith.constant 3 : i32
      %dma_wait3A_454 = arith.constant 0 : i32
      %dma_wait3A_455 = arith.constant 0 : i32
      %dma_wait3A_456 = tpu.memref_slice %arg9[%dma_wait3A_452, %dma_wait3A_454, %dma_wait3A_455] : memref<8x128x64xf32, #tpu.memory_space<vmem>> -> memref<1x128x64xf32, #tpu.memory_space<vmem>>
      %dma_wait3A_457 = tpu.memref_squeeze %dma_wait3A_456 : memref<1x128x64xf32, #tpu.memory_space<vmem>> -> memref<128x64xf32, #tpu.memory_space<vmem>>
      %dma_wait3A_458 = arith.constant 0 : i32
      %dma_wait3A_459 = tpu.memref_slice %arg8[%add3A_267, %dma_wait3A_458] : memref<80x128xi32, #tpu.memory_space<vmem>> -> memref<1x128xi32, #tpu.memory_space<vmem>>
      %dma_wait3A_460 = tpu.memref_squeeze %dma_wait3A_459 : memref<1x128xi32, #tpu.memory_space<vmem>> -> memref<128xi32, #tpu.memory_space<vmem>>
      %dma_wait3A_461 = arith.constant 0 : i32
      %dma_wait3A_462 = arith.constant 0 : i32
      %dma_wait3A_463 = tpu.memref_slice %arg10[%dma_wait3A_461, %dma_wait3A_462] : memref<10240x64xf32, #tpu.memory_space<vmem_shared>> -> memref<10240x64xf32, #tpu.memory_space<vmem_shared>>
      %dma_wait3A_464 = tpu.memref_slice %arg12[%dma_wait3A_453] : memref<8x!tpu.dma_semaphore, #tpu.memory_space<semaphore_mem>> -> memref<1x!tpu.dma_semaphore, #tpu.memory_space<semaphore_mem>>
      %dma_wait3A_465 = tpu.memref_squeeze %dma_wait3A_464 : memref<1x!tpu.dma_semaphore, #tpu.memory_space<semaphore_mem>> -> memref<!tpu.dma_semaphore, #tpu.memory_space<semaphore_mem>>
      tpu.wait_indirect_dma semaphore(%dma_wait3A_465 : memref<!tpu.dma_semaphore, #tpu.memory_space<semaphore_mem>>) src(%dma_wait3A_457 : memref<128x64xf32, #tpu.memory_space<vmem>>) dst(%dma_wait3A_463 : memref<10240x64xf32, #tpu.memory_space<vmem_shared>>)
      %dma_wait3A_466 = arith.constant 4 : i32
      %dma_wait3A_467 = arith.constant 4 : i32
      %dma_wait3A_468 = arith.constant 0 : i32
      %dma_wait3A_469 = arith.constant 0 : i32
      %dma_wait3A_470 = tpu.memref_slice %arg9[%dma_wait3A_466, %dma_wait3A_468, %dma_wait3A_469] : memref<8x128x64xf32, #tpu.memory_space<vmem>> -> memref<1x128x64xf32, #tpu.memory_space<vmem>>
      %dma_wait3A_471 = tpu.memref_squeeze %dma_wait3A_470 : memref<1x128x64xf32, #tpu.memory_space<vmem>> -> memref<128x64xf32, #tpu.memory_space<vmem>>
      %dma_wait3A_472 = arith.constant 0 : i32
      %dma_wait3A_473 = tpu.memref_slice %arg8[%add3A_299, %dma_wait3A_472] : memref<80x128xi32, #tpu.memory_space<vmem>> -> memref<1x128xi32, #tpu.memory_space<vmem>>
      %dma_wait3A_474 = tpu.memref_squeeze %dma_wait3A_473 : memref<1x128xi32, #tpu.memory_space<vmem>> -> memref<128xi32, #tpu.memory_space<vmem>>
      %dma_wait3A_475 = arith.constant 0 : i32
      %dma_wait3A_476 = arith.constant 0 : i32
      %dma_wait3A_477 = tpu.memref_slice %arg10[%dma_wait3A_475, %dma_wait3A_476] : memref<10240x64xf32, #tpu.memory_space<vmem_shared>> -> memref<10240x64xf32, #tpu.memory_space<vmem_shared>>
      %dma_wait3A_478 = tpu.memref_slice %arg12[%dma_wait3A_467] : memref<8x!tpu.dma_semaphore, #tpu.memory_space<semaphore_mem>> -> memref<1x!tpu.dma_semaphore, #tpu.memory_space<semaphore_mem>>
      %dma_wait3A_479 = tpu.memref_squeeze %dma_wait3A_478 : memref<1x!tpu.dma_semaphore, #tpu.memory_space<semaphore_mem>> -> memref<!tpu.dma_semaphore, #tpu.memory_space<semaphore_mem>>
      tpu.wait_indirect_dma semaphore(%dma_wait3A_479 : memref<!tpu.dma_semaphore, #tpu.memory_space<semaphore_mem>>) src(%dma_wait3A_471 : memref<128x64xf32, #tpu.memory_space<vmem>>) dst(%dma_wait3A_477 : memref<10240x64xf32, #tpu.memory_space<vmem_shared>>)
      %dma_wait3A_480 = arith.constant 5 : i32
      %dma_wait3A_481 = arith.constant 5 : i32
      %dma_wait3A_482 = arith.constant 0 : i32
      %dma_wait3A_483 = arith.constant 0 : i32
      %dma_wait3A_484 = tpu.memref_slice %arg9[%dma_wait3A_480, %dma_wait3A_482, %dma_wait3A_483] : memref<8x128x64xf32, #tpu.memory_space<vmem>> -> memref<1x128x64xf32, #tpu.memory_space<vmem>>
      %dma_wait3A_485 = tpu.memref_squeeze %dma_wait3A_484 : memref<1x128x64xf32, #tpu.memory_space<vmem>> -> memref<128x64xf32, #tpu.memory_space<vmem>>
      %dma_wait3A_486 = arith.constant 0 : i32
      %dma_wait3A_487 = tpu.memref_slice %arg8[%add3A_331, %dma_wait3A_486] : memref<80x128xi32, #tpu.memory_space<vmem>> -> memref<1x128xi32, #tpu.memory_space<vmem>>
      %dma_wait3A_488 = tpu.memref_squeeze %dma_wait3A_487 : memref<1x128xi32, #tpu.memory_space<vmem>> -> memref<128xi32, #tpu.memory_space<vmem>>
      %dma_wait3A_489 = arith.constant 0 : i32
      %dma_wait3A_490 = arith.constant 0 : i32
      %dma_wait3A_491 = tpu.memref_slice %arg10[%dma_wait3A_489, %dma_wait3A_490] : memref<10240x64xf32, #tpu.memory_space<vmem_shared>> -> memref<10240x64xf32, #tpu.memory_space<vmem_shared>>
      %dma_wait3A_492 = tpu.memref_slice %arg12[%dma_wait3A_481] : memref<8x!tpu.dma_semaphore, #tpu.memory_space<semaphore_mem>> -> memref<1x!tpu.dma_semaphore, #tpu.memory_space<semaphore_mem>>
      %dma_wait3A_493 = tpu.memref_squeeze %dma_wait3A_492 : memref<1x!tpu.dma_semaphore, #tpu.memory_space<semaphore_mem>> -> memref<!tpu.dma_semaphore, #tpu.memory_space<semaphore_mem>>
      tpu.wait_indirect_dma semaphore(%dma_wait3A_493 : memref<!tpu.dma_semaphore, #tpu.memory_space<semaphore_mem>>) src(%dma_wait3A_485 : memref<128x64xf32, #tpu.memory_space<vmem>>) dst(%dma_wait3A_491 : memref<10240x64xf32, #tpu.memory_space<vmem_shared>>)
      %dma_wait3A_494 = arith.constant 6 : i32
      %dma_wait3A_495 = arith.constant 6 : i32
      %dma_wait3A_496 = arith.constant 0 : i32
      %dma_wait3A_497 = arith.constant 0 : i32
      %dma_wait3A_498 = tpu.memref_slice %arg9[%dma_wait3A_494, %dma_wait3A_496, %dma_wait3A_497] : memref<8x128x64xf32, #tpu.memory_space<vmem>> -> memref<1x128x64xf32, #tpu.memory_space<vmem>>
      %dma_wait3A_499 = tpu.memref_squeeze %dma_wait3A_498 : memref<1x128x64xf32, #tpu.memory_space<vmem>> -> memref<128x64xf32, #tpu.memory_space<vmem>>
      %dma_wait3A_500 = arith.constant 0 : i32
      %dma_wait3A_501 = tpu.memref_slice %arg8[%add3A_363, %dma_wait3A_500] : memref<80x128xi32, #tpu.memory_space<vmem>> -> memref<1x128xi32, #tpu.memory_space<vmem>>
      %dma_wait3A_502 = tpu.memref_squeeze %dma_wait3A_501 : memref<1x128xi32, #tpu.memory_space<vmem>> -> memref<128xi32, #tpu.memory_space<vmem>>
      %dma_wait3A_503 = arith.constant 0 : i32
      %dma_wait3A_504 = arith.constant 0 : i32
      %dma_wait3A_505 = tpu.memref_slice %arg10[%dma_wait3A_503, %dma_wait3A_504] : memref<10240x64xf32, #tpu.memory_space<vmem_shared>> -> memref<10240x64xf32, #tpu.memory_space<vmem_shared>>
      %dma_wait3A_506 = tpu.memref_slice %arg12[%dma_wait3A_495] : memref<8x!tpu.dma_semaphore, #tpu.memory_space<semaphore_mem>> -> memref<1x!tpu.dma_semaphore, #tpu.memory_space<semaphore_mem>>
      %dma_wait3A_507 = tpu.memref_squeeze %dma_wait3A_506 : memref<1x!tpu.dma_semaphore, #tpu.memory_space<semaphore_mem>> -> memref<!tpu.dma_semaphore, #tpu.memory_space<semaphore_mem>>
      tpu.wait_indirect_dma semaphore(%dma_wait3A_507 : memref<!tpu.dma_semaphore, #tpu.memory_space<semaphore_mem>>) src(%dma_wait3A_499 : memref<128x64xf32, #tpu.memory_space<vmem>>) dst(%dma_wait3A_505 : memref<10240x64xf32, #tpu.memory_space<vmem_shared>>)
      %dma_wait3A_508 = arith.constant 7 : i32
      %dma_wait3A_509 = arith.constant 7 : i32
      %dma_wait3A_510 = arith.constant 0 : i32
      %dma_wait3A_511 = arith.constant 0 : i32
      %dma_wait3A_512 = tpu.memref_slice %arg9[%dma_wait3A_508, %dma_wait3A_510, %dma_wait3A_511] : memref<8x128x64xf32, #tpu.memory_space<vmem>> -> memref<1x128x64xf32, #tpu.memory_space<vmem>>
      %dma_wait3A_513 = tpu.memref_squeeze %dma_wait3A_512 : memref<1x128x64xf32, #tpu.memory_space<vmem>> -> memref<128x64xf32, #tpu.memory_space<vmem>>
      %dma_wait3A_514 = arith.constant 0 : i32
      %dma_wait3A_515 = tpu.memref_slice %arg8[%add3A_395, %dma_wait3A_514] : memref<80x128xi32, #tpu.memory_space<vmem>> -> memref<1x128xi32, #tpu.memory_space<vmem>>
      %dma_wait3A_516 = tpu.memref_squeeze %dma_wait3A_515 : memref<1x128xi32, #tpu.memory_space<vmem>> -> memref<128xi32, #tpu.memory_space<vmem>>
      %dma_wait3A_517 = arith.constant 0 : i32
      %dma_wait3A_518 = arith.constant 0 : i32
      %dma_wait3A_519 = tpu.memref_slice %arg10[%dma_wait3A_517, %dma_wait3A_518] : memref<10240x64xf32, #tpu.memory_space<vmem_shared>> -> memref<10240x64xf32, #tpu.memory_space<vmem_shared>>
      %dma_wait3A_520 = tpu.memref_slice %arg12[%dma_wait3A_509] : memref<8x!tpu.dma_semaphore, #tpu.memory_space<semaphore_mem>> -> memref<1x!tpu.dma_semaphore, #tpu.memory_space<semaphore_mem>>
      %dma_wait3A_521 = tpu.memref_squeeze %dma_wait3A_520 : memref<1x!tpu.dma_semaphore, #tpu.memory_space<semaphore_mem>> -> memref<!tpu.dma_semaphore, #tpu.memory_space<semaphore_mem>>
      tpu.wait_indirect_dma semaphore(%dma_wait3A_521 : memref<!tpu.dma_semaphore, #tpu.memory_space<semaphore_mem>>) src(%dma_wait3A_513 : memref<128x64xf32, #tpu.memory_space<vmem>>) dst(%dma_wait3A_519 : memref<10240x64xf32, #tpu.memory_space<vmem_shared>>)
    }
    %scan3A_9 = arith.constant 10 : i32
    %barrier3A_10 = arith.constant 0 : index
    tpu.barrier barrier_id(%barrier3A_10)
    "tpu.region"() ({
      %run_scoped3A = tpu.sem_alloc : memref<!tpu.dma_semaphore, #tpu.memory_space<semaphore_mem>>
      %dma_start3A = arith.constant 0 : i32
      %dma_start3A_11 = tpu.memref_slice %arg6[%arg0, %mul3A_4, %dma_start3A] : memref<2x10240x64xf32, #tpu.memory_space<hbm>> -> memref<1x640x64xf32, #tpu.memory_space<hbm>>
      %dma_start3A_12 = tpu.memref_squeeze %dma_start3A_11 : memref<1x640x64xf32, #tpu.memory_space<hbm>> -> memref<640x64xf32, #tpu.memory_space<hbm>>
      %dma_start3A_13 = arith.constant 0 : i32
      %dma_start3A_14 = tpu.memref_slice %arg10[%mul3A_4, %dma_start3A_13] : memref<10240x64xf32, #tpu.memory_space<vmem_shared>> -> memref<640x64xf32, #tpu.memory_space<vmem_shared>>
      tpu.enqueue_dma source(%dma_start3A_14 : memref<640x64xf32, #tpu.memory_space<vmem_shared>>) target(%dma_start3A_12 : memref<640x64xf32, #tpu.memory_space<hbm>>) target_semaphore(%run_scoped3A : memref<!tpu.dma_semaphore, #tpu.memory_space<semaphore_mem>>)
      %dma_wait3A = arith.constant 0 : i32
      %dma_wait3A_15 = tpu.memref_slice %arg6[%arg0, %mul3A_4, %dma_wait3A] : memref<2x10240x64xf32, #tpu.memory_space<hbm>> -> memref<1x640x64xf32, #tpu.memory_space<hbm>>
      %dma_wait3A_16 = tpu.memref_squeeze %dma_wait3A_15 : memref<1x640x64xf32, #tpu.memory_space<hbm>> -> memref<640x64xf32, #tpu.memory_space<hbm>>
      %dma_wait3A_17 = arith.constant 0 : i32
      %dma_wait3A_18 = tpu.memref_slice %arg10[%mul3A_4, %dma_wait3A_17] : memref<10240x64xf32, #tpu.memory_space<vmem_shared>> -> memref<640x64xf32, #tpu.memory_space<vmem_shared>>
      tpu.wait_dma2 semaphore(%run_scoped3A : memref<!tpu.dma_semaphore, #tpu.memory_space<semaphore_mem>>) src(%dma_wait3A_18 : memref<640x64xf32, #tpu.memory_space<vmem_shared>>) dst(%dma_wait3A_16 : memref<640x64xf32, #tpu.memory_space<hbm>>)
      tpu.yield
    }) : () -> ()
    return
  }
}

module attributes {stable_mosaic.version = 14 : i64} {
  func.func @_tc1_body(%arg0: i32, %arg1: memref<1024x128xf32, #tpu.memory_space<vmem>>, %arg2: memref<1x128xf32, #tpu.memory_space<vmem>>, %arg3: memref<1x128xf32, #tpu.memory_space<vmem>>, %arg4: memref<128x64xf32, #tpu.memory_space<vmem>>, %arg5: memref<1024x2xf32, #tpu.memory_space<vmem>>, %arg6: memref<1024x64xf32, #tpu.memory_space<vmem>>, %arg7: memref<1024x1xf32, #tpu.memory_space<vmem>>) attributes {dimension_semantics = [#tpu.dimension_semantics<arbitrary>], iteration_bounds = array<i64: 10>, scalar_prefetch = 0 : i64, scratch_operands = 0 : i64, tpu.core_type = #tpu.core_type<tc>, window_params = [{transform_indices = @transform_0, window_bounds = array<i64: 1024, 128>}, {pipeline_mode = #tpu.pipeline_mode<synchronous>, transform_indices = @transform_1, window_bounds = array<i64: 1, 128>}, {pipeline_mode = #tpu.pipeline_mode<synchronous>, transform_indices = @transform_2, window_bounds = array<i64: 1, 128>}, {pipeline_mode = #tpu.pipeline_mode<synchronous>, transform_indices = @transform_3, window_bounds = array<i64: 128, 64>}, {transform_indices = @transform_4, window_bounds = array<i64: 1024, 2>}, {transform_indices = @transform_5, window_bounds = array<i64: 1024, 64>}, {transform_indices = @transform_6, window_bounds = array<i64: 1024, 1>}]} {
    %get3A = arith.constant 0 : index
    %get3A_0 = arith.constant 0 : index
    %get3A_1 = vector.load %arg1[%get3A, %get3A_0] : memref<1024x128xf32, #tpu.memory_space<vmem>>, vector<1024x128xf32>
    %get3A_2 = arith.constant 0 : index
    %get3A_3 = arith.constant 0 : index
    %get3A_4 = vector.load %arg2[%get3A_2, %get3A_3] : memref<1x128xf32, #tpu.memory_space<vmem>>, vector<1x128xf32>
    %sub3A = vector.broadcast %get3A_4 : vector<1x128xf32> to vector<1024x128xf32>
    %sub3A_5 = arith.subf %get3A_1, %sub3A : vector<1024x128xf32>
    %get3A_6 = arith.constant 0 : index
    %get3A_7 = arith.constant 0 : index
    %get3A_8 = vector.load %arg3[%get3A_6, %get3A_7] : memref<1x128xf32, #tpu.memory_space<vmem>>, vector<1x128xf32>
    %div3A = vector.broadcast %get3A_8 : vector<1x128xf32> to vector<1024x128xf32>
    %div3A_9 = arith.divf %sub3A_5, %div3A : vector<1024x128xf32>
    %get3A_10 = arith.constant 0 : index
    %get3A_11 = arith.constant 0 : index
    %get3A_12 = vector.load %arg4[%get3A_10, %get3A_11] : memref<128x64xf32, #tpu.memory_space<vmem>>, vector<128x64xf32>
    %dot_general3A = arith.constant dense<0.000000e+00> : vector<1024x64xf32>
    %dot_general3A_13 = tpu.matmul %div3A_9, %get3A_12, %dot_general3A {dimension_numbers = #tpu.dot_dimension_numbers<[1], [0], [0], [1], [0, 0, 1, 1], [], []>, transpose_lhs_hint = false} : vector<1024x128xf32>, vector<128x64xf32>, vector<1024x64xf32> -> vector<1024x64xf32>
    %get3A_14 = arith.constant 0 : index
    %get3A_15 = arith.constant 0 : index
    %get3A_16 = vector.load %arg5[%get3A_14, %get3A_15] : memref<1024x2xf32, #tpu.memory_space<vmem>>, vector<1024x2xf32>
    %slice3A = vector.extract_strided_slice %get3A_16 {offsets = [0, 0], sizes = [1024, 1], strides = [1, 1]} : vector<1024x2xf32> to vector<1024x1xf32>
    %add3A = arith.constant 1.000000e+00 : f32
    %add3A_17 = vector.broadcast %add3A : f32 to vector<1024x1xf32>
    %add3A_18 = arith.addf %add3A_17, %slice3A : vector<1024x1xf32>
    %slice3A_19 = vector.extract_strided_slice %get3A_16 {offsets = [0, 1], sizes = [1024, 1], strides = [1, 1]} : vector<1024x2xf32> to vector<1024x1xf32>
    %add3A_20 = arith.addf %add3A_18, %slice3A_19 : vector<1024x1xf32>
    %rsqrt3A = math.rsqrt %add3A_20 : vector<1024x1xf32>
    %mul3A = vector.broadcast %rsqrt3A : vector<1024x1xf32> to vector<1024x64xf32>
    %mul3A_21 = arith.mulf %dot_general3A_13, %mul3A : vector<1024x64xf32>
    %swap3A = arith.constant 0 : index
    %swap3A_22 = arith.constant 0 : index
    %swap3A_23 = vector.load %arg6[%swap3A, %swap3A_22] : memref<1024x64xf32, #tpu.memory_space<vmem>>, vector<1024x64xf32>
    tpu.vector_store %arg6[%swap3A, %swap3A_22], %mul3A_21 {strides = array<i32>} : memref<1024x64xf32, #tpu.memory_space<vmem>>, vector<1024x64xf32>,
    %swap3A_24 = arith.constant 0 : index
    %swap3A_25 = arith.constant 0 : index
    %swap3A_26 = vector.load %arg7[%swap3A_24, %swap3A_25] : memref<1024x1xf32, #tpu.memory_space<vmem>>, vector<1024x1xf32>
    tpu.vector_store %arg7[%swap3A_24, %swap3A_25], %rsqrt3A {strides = array<i32>} : memref<1024x1xf32, #tpu.memory_space<vmem>>, vector<1024x1xf32>,
    return
  }
  func.func @transform_0(%arg0: i32) -> (i32, i32) {
    %c0_i32 = arith.constant 0 : i32
    %c0_i32_0 = arith.constant 0 : i32
    return %arg0, %c0_i32 : i32, i32
  }
  func.func @transform_1(%arg0: i32) -> (i32, i32) {
    %c0_i32 = arith.constant 0 : i32
    %c0_i32_0 = arith.constant 0 : i32
    %c0_i32_1 = arith.constant 0 : i32
    return %c0_i32, %c0_i32_0 : i32, i32
  }
  func.func @transform_2(%arg0: i32) -> (i32, i32) {
    %c0_i32 = arith.constant 0 : i32
    %c0_i32_0 = arith.constant 0 : i32
    %c0_i32_1 = arith.constant 0 : i32
    return %c0_i32, %c0_i32_0 : i32, i32
  }
  func.func @transform_3(%arg0: i32) -> (i32, i32) {
    %c0_i32 = arith.constant 0 : i32
    %c0_i32_0 = arith.constant 0 : i32
    %c0_i32_1 = arith.constant 0 : i32
    return %c0_i32, %c0_i32_0 : i32, i32
  }
  func.func @transform_4(%arg0: i32) -> (i32, i32) {
    %c0_i32 = arith.constant 0 : i32
    %c0_i32_0 = arith.constant 0 : i32
    return %arg0, %c0_i32 : i32, i32
  }
  func.func @transform_5(%arg0: i32) -> (i32, i32) {
    %c0_i32 = arith.constant 0 : i32
    %c0_i32_0 = arith.constant 0 : i32
    return %arg0, %c0_i32 : i32, i32
  }
  func.func @transform_6(%arg0: i32) -> (i32, i32) {
    %c0_i32 = arith.constant 0 : i32
    %c0_i32_0 = arith.constant 0 : i32
    return %arg0, %c0_i32 : i32, i32
  }
}

module attributes {stable_mosaic.version = 14 : i64} {
  func.func @_tc2_body(%arg0: i32, %arg1: memref<2x1024x64xf32, #tpu.memory_space<vmem>>, %arg2: memref<1024x64xf32, #tpu.memory_space<vmem>>, %arg3: memref<1024x1xf32, #tpu.memory_space<vmem>>, %arg4: memref<1x64xf32, #tpu.memory_space<vmem>>, %arg5: memref<64x32xf32, #tpu.memory_space<vmem>>, %arg6: memref<1024x32xf32, #tpu.memory_space<vmem>>) attributes {dimension_semantics = [#tpu.dimension_semantics<arbitrary>], iteration_bounds = array<i64: 10>, scalar_prefetch = 0 : i64, scratch_operands = 0 : i64, tpu.core_type = #tpu.core_type<tc>, window_params = [{transform_indices = @transform_0, window_bounds = array<i64: 2, 1024, 64>}, {transform_indices = @transform_1, window_bounds = array<i64: 1024, 64>}, {transform_indices = @transform_2, window_bounds = array<i64: 1024, 1>}, {pipeline_mode = #tpu.pipeline_mode<synchronous>, transform_indices = @transform_3, window_bounds = array<i64: 1, 64>}, {pipeline_mode = #tpu.pipeline_mode<synchronous>, transform_indices = @transform_4, window_bounds = array<i64: 64, 32>}, {transform_indices = @transform_5, window_bounds = array<i64: 1024, 32>}]} {
    %get3A = arith.constant 0 : index
    %get3A_0 = arith.constant 0 : index
    %get3A_1 = arith.constant 0 : index
    %get3A_2 = vector.load %arg1[%get3A, %get3A_0, %get3A_1] : memref<2x1024x64xf32, #tpu.memory_space<vmem>>, vector<2x1024x64xf32>
    %slice3A = vector.extract_strided_slice %get3A_2 {offsets = [0, 0, 0], sizes = [1, 1024, 64], strides = [1, 1, 1]} : vector<2x1024x64xf32> to vector<1x1024x64xf32>
    %squeeze3A = vector.shape_cast %slice3A : vector<1x1024x64xf32> to vector<1024x64xf32>
    %slice3A_3 = vector.extract_strided_slice %get3A_2 {offsets = [1, 0, 0], sizes = [1, 1024, 64], strides = [1, 1, 1]} : vector<2x1024x64xf32> to vector<1x1024x64xf32>
    %squeeze3A_4 = vector.shape_cast %slice3A_3 : vector<1x1024x64xf32> to vector<1024x64xf32>
    %add3A = arith.addf %squeeze3A, %squeeze3A_4 : vector<1024x64xf32>
    %get3A_5 = arith.constant 0 : index
    %get3A_6 = arith.constant 0 : index
    %get3A_7 = vector.load %arg2[%get3A_5, %get3A_6] : memref<1024x64xf32, #tpu.memory_space<vmem>>, vector<1024x64xf32>
    %add3A_8 = arith.addf %add3A, %get3A_7 : vector<1024x64xf32>
    %get3A_9 = arith.constant 0 : index
    %get3A_10 = arith.constant 0 : index
    %get3A_11 = vector.load %arg3[%get3A_9, %get3A_10] : memref<1024x1xf32, #tpu.memory_space<vmem>>, vector<1024x1xf32>
    %mul3A = vector.broadcast %get3A_11 : vector<1024x1xf32> to vector<1024x64xf32>
    %mul3A_12 = arith.mulf %mul3A, %add3A_8 : vector<1024x64xf32>
    %get3A_13 = arith.constant 0 : index
    %get3A_14 = arith.constant 0 : index
    %get3A_15 = vector.load %arg4[%get3A_13, %get3A_14] : memref<1x64xf32, #tpu.memory_space<vmem>>, vector<1x64xf32>
    %add3A_16 = vector.broadcast %get3A_15 : vector<1x64xf32> to vector<1024x64xf32>
    %add3A_17 = arith.addf %mul3A_12, %add3A_16 : vector<1024x64xf32>
    %max3A = arith.constant 0.000000e+00 : f32
    %max3A_18 = vector.broadcast %max3A : f32 to vector<1024x64xf32>
    %max3A_19 = arith.maximumf %add3A_17, %max3A_18 : vector<1024x64xf32>
    %get3A_20 = arith.constant 0 : index
    %get3A_21 = arith.constant 0 : index
    %get3A_22 = vector.load %arg5[%get3A_20, %get3A_21] : memref<64x32xf32, #tpu.memory_space<vmem>>, vector<64x32xf32>
    %dot_general3A = arith.constant dense<0.000000e+00> : vector<1024x32xf32>
    %dot_general3A_23 = tpu.matmul %max3A_19, %get3A_22, %dot_general3A {dimension_numbers = #tpu.dot_dimension_numbers<[1], [0], [0], [1], [0, 0, 1, 1], [], []>, transpose_lhs_hint = false} : vector<1024x64xf32>, vector<64x32xf32>, vector<1024x32xf32> -> vector<1024x32xf32>
    %get3A_24 = arith.constant 0 : index
    %get3A_25 = arith.constant 0 : index
    %get3A_26 = vector.load %arg3[%get3A_24, %get3A_25] : memref<1024x1xf32, #tpu.memory_space<vmem>>, vector<1024x1xf32>
    %mul3A_27 = vector.broadcast %get3A_26 : vector<1024x1xf32> to vector<1024x32xf32>
    %mul3A_28 = arith.mulf %dot_general3A_23, %mul3A_27 : vector<1024x32xf32>
    %swap3A = arith.constant 0 : index
    %swap3A_29 = arith.constant 0 : index
    %swap3A_30 = vector.load %arg6[%swap3A, %swap3A_29] : memref<1024x32xf32, #tpu.memory_space<vmem>>, vector<1024x32xf32>
    tpu.vector_store %arg6[%swap3A, %swap3A_29], %mul3A_28 {strides = array<i32>} : memref<1024x32xf32, #tpu.memory_space<vmem>>, vector<1024x32xf32>,
    return
  }
  func.func @transform_0(%arg0: i32) -> (i32, i32, i32) {
    %c0_i32 = arith.constant 0 : i32
    %c0_i32_0 = arith.constant 0 : i32
    %c0_i32_1 = arith.constant 0 : i32
    return %c0_i32, %arg0, %c0_i32_0 : i32, i32, i32
  }
  func.func @transform_1(%arg0: i32) -> (i32, i32) {
    %c0_i32 = arith.constant 0 : i32
    %c0_i32_0 = arith.constant 0 : i32
    return %arg0, %c0_i32 : i32, i32
  }
  func.func @transform_2(%arg0: i32) -> (i32, i32) {
    %c0_i32 = arith.constant 0 : i32
    %c0_i32_0 = arith.constant 0 : i32
    return %arg0, %c0_i32 : i32, i32
  }
  func.func @transform_3(%arg0: i32) -> (i32, i32) {
    %c0_i32 = arith.constant 0 : i32
    %c0_i32_0 = arith.constant 0 : i32
    %c0_i32_1 = arith.constant 0 : i32
    return %c0_i32, %c0_i32_0 : i32, i32
  }
  func.func @transform_4(%arg0: i32) -> (i32, i32) {
    %c0_i32 = arith.constant 0 : i32
    %c0_i32_0 = arith.constant 0 : i32
    %c0_i32_1 = arith.constant 0 : i32
    return %c0_i32, %c0_i32_0 : i32, i32
  }
  func.func @transform_5(%arg0: i32) -> (i32, i32) {
    %c0_i32 = arith.constant 0 : i32
    %c0_i32_0 = arith.constant 0 : i32
    return %arg0, %c0_i32 : i32, i32
  }
}

module attributes {stable_mosaic.version = 14 : i64} {
  func.func @_tc3_body(%arg0: i32, %arg1: memref<2x1024x32xf32, #tpu.memory_space<vmem>>, %arg2: memref<1024x32xf32, #tpu.memory_space<vmem>>, %arg3: memref<1024x1xf32, #tpu.memory_space<vmem>>, %arg4: memref<1x32xf32, #tpu.memory_space<vmem>>, %arg5: memref<64x32xf32, #tpu.memory_space<vmem>>, %arg6: memref<1x32xf32, #tpu.memory_space<vmem>>, %arg7: memref<1x32xf32, #tpu.memory_space<vmem>>, %arg8: memref<1x1xf32, #tpu.memory_space<vmem>>, %arg9: memref<1x32xf32, #tpu.memory_space<vmem>>, %arg10: memref<1x1xf32, #tpu.memory_space<vmem>>) attributes {dimension_semantics = [#tpu.dimension_semantics<arbitrary>], iteration_bounds = array<i64: 10>, scalar_prefetch = 0 : i64, scratch_operands = 0 : i64, tpu.core_type = #tpu.core_type<tc>, window_params = [{transform_indices = @transform_0, window_bounds = array<i64: 2, 1024, 32>}, {transform_indices = @transform_1, window_bounds = array<i64: 1024, 32>}, {transform_indices = @transform_2, window_bounds = array<i64: 1024, 1>}, {pipeline_mode = #tpu.pipeline_mode<synchronous>, transform_indices = @transform_3, window_bounds = array<i64: 1, 32>}, {pipeline_mode = #tpu.pipeline_mode<synchronous>, transform_indices = @transform_4, window_bounds = array<i64: 64, 32>}, {pipeline_mode = #tpu.pipeline_mode<synchronous>, transform_indices = @transform_5, window_bounds = array<i64: 1, 32>}, {pipeline_mode = #tpu.pipeline_mode<synchronous>, transform_indices = @transform_6, window_bounds = array<i64: 1, 32>}, {pipeline_mode = #tpu.pipeline_mode<synchronous>, transform_indices = @transform_7, window_bounds = array<i64: 1, 1>}, {pipeline_mode = #tpu.pipeline_mode<synchronous>, transform_indices = @transform_8, window_bounds = array<i64: 1, 32>}, {pipeline_mode = #tpu.pipeline_mode<synchronous>, transform_indices = @transform_9, window_bounds = array<i64: 1, 1>}]} {
    %get3A = arith.constant 0 : index
    %get3A_0 = arith.constant 0 : index
    %get3A_1 = arith.constant 0 : index
    %get3A_2 = vector.load %arg1[%get3A, %get3A_0, %get3A_1] : memref<2x1024x32xf32, #tpu.memory_space<vmem>>, vector<2x1024x32xf32>
    %slice3A = vector.extract_strided_slice %get3A_2 {offsets = [0, 0, 0], sizes = [1, 1024, 32], strides = [1, 1, 1]} : vector<2x1024x32xf32> to vector<1x1024x32xf32>
    %squeeze3A = vector.shape_cast %slice3A : vector<1x1024x32xf32> to vector<1024x32xf32>
    %slice3A_3 = vector.extract_strided_slice %get3A_2 {offsets = [1, 0, 0], sizes = [1, 1024, 32], strides = [1, 1, 1]} : vector<2x1024x32xf32> to vector<1x1024x32xf32>
    %squeeze3A_4 = vector.shape_cast %slice3A_3 : vector<1x1024x32xf32> to vector<1024x32xf32>
    %add3A = arith.addf %squeeze3A, %squeeze3A_4 : vector<1024x32xf32>
    %get3A_5 = arith.constant 0 : index
    %get3A_6 = arith.constant 0 : index
    %get3A_7 = vector.load %arg2[%get3A_5, %get3A_6] : memref<1024x32xf32, #tpu.memory_space<vmem>>, vector<1024x32xf32>
    %add3A_8 = arith.addf %add3A, %get3A_7 : vector<1024x32xf32>
    %get3A_9 = arith.constant 0 : index
    %get3A_10 = arith.constant 0 : index
    %get3A_11 = vector.load %arg3[%get3A_9, %get3A_10] : memref<1024x1xf32, #tpu.memory_space<vmem>>, vector<1024x1xf32>
    %mul3A = vector.broadcast %get3A_11 : vector<1024x1xf32> to vector<1024x32xf32>
    %mul3A_12 = arith.mulf %mul3A, %add3A_8 : vector<1024x32xf32>
    %get3A_13 = arith.constant 0 : index
    %get3A_14 = arith.constant 0 : index
    %get3A_15 = vector.load %arg4[%get3A_13, %get3A_14] : memref<1x32xf32, #tpu.memory_space<vmem>>, vector<1x32xf32>
    %add3A_16 = vector.broadcast %get3A_15 : vector<1x32xf32> to vector<1024x32xf32>
    %add3A_17 = arith.addf %mul3A_12, %add3A_16 : vector<1024x32xf32>
    %max3A = arith.constant 0.000000e+00 : f32
    %max3A_18 = vector.broadcast %max3A : f32 to vector<1024x32xf32>
    %max3A_19 = arith.maximumf %add3A_17, %max3A_18 : vector<1024x32xf32>
    %iota3A = tpu.iota {dimensions = array<i32: 0>} : vector<1024x1xi32>
    %mul3A_20 = arith.constant 1024 : i32
    %mul3A_21 = arith.muli %arg0, %mul3A_20 : i32
    %add3A_22 = vector.broadcast %mul3A_21 : i32 to vector<1024x1xi32>
    %add3A_23 = arith.addi %iota3A, %add3A_22 : vector<1024x1xi32>
    %lt3A = arith.constant 10000 : i32
    %lt3A_24 = vector.broadcast %lt3A : i32 to vector<1024x1xi32>
    %lt3A_25 = arith.cmpi slt, %add3A_23, %lt3A_24 : vector<1024x1xi32>
    %jit3A = arith.constant 0.000000e+00 : f32
    %broadcast_in_dim3A = vector.shape_cast %lt3A_25 : vector<1024x1xi1> to vector<1024x1xi1>
    %broadcast_in_dim3A_26 = vector.broadcast %broadcast_in_dim3A : vector<1024x1xi1> to vector<1024x32xi1>
    %broadcast_in_dim3A_27 = vector.broadcast %jit3A : f32 to vector<1024x32xf32>
    %select_n3A = arith.select %broadcast_in_dim3A_26, %max3A_19, %broadcast_in_dim3A_27 : vector<1024x32xi1>, vector<1024x32xf32>
    %reduce_sum3A = arith.constant dense<0.000000e+00> : vector<32xf32>
    %reduce_sum3A_28 = vector.multi_reduction <add>, %select_n3A, %reduce_sum3A [0] : vector<1024x32xf32> to vector<32xf32>
    %broadcast_in_dim3A_29 = vector.shape_cast %reduce_sum3A_28 : vector<32xf32> to vector<1x32xf32>
    %eq3A = arith.constant 0 : i32
    %eq3A_30 = arith.cmpi eq, %arg0, %eq3A : i32
    %convert_element_type3A = arith.extui %eq3A_30 : i1 to i32
    %cond3A = arith.constant 0 : i32
    %cond3A_31 = arith.cmpi ne, %convert_element_type3A, %cond3A : i32
    scf.if %cond3A_31 {
      %broadcast_in_dim3A_43 = arith.constant 0.000000e+00 : f32
      %broadcast_in_dim3A_44 = vector.broadcast %broadcast_in_dim3A_43 : f32 to vector<1x32xf32>
      %swap3A_45 = arith.constant 0 : index
      %swap3A_46 = arith.constant 0 : index
      %swap3A_47 = vector.load %arg9[%swap3A_45, %swap3A_46] : memref<1x32xf32, #tpu.memory_space<vmem>>, vector<1x32xf32>
      tpu.vector_store %arg9[%swap3A_45, %swap3A_46], %broadcast_in_dim3A_44 {strides = array<i32>} : memref<1x32xf32, #tpu.memory_space<vmem>>, vector<1x32xf32>,
    } else {
    }
    %get3A_32 = arith.constant 0 : index
    %get3A_33 = arith.constant 0 : index
    %get3A_34 = vector.load %arg9[%get3A_32, %get3A_33] : memref<1x32xf32, #tpu.memory_space<vmem>>, vector<1x32xf32>
    %add3A_35 = arith.addf %get3A_34, %broadcast_in_dim3A_29 : vector<1x32xf32>
    %swap3A = arith.constant 0 : index
    %swap3A_36 = arith.constant 0 : index
    %swap3A_37 = vector.load %arg9[%swap3A, %swap3A_36] : memref<1x32xf32, #tpu.memory_space<vmem>>, vector<1x32xf32>
    tpu.vector_store %arg9[%swap3A, %swap3A_36], %add3A_35 {strides = array<i32>} : memref<1x32xf32, #tpu.memory_space<vmem>>, vector<1x32xf32>,
    %eq3A_38 = arith.constant 9 : i32
    %eq3A_39 = arith.cmpi eq, %arg0, %eq3A_38 : i32
    %convert_element_type3A_40 = arith.extui %eq3A_39 : i1 to i32
    %cond3A_41 = arith.constant 0 : i32
    %cond3A_42 = arith.cmpi ne, %convert_element_type3A_40, %cond3A_41 : i32
    scf.if %cond3A_42 {
      %get3A_43 = arith.constant 0 : index
      %get3A_44 = arith.constant 0 : index
      %get3A_45 = vector.load %arg9[%get3A_43, %get3A_44] : memref<1x32xf32, #tpu.memory_space<vmem>>, vector<1x32xf32>
      %div3A = arith.constant 1.000000e+04 : f32
      %div3A_46 = vector.broadcast %div3A : f32 to vector<1x32xf32>
      %div3A_47 = arith.divf %get3A_45, %div3A_46 : vector<1x32xf32>
      %concatenate3A = tpu.concatenate %div3A_47, %get3A_45 in 1 : vector<1x32xf32>, vector<1x32xf32> -> vector<1x64xf32>
      %get3A_48 = arith.constant 0 : index
      %get3A_49 = arith.constant 0 : index
      %get3A_50 = vector.load %arg5[%get3A_48, %get3A_49] : memref<64x32xf32, #tpu.memory_space<vmem>>, vector<64x32xf32>
      %dot_general3A = arith.constant dense<0.000000e+00> : vector<1x32xf32>
      %dot_general3A_51 = tpu.matmul %concatenate3A, %get3A_50, %dot_general3A {dimension_numbers = #tpu.dot_dimension_numbers<[1], [0], [0], [1], [0, 0, 1, 1], [], []>, transpose_lhs_hint = false} : vector<1x64xf32>, vector<64x32xf32>, vector<1x32xf32> -> vector<1x32xf32>
      %get3A_52 = arith.constant 0 : index
      %get3A_53 = arith.constant 0 : index
      %get3A_54 = vector.load %arg6[%get3A_52, %get3A_53] : memref<1x32xf32, #tpu.memory_space<vmem>>, vector<1x32xf32>
      %add3A_55 = arith.addf %dot_general3A_51, %get3A_54 : vector<1x32xf32>
      %max3A_56 = arith.constant 0.000000e+00 : f32
      %max3A_57 = vector.broadcast %max3A_56 : f32 to vector<1x32xf32>
      %max3A_58 = arith.maximumf %add3A_55, %max3A_57 : vector<1x32xf32>
      %get3A_59 = arith.constant 0 : index
      %get3A_60 = arith.constant 0 : index
      %get3A_61 = vector.load %arg7[%get3A_59, %get3A_60] : memref<1x32xf32, #tpu.memory_space<vmem>>, vector<1x32xf32>
      %mul3A_62 = arith.mulf %max3A_58, %get3A_61 : vector<1x32xf32>
      %reduce_sum3A_63 = arith.constant dense<0.000000e+00> : vector<1xf32>
      %reduce_sum3A_64 = vector.multi_reduction <add>, %mul3A_62, %reduce_sum3A_63 [1] : vector<1x32xf32> to vector<1xf32>
      %broadcast_in_dim3A_65 = vector.shape_cast %reduce_sum3A_64 : vector<1xf32> to vector<1x1xf32>
      %get3A_66 = arith.constant 0 : index
      %get3A_67 = arith.constant 0 : index
      %get3A_68 = vector.load %arg8[%get3A_66, %get3A_67] : memref<1x1xf32, #tpu.memory_space<vmem>>, vector<1x1xf32>
      %add3A_69 = arith.addf %broadcast_in_dim3A_65, %get3A_68 : vector<1x1xf32>
      %swap3A_70 = arith.constant 0 : index
      %swap3A_71 = arith.constant 0 : index
      %swap3A_72 = vector.load %arg10[%swap3A_70, %swap3A_71] : memref<1x1xf32, #tpu.memory_space<vmem>>, vector<1x1xf32>
      tpu.vector_store %arg10[%swap3A_70, %swap3A_71], %add3A_69 {strides = array<i32>} : memref<1x1xf32, #tpu.memory_space<vmem>>, vector<1x1xf32>,
    } else {
    }
    return
  }
  func.func @transform_0(%arg0: i32) -> (i32, i32, i32) {
    %c0_i32 = arith.constant 0 : i32
    %c0_i32_0 = arith.constant 0 : i32
    %c0_i32_1 = arith.constant 0 : i32
    return %c0_i32, %arg0, %c0_i32_0 : i32, i32, i32
  }
  func.func @transform_1(%arg0: i32) -> (i32, i32) {
    %c0_i32 = arith.constant 0 : i32
    %c0_i32_0 = arith.constant 0 : i32
    return %arg0, %c0_i32 : i32, i32
  }
  func.func @transform_2(%arg0: i32) -> (i32, i32) {
    %c0_i32 = arith.constant 0 : i32
    %c0_i32_0 = arith.constant 0 : i32
    return %arg0, %c0_i32 : i32, i32
  }
  func.func @transform_3(%arg0: i32) -> (i32, i32) {
    %c0_i32 = arith.constant 0 : i32
    %c0_i32_0 = arith.constant 0 : i32
    %c0_i32_1 = arith.constant 0 : i32
    return %c0_i32, %c0_i32_0 : i32, i32
  }
  func.func @transform_4(%arg0: i32) -> (i32, i32) {
    %c0_i32 = arith.constant 0 : i32
    %c0_i32_0 = arith.constant 0 : i32
    %c0_i32_1 = arith.constant 0 : i32
    return %c0_i32, %c0_i32_0 : i32, i32
  }
  func.func @transform_5(%arg0: i32) -> (i32, i32) {
    %c0_i32 = arith.constant 0 : i32
    %c0_i32_0 = arith.constant 0 : i32
    %c0_i32_1 = arith.constant 0 : i32
    return %c0_i32, %c0_i32_0 : i32, i32
  }
  func.func @transform_6(%arg0: i32) -> (i32, i32) {
    %c0_i32 = arith.constant 0 : i32
    %c0_i32_0 = arith.constant 0 : i32
    %c0_i32_1 = arith.constant 0 : i32
    return %c0_i32, %c0_i32_0 : i32, i32
  }
  func.func @transform_7(%arg0: i32) -> (i32, i32) {
    %c0_i32 = arith.constant 0 : i32
    %c0_i32_0 = arith.constant 0 : i32
    %c0_i32_1 = arith.constant 0 : i32
    return %c0_i32, %c0_i32_0 : i32, i32
  }
  func.func @transform_8(%arg0: i32) -> (i32, i32) {
    %c0_i32 = arith.constant 0 : i32
    %c0_i32_0 = arith.constant 0 : i32
    %c0_i32_1 = arith.constant 0 : i32
    return %c0_i32, %c0_i32_0 : i32, i32
  }
  func.func @transform_9(%arg0: i32) -> (i32, i32) {
    %c0_i32 = arith.constant 0 : i32
    %c0_i32_0 = arith.constant 0 : i32
    %c0_i32_1 = arith.constant 0 : i32
    return %c0_i32, %c0_i32_0 : i32, i32
  }
}

</mosaic_0001>

<sc_bundles>
// kernel: kernel.11.cloned.1.call-start
scs
__scs_entry_jumppad:
0x0: {  	(pc) =	sbr.rel $0x88, $3  }
0x1: {  	(tag) =	ssettag $0x0;
	lr =	simm.s32 $0x1  }
0x2: {  	[smem:$0x3F95] =	sst lr;
	_ =	strace $0xD0000000  }
0x3: {  	_ = 	snop  }
0x4: {  	_ = 	snop  }
0x5: {  	_ = 	snop  }
0x6: {  	_ = 	snop  }
0x7: {  	_ = 	snop  }
__scs_overlays_trampoline_lowered:
0x8: {  	[smem:$0x3FA4] =	sst s0  }
0x9: {  	[smem:$0x3FA5] =	sst s1  }
0xa: {  	[smem:$0x3FA6] =	sst s2  }
0xb: {  	[smem:$0x3FA7] =	sst s3  }
0xc: {  	[smem:$0x3FA8] =	sst s4  }
0xd: {  	[smem:$0x3FA9] =	sst s5  }
0xe: {  	[smem:$0x3FAA] =	sst s6  }
0xf: {  	[smem:$0x3FAB] =	sst s7  }
0x10: {  	[smem:$0x3FAC] =	sst s8  }
0x11: {  	[smem:$0x3FAD] =	sst s9;
	s0 =	simm.s32 @!p0 $0x0  }
0x12: {  	s1 =	sld [smem:$0x3F93];
	s0 =	simm.s32 @p0 $0x1  }
0x13: {  	[smem:$0x3FAE] =	sst s0;
	s0 =	simm.s32 @!p1 $0x0  }
0x14: {  	s2 =	sld [smem:$0x3F92];
	s0 =	simm.s32 @p1 $0x1  }
0x15: {  	[smem:$0x3FAF] =	sst s0;
	s0 =	simm.s32 @!p2 $0x0  }
0x16: {  	s3 =	sld [smem:$0x3FDB];
	s0 =	simm.s32 @p2 $0x1  }
0x17: {  	s4 =	simm.s32 $0x1BF5;
	[smem:$0x3FB1] =	sst s0  }
0x18: {  	s0 =	sld [smem:$0x3F94];
	_ =	swait.ge [sflag:s4], $0x0  }
0x19: {  	s7 =	sld [smem:$0x3F95]  }
0x1a: {  	s8 =	sadd.s32 $0xFFFFE003, lr  }
0x1b: {  	s9 =	sadd.s32 $0xFFFFFEF7, lr;
	s5 =	simm.s32 $0xFFFFFFFF;
	p2 =	slt.u32 s8, $0xFFFFF086  }
0x1c: {  	p1 =	slt.u32 s9, $0xF7A;
	s5 =	simm.s32 @!p2 $0x0  }
0x1d: {  	s5 =	simm.s32 @p1 $0x1;
	p0 =	seq.s32 s7, s2  }
0x1e: {  	s7 =	smul.u32 @!p0 $0xF7A, s2;
	p2 =	seq.s32 @!p0 s5, $0x0  }
0x1f: {  	s9 =	smul.u32 $0xF7A, s1;
	s8 =	simm.s32 @!p0 $0x1BF5;
	p2 =	por !p2, p0  }
0x20: {  	[sflag:s8] =	ssyncset.s32 @!p0 $0xFFFFF086;
	s6 =	sadd.s32 @!p0 s3, s7;
	s7 =	simm.s32 @!p0 $0x108  }
0x21: {  	s3 =	sadd.s32 s3, s9;
	s6 =	sadd.s32 @!p0 $0x88, s6;
	s7 =	simm.s32 @p2 $0x1082  }
0x22: {  	[simem:s7], [sflag:s8] =	dma.local @!p0 [hbm:s6], $0xF7A  }
0x23: {  	s9 =	sor.u32 $0xD0000000, s2;
	s6 =	simm.s32 $0x108;
	_ =	swait.ge @!p0 [sflag:s8], $0x0  }
0x24: {  	s3 =	sadd.s32 $0x88, s3;
	s6 =	simm.s32 @!p1 $0x1082;
	[sflag:s4] =	ssyncset.s32 $0xFFFFF086  }
0x25: {  	[simem:s6], [sflag:s4] =	dma.local [hbm:s3], $0xF7A  }
0x26: {  	[smem:$0x3F95] =	sst s1;
	(tag) =	ssettag s2;
	_ =	strace s9  }
0x27: {  	s1 =	sld [smem:$0x3FA5]  }
0x28: {  	s2 =	sld [smem:$0x3FA6]  }
0x29: {  	s4 =	sld [smem:$0x3FA8]  }
0x2a: {  	p0 =	seq.s32 s5, $0x0;
	s5 =	sld [smem:$0x3FA9]  }
0x2b: {  	s6 =	sld [smem:$0x3FAA]  }
0x2c: {  	s7 =	sld [smem:$0x3FAB]  }
0x2d: {  	s3 =	simm.s32 $0x108;
	s8 =	sld [smem:$0x3FAC]  }
0x2e: {  	s3 =	simm.s32 @!p0 $0x1082;
	s9 =	sld [smem:$0x3FAD]  }
0x2f: {  	lr =	sadd.s32 s0, s3;
	s0 =	sld [smem:$0x3FA4]  }
0x30: {  	s3 =	sld [smem:$0x3FA7]  }
0x31: {  	[smem:$0x3FB0] =	sst s10  }
0x32: {  	s10 =	sld [smem:$0x3FAE];
	_ =	sdelay $0x3  }
0x33: {  	p0 =	seq.s32 s10, $0x1;
	s10 =	sld [smem:$0x3FB0];
	_ =	sdelay $0x3  }
0x34: {  	[smem:$0x3FB0] =	sst s10  }
0x35: {  	s10 =	sld [smem:$0x3FAF];
	_ =	sdelay $0x3  }
0x36: {  	p1 =	seq.s32 s10, $0x1;
	s10 =	sld [smem:$0x3FB0];
	_ =	sdelay $0x3  }
0x37: {  	[smem:$0x3FB0] =	sst s10  }
0x38: {  	s10 =	sld [smem:$0x3FB1]  }
0x39: {  	_ = 	snop;
	(pc) =	sbr.ind lr, $3  }
0x3a: {  	_ = 	snop  }
0x3b: {  	_ = 	snop  }
0x3c: {  	p2 =	seq.s32 s10, $0x1;
	s10 =	sld [smem:$0x3FB0]  }
0x3d: {  	_ =	shalt  }
0x3e: {  	_ =	shalt  }
0x3f: {  	_ =	shalt  }
0x40: {  	_ =	shalt  }
0x41: {  	_ =	shalt  }
0x42: {  	_ =	shalt  }
0x43: {  	_ =	shalt  }
0x44: {  	_ =	shalt  }
0x45: {  	_ =	shalt  }
0x46: {  	_ =	shalt  }
0x47: {  	_ =	shalt  }
0x48: {  	_ =	shalt  }
0x49: {  	_ =	shalt  }
0x4a: {  	_ =	shalt  }
0x4b: {  	_ =	shalt  }
0x4c: {  	_ =	shalt  }
0x4d: {  	_ =	shalt  }
0x4e: {  	_ =	shalt  }
0x4f: {  	_ =	shalt  }
0x50: {  	_ =	shalt  }
0x51: {  	_ =	shalt  }
0x52: {  	_ =	shalt  }
0x53: {  	_ =	shalt  }
0x54: {  	_ =	shalt  }
0x55: {  	_ =	shalt  }
0x56: {  	_ =	shalt  }
0x57: {  	_ =	shalt  }
0x58: {  	_ =	shalt  }
0x59: {  	_ =	shalt  }
0x5a: {  	_ =	shalt  }
0x5b: {  	_ =	shalt  }
0x5c: {  	_ =	shalt  }
0x5d: {  	_ =	shalt  }
0x5e: {  	_ =	shalt  }
0x5f: {  	_ =	shalt  }
0x60: {  	_ =	shalt  }
0x61: {  	_ =	shalt  }
0x62: {  	_ =	shalt  }
0x63: {  	_ =	shalt  }
0x64: {  	_ =	shalt  }
0x65: {  	_ =	shalt  }
0x66: {  	_ =	shalt  }
0x67: {  	_ =	shalt  }
0x68: {  	_ =	shalt  }
0x69: {  	_ =	shalt  }
0x6a: {  	_ =	shalt  }
0x6b: {  	_ =	shalt  }
0x6c: {  	_ =	shalt  }
0x6d: {  	_ =	shalt  }
0x6e: {  	_ =	shalt  }
0x6f: {  	_ =	shalt  }
0x70: {  	_ =	shalt  }
0x71: {  	_ =	shalt  }
0x72: {  	_ =	shalt  }
0x73: {  	_ =	shalt  }
0x74: {  	_ =	shalt  }
0x75: {  	_ =	shalt  }
0x76: {  	_ =	shalt  }
0x77: {  	_ =	shalt  }
0x78: {  	_ =	shalt  }
0x79: {  	_ =	shalt  }
0x7a: {  	_ =	shalt  }
0x7b: {  	_ =	shalt  }
0x7c: {  	_ =	shalt  }
0x7d: {  	_ =	shalt  }
0x7e: {  	_ =	shalt  }
0x7f: {  	_ =	shalt  }
0x80: {  	_ =	shalt  }
0x81: {  	_ =	shalt  }
0x82: {  	_ =	shalt  }
0x83: {  	_ =	shalt  }
0x84: {  	_ =	shalt  }
0x85: {  	_ =	shalt  }
0x86: {  	_ =	shalt  }
0x87: {  	_ =	shalt  }
.Lfunc_end0:
.L_simem_size_0:
called_computation.1_lowered:
.L_overlay_start_0:
0x88: {  	s2 =	sld [smem:$0x3FD9]  }
0x89: {  	s3 =	sld [smem:$0x3FFE];
	_ =	sdelay $0x1  }
0x8a: {  	s1 =	srdreg.scid  }
0x8b: {  	s0 =	sand.u32 $0x1, s1  }
0x8c: {  	s16 =	sshll.u32 s0, $0xA;
	s2 =	sadd.s32 s3, s2  }
0x8d: {  	s2 =	sadd.s32 s2, s16  }
0x8e: {  	[smem:$0x3FBC] =	sst s2  }
0x8f: {  	_ = 	snop  }
0x90: {  	(tm) =	ssettm $0x1  }
0x91: {  	s17 =	sld [smem:$0x3FFB];
	_ =	sdelay $0x3  }
0x92: {  	_ =	strace s17  }
0x93: {  	s2 =	sld [smem:$0x3FFC];
	_ =	sdelay $0x3  }
0x94: {  	_ =	strace s2  }
0x95: {  	s2 =	sld [smem:$0x3FFD];
	_ =	sdelay $0x3  }
0x96: {  	_ =	strace s2  }
0x97: {  	_ =	strace $0x8FFFFFFF  }
0x98: {  	s18 =	sld [smem:$0x3FDB];
	_ =	sdelay $0x1  }
0x99: {  	s19 =	simm.s32 $_scs_section_size  }
0x9a: {  	s4 =	simm.s32 $_size__tile_overlayer_lowered;
	s5 =	simm.s32 $_tile_overlayer_lowered  }
0x9b: {  	s22 =	simm.s32 $0x1BFF;
	s21 =	sshll.u32 s5, $0x1;
	s2 =	sadd.s32 s19, s18  }
0x9c: {  	s6 =	simm.s32 $0x0;
	s20 =	sshll.u32 s4, $0x1;
	s4 =	sadd.s32 s21, s2  }
0x9d: {  	[timem:s6], [sflag:s22] =	dma.local [hbm:s4], s20  }
0x9e: {  	_ =	swait.ge [sflag:s22], s20  }
0x9f: {  	s3 =	ssub.s32 $0x0, s20;
	[sflag:s22] =	ssyncset.done $0x0  }
0xa0: {  	[sflag:s22] =	ssyncadd.s32 s3;
	_ =	sdelay $0x1  }
0xa1: {  	s23 =	simm.s32 $0x1B8B  }
0xa2: {  	_ =	swait.ge [sflag:s23], $0x1  }
0xa3: {  	[sflag:s23] =	ssyncset.done $0x0  }
0xa4: {  	s25 =	simm.s32 $0x1B8E;
	s24 =	sld [smem:$0x3FFE];
	[sflag:s23] =	ssyncadd.s32 $0xFFFFFFFF  }
0xa5: {  	s26 =	simm.s32 $execute0_lowered;
	[smem:$0x3FD2] =	sst s25  }
0xa6: {  	s4 =	sshll.u32 s26, $0x1;
	_ =	strace $0x80000049;
	[dreg:$0x1] =	wrdreg $0xFFFFFFFF  }
0xa7: {  	s28 =	simm.s32 $_size_execute0_lowered;
	s2 =	sadd.s32 s2, s4;
	[dreg:$0x0] =	wrdreg $0x0  }
0xa8: {  	s4 =	sshll.u32 s28, $0x1;
	[dreg:$0x2] =	wrdreg s2  }
0xa9: {  	[dreg:$0x3] =	wrdreg s4  }
0xaa: {  	[dreg:$0x4] =	wrdreg $0xC0  }
0xab: {  	_ =	task [dreg:s6], $0x5FFFF  }
0xac: {  	[dreg:$0x1] =	wrdreg $0xFFFFFFFF  }
0xad: {  	[dreg:$0x0] =	wrdreg $0x60  }
0xae: {  	[dreg:$0x2] =	wrdreg s24  }
0xaf: {  	[dreg:$0x3] =	wrdreg $0x150000  }
0xb0: {  	[dreg:$0x4] =	wrdreg $0x9  }
0xb1: {  	_ =	task.clear_ibuf [dreg:s6], $0x5FFFF;
	_ =	strace $0x90000049  }
0xb2: {  	s29 =	simm.s32 $0x9;
	_ =	strace $0x8000004B  }
0xb3: {  	_ =	swait.ge [sflag:s29], $0x1  }
0xb4: {  	[sflag:s29] =	ssyncadd.s32 $0xFFFFFFFF  }
0xb5: {  	_ =	strace $0x9000004B  }
0xb6: {  	_ =	sfence  }
0xb7: {  	s30 =	sld [smem:$0x0];
	_ =	sdelay $0x2  }
0xb8: {  	s31 =	sshll.u32 s1, $0xD;
	s1 =	sshrl.u32 s1, $0x2  }
0xb9: {  	s3 =	sand.u32 $0x4000, s31;
	s1 =	sadd.s32 s1, s30  }
0xba: {  	s0 =	sor.u32 s3, s0;
	s1 =	sshll.u32 s1, $0x11  }
0xbb: {  	s0 =	sor.u32 s1, s0  }
0xbc: {  	s0 =	sadd.s32 $0x8F2B, s0  }
0xbd: {  	[sflag:s0] =	ssyncadd.remote.s32 $0x1  }
0xbe: {  	_ =	sfence.sel $0xFFFF  }
0xbf: {  	[dreg:$0x0] =	wrdreg $0xFFFFFFFF;
	(pc) =	sbr.abs _section_cstart, $3  }
0xc0: {  	[dreg:$0x1] =	wrdreg $0xFFFFFFFF  }
0xc1: {  	_ =	task.clear_ibuf [dreg:s6], $0x2FFFF;
	_ =	strace $0x9FFFFFFF  }
0xc2: {  	(tm) =	ssettm $0x7FFFFFFF  }
0xc3: {  	_ =	shalt  }
tec
execute0_lowered:
.L_overlay_start_1:
0x0: {  	(tag) =	ssettag $0x1  }
0x1: {  	s0 =	srdreg.scid;
	s3 =	rddreg [dreg:$0x0]  }
0x2: {  	s9 =	stileid.u32;
	s2 =	rddreg [dreg:$0x1]  }
0x3: {  	s4 =	simm.s32 $0x0;
	s12 =	simm.s32 $0x11;
	s14 =	simm.s32 $0x80  }
0x4: {  	s15 =	simm.s32 $0x5000;
	s16 =	simm.s32 $0x7000;
	s17 =	simm.s32 $0x9000  }
0x5: {  	s18 =	simm.s32 $0xB000;
	s19 =	simm.s32 $0xD000;
	s20 =	simm.s32 $0xF000  }
0x6: {  	s21 =	simm.s32 $0x11000;
	s22 =	simm.s32 $0x13000;
	s23 =	simm.s32 $0x1  }
0x7: {  	s28 =	simm.s32 $0x5;
	s29 =	simm.s32 $0x6;
	s30 =	simm.s32 $0x7  }
0x8: {  	s31 =	simm.s32 $0x8;
	s13 =	simm.s32 $0xB;
	s0 =	sand.u32 $0x1, s0  }
0x9: {  	s5 =	smul.u32 $0xA000, s9;
	[smem:$0x7FF] =	sst s4;
	s4 =	sadd.s32 $0x17400, s3  }
0xa: {  	s24 =	sshll.u32 s9, $0x6;
	s1 =	sshll.u32 s0, $0x4;
	s6 =	smul.u32 $0xA0000, s0  }
0xb: {  	_ =	strace $0x8000004A;
	s0 =	ssub.s32 $0x2, s0;
	s10 =	sor.u32 $0x1C11, s24  }
0xc: {  	s24 =	simm.s32 $0x2;
	s1 =	sor.u32 s9, s1;
	s7 =	sshrl.u32 s5, $0x3  }
0xd: {  	s8 =	sshrl.u32 s0, $0x1;
	s9 =	simm.s32 $0x10;
	[dreg:$0x4] =	wrdreg s10  }
0xe: {  	s1 =	smul.u32 $0x500, s1;
	s6 =	sadd.s32 s5, s6;
	s7 =	sadd.s32 s7, s3  }
0xf: {  	s0 =	ssub.s32 s0, s8;
	s5 =	sadd.s32 s5, s2;
	s7 =	sadd.s32 $0x2B400, s7  }
0x10: {  	s6 =	sshrl.u32 s6, $0x3;
	s0 =	smax.u32 s0, $0x1;
	[dreg:$0x3] =	wrdreg s7  }
0x11: {  	s11 =	sshrl.u32 s5, $0x3;
	s1 =	sadd.s32 s1, s3;
	[dreg:$0x8] =	wrdreg s0  }
0x12: {  	s3 =	sadd.s32 s6, s3;
	s6 =	simm.s32 $0x0;
	[dreg:$0x9] =	wrdreg s11  }
0x13: {  	s8 =	simm.s32 $0xF;
	s25 =	sadd.s32 $0xD400, s1;
	[dreg:$0xa] =	wrdreg s6  }
0x14: {  	s5 =	simm.s32 $0xD;
	s1 =	sadd.s32 $0x2400, s1;
	[dreg:$0x5] =	wrdreg s25  }
0x15: {  	s0 =	simm.s32 $0xA;
	s26 =	sadd.s32 $0x3F400, s3;
	[dreg:$0x6] =	wrdreg s1  }
0x16: {  	s7 =	simm.s32 $0xE;
	s3 =	simm.s32 $0xC;
	[dreg:$0x7] =	wrdreg s26  }
0x17: {  	s25 =	simm.s32 $0x3;
	s26 =	simm.s32 $0x4;
	s1 =	simm.s32 $0x9  }
.LBB2_1:
0x18: {  	s6 =	rddreg [dreg:$0x3]  }
0x19: {  	[spmem:s11], [sflag:s10] =	dma.local [hbm:s6], $0x1400  }
0x1a: {  	_ =	swait.ge [sflag:s12], $0x1400  }
0x1b: {  	[sflag:s12] =	ssyncset.done $0x0  }
0x1c: {  	s6 =	simm.s32 $0x0;
	s11 =	rddreg [dreg:$0x5];
	[sflag:s12] =	ssyncadd.s32 $0xFFFFEC00  }
0x1d: {  	[tilespmem:s6], [sflag:$0x11] =	stream.linear.gather [hbm4b:s11+s6], $0x2800, $0x38;
	[tilespmem:$0x1F000] =	vst v63  }
0x1e: {  	_ =	swait.ge [sflag:s12], $0x2800  }
0x1f: {  	[sflag:s12] =	ssyncset.done $0x0  }
0x20: {  	s11 =	simm.s32 $0x2800;
	s10 =	rddreg [dreg:$0x6];
	[sflag:s12] =	ssyncadd.s32 $0xFFFFD800  }
0x21: {  	[tilespmem:s11], [sflag:$0x11] =	stream.linear.gather [hbm4b:s10+s6], $0x2800, $0x38;
	[tilespmem:$0x1F000] =	vst v63  }
0x22: {  	_ =	swait.ge [sflag:s12], $0x2800  }
0x23: {  	[sflag:s12] =	ssyncset.done $0x0  }
0x24: {  	[sflag:s12] =	ssyncadd.s32 $0xFFFFD800  }
0x25: {  	s12 =	simm.s32 $0x0;
	[bflag:$0x0] =	sbarrier.arrive $0xFFFF  }
0x26: {  	[tilespmem:s15], [sflag:$0x1] =	stream.indirect.gather [hbm4b:s4+s14], $0x40, s12, s14, $0xb8;
	[tilespmem:$0x1F000] =	vst v63  }
0x27: {  	s10 =	simm.s32 $0x80  }
0x28: {  	[tilespmem:s16], [sflag:$0x2] =	stream.indirect.gather [hbm4b:s4+s14], $0x40, s10, s14, $0xb8;
	[tilespmem:$0x1F000] =	vst v63  }
0x29: {  	s11 =	simm.s32 $0x100  }
0x2a: {  	[tilespmem:s17], [sflag:$0x3] =	stream.indirect.gather [hbm4b:s4+s14], $0x40, s11, s14, $0xb8;
	[tilespmem:$0x1F000] =	vst v63  }
0x2b: {  	s12 =	simm.s32 $0x180  }
0x2c: {  	[tilespmem:s18], [sflag:$0x4] =	stream.indirect.gather [hbm4b:s4+s14], $0x40, s12, s14, $0xb8;
	[tilespmem:$0x1F000] =	vst v63  }
0x2d: {  	s10 =	simm.s32 $0x200  }
0x2e: {  	[tilespmem:s19], [sflag:$0x5] =	stream.indirect.gather [hbm4b:s4+s14], $0x40, s10, s14, $0xb8;
	[tilespmem:$0x1F000] =	vst v63  }
0x2f: {  	s11 =	simm.s32 $0x280  }
0x30: {  	[tilespmem:s20], [sflag:$0x6] =	stream.indirect.gather [hbm4b:s4+s14], $0x40, s11, s14, $0xb8;
	[tilespmem:$0x1F000] =	vst v63  }
0x31: {  	s12 =	simm.s32 $0x300  }
0x32: {  	[tilespmem:s21], [sflag:$0x7] =	stream.indirect.gather [hbm4b:s4+s14], $0x40, s12, s14, $0xb8;
	[tilespmem:$0x1F000] =	vst v63  }
0x33: {  	s10 =	simm.s32 $0x380  }
0x34: {  	[tilespmem:s22], [sflag:$0x8] =	stream.indirect.gather [hbm4b:s4+s14], $0x40, s10, s14, $0xb8;
	[tilespmem:$0x1F000] =	vst v63  }
0x35: {  	_ =	swait.ge [sflag:s23], $0x2000  }
0x36: {  	[sflag:s23] =	ssyncset.done $0x0  }
0x37: {  	s11 =	simm.s32 $0x2800;
	[sflag:s23] =	ssyncadd.s32 $0xFFFFE000  }
0x38: {  	[spmem:s2] =	stream.indirect.scatter.add.f32 [tilespmem:s15], [sflag:$0x9], $0x40, s11, s14, $0xb8;
	[tilespmem:$0x1F000] =	vst v63  }
0x39: {  	_ =	swait.ge [sflag:s24], $0x2000  }
0x3a: {  	[sflag:s24] =	ssyncset.done $0x0  }
0x3b: {  	s12 =	simm.s32 $0x2880;
	[sflag:s24] =	ssyncadd.s32 $0xFFFFE000  }
0x3c: {  	[spmem:s2] =	stream.indirect.scatter.add.f32 [tilespmem:s16], [sflag:$0xA], $0x40, s12, s14, $0xb8;
	[tilespmem:$0x1F000] =	vst v63  }
0x3d: {  	_ =	swait.ge [sflag:s25], $0x2000  }
0x3e: {  	[sflag:s25] =	ssyncset.done $0x0  }
0x3f: {  	s10 =	simm.s32 $0x2900;
	[sflag:s25] =	ssyncadd.s32 $0xFFFFE000  }
0x40: {  	[spmem:s2] =	stream.indirect.scatter.add.f32 [tilespmem:s17], [sflag:$0xB], $0x40, s10, s14, $0xb8;
	[tilespmem:$0x1F000] =	vst v63  }
0x41: {  	_ =	swait.ge [sflag:s26], $0x2000  }
0x42: {  	[sflag:s26] =	ssyncset.done $0x0  }
0x43: {  	s11 =	simm.s32 $0x2980;
	[sflag:s26] =	ssyncadd.s32 $0xFFFFE000  }
0x44: {  	[spmem:s2] =	stream.indirect.scatter.add.f32 [tilespmem:s18], [sflag:$0xC], $0x40, s11, s14, $0xb8;
	[tilespmem:$0x1F000] =	vst v63  }
0x45: {  	_ =	swait.ge [sflag:s28], $0x2000  }
0x46: {  	[sflag:s28] =	ssyncset.done $0x0  }
0x47: {  	s12 =	simm.s32 $0x2A00;
	[sflag:s28] =	ssyncadd.s32 $0xFFFFE000  }
0x48: {  	[spmem:s2] =	stream.indirect.scatter.add.f32 [tilespmem:s19], [sflag:$0xD], $0x40, s12, s14, $0xb8;
	[tilespmem:$0x1F000] =	vst v63  }
0x49: {  	_ =	swait.ge [sflag:s29], $0x2000  }
0x4a: {  	[sflag:s29] =	ssyncset.done $0x0  }
0x4b: {  	s10 =	simm.s32 $0x2A80;
	[sflag:s29] =	ssyncadd.s32 $0xFFFFE000  }
0x4c: {  	[spmem:s2] =	stream.indirect.scatter.add.f32 [tilespmem:s20], [sflag:$0xE], $0x40, s10, s14, $0xb8;
	[tilespmem:$0x1F000] =	vst v63  }
0x4d: {  	_ =	swait.ge [sflag:s30], $0x2000  }
0x4e: {  	[sflag:s30] =	ssyncset.done $0x0  }
0x4f: {  	s11 =	simm.s32 $0x2B00;
	[sflag:s30] =	ssyncadd.s32 $0xFFFFE000  }
0x50: {  	[spmem:s2] =	stream.indirect.scatter.add.f32 [tilespmem:s21], [sflag:$0xF], $0x40, s11, s14, $0xb8;
	[tilespmem:$0x1F000] =	vst v63  }
0x51: {  	_ =	swait.ge [sflag:s31], $0x2000  }
0x52: {  	[sflag:s31] =	ssyncset.done $0x0  }
0x53: {  	s12 =	simm.s32 $0x2B80;
	[sflag:s31] =	ssyncadd.s32 $0xFFFFE000  }
0x54: {  	[spmem:s2] =	stream.indirect.scatter.add.f32 [tilespmem:s22], [sflag:$0x10], $0x40, s12, s14, $0xb8;
	[tilespmem:$0x1F000] =	vst v63  }
0x55: {  	_ =	swait.ge [sflag:s1], $0x2000  }
0x56: {  	[sflag:s1] =	ssyncset.done $0x0  }
0x57: {  	[sflag:s1] =	ssyncadd.s32 $0xFFFFE000  }
0x58: {  	_ =	swait.ge [sflag:s0], $0x2000  }
0x59: {  	[sflag:s0] =	ssyncset.done $0x0  }
0x5a: {  	[sflag:s0] =	ssyncadd.s32 $0xFFFFE000  }
0x5b: {  	_ =	swait.ge [sflag:s13], $0x2000  }
0x5c: {  	[sflag:s13] =	ssyncset.done $0x0  }
0x5d: {  	[sflag:s13] =	ssyncadd.s32 $0xFFFFE000  }
0x5e: {  	_ =	swait.ge [sflag:s3], $0x2000  }
0x5f: {  	[sflag:s3] =	ssyncset.done $0x0  }
0x60: {  	[sflag:s3] =	ssyncadd.s32 $0xFFFFE000  }
0x61: {  	_ =	swait.ge [sflag:s5], $0x2000  }
0x62: {  	[sflag:s5] =	ssyncset.done $0x0  }
0x63: {  	[sflag:s5] =	ssyncadd.s32 $0xFFFFE000  }
0x64: {  	_ =	swait.ge [sflag:s7], $0x2000  }
0x65: {  	[sflag:s7] =	ssyncset.done $0x0  }
0x66: {  	[sflag:s7] =	ssyncadd.s32 $0xFFFFE000  }
0x67: {  	_ =	swait.ge [sflag:s8], $0x2000  }
0x68: {  	[sflag:s8] =	ssyncset.done $0x0  }
0x69: {  	[sflag:s8] =	ssyncadd.s32 $0xFFFFE000  }
0x6a: {  	_ =	swait.ge [sflag:s9], $0x2000  }
0x6b: {  	s6 =	simm.s32 $0x1000;
	s11 =	simm.s32 $0x2000;
	[sflag:s9] =	ssyncset.done $0x0  }
.LBB2_2:
0x6c: {  	s12 =	sshra.s32 s6, $0x2  }
0x6d: {  	[sflag:s9] =	ssyncadd.s32 $0xFFFFE000;
	s6 =	smov.u32 s11;
	s10 =	sadd.s32 $0x1000, s11  }
0x6e: {  	[tilespmem:s15], [sflag:$0x1] =	stream.indirect.gather [hbm4b:s4+s14], $0x40, s12, s14, $0xb8;
	[tilespmem:$0x1F000] =	vst v63  }
0x6f: {  	p0 =	sne.s32 s11, $0x9000;
	s11 =	sadd.s32 $0x80, s12  }
0x70: {  	[tilespmem:s16], [sflag:$0x2] =	stream.indirect.gather [hbm4b:s4+s14], $0x40, s11, s14, $0xb8;
	[tilespmem:$0x1F000] =	vst v63  }
0x71: {  	s11 =	sadd.s32 $0x100, s12  }
0x72: {  	[tilespmem:s17], [sflag:$0x3] =	stream.indirect.gather [hbm4b:s4+s14], $0x40, s11, s14, $0xb8;
	[tilespmem:$0x1F000] =	vst v63  }
0x73: {  	s11 =	sadd.s32 $0x180, s12  }
0x74: {  	[tilespmem:s18], [sflag:$0x4] =	stream.indirect.gather [hbm4b:s4+s14], $0x40, s11, s14, $0xb8;
	[tilespmem:$0x1F000] =	vst v63  }
0x75: {  	s11 =	sadd.s32 $0x200, s12  }
0x76: {  	[tilespmem:s19], [sflag:$0x5] =	stream.indirect.gather [hbm4b:s4+s14], $0x40, s11, s14, $0xb8;
	[tilespmem:$0x1F000] =	vst v63  }
0x77: {  	s11 =	sadd.s32 $0x280, s12  }
0x78: {  	[tilespmem:s20], [sflag:$0x6] =	stream.indirect.gather [hbm4b:s4+s14], $0x40, s11, s14, $0xb8;
	[tilespmem:$0x1F000] =	vst v63  }
0x79: {  	s11 =	sadd.s32 $0x300, s12  }
0x7a: {  	[tilespmem:s21], [sflag:$0x7] =	stream.indirect.gather [hbm4b:s4+s14], $0x40, s11, s14, $0xb8;
	[tilespmem:$0x1F000] =	vst v63  }
0x7b: {  	s11 =	sadd.s32 $0x380, s12  }
0x7c: {  	[tilespmem:s22], [sflag:$0x8] =	stream.indirect.gather [hbm4b:s4+s14], $0x40, s11, s14, $0xb8;
	[tilespmem:$0x1F000] =	vst v63  }
0x7d: {  	_ =	swait.ge [sflag:s23], $0x2000  }
0x7e: {  	[sflag:s23] =	ssyncset.done $0x0  }
0x7f: {  	s11 =	sadd.s32 $0x2800, s12;
	[sflag:s23] =	ssyncadd.s32 $0xFFFFE000  }
0x80: {  	[spmem:s2] =	stream.indirect.scatter.add.f32 [tilespmem:s15], [sflag:$0x9], $0x40, s11, s14, $0xb8;
	[tilespmem:$0x1F000] =	vst v63  }
0x81: {  	_ =	swait.ge [sflag:s24], $0x2000  }
0x82: {  	[sflag:s24] =	ssyncset.done $0x0  }
0x83: {  	s11 =	sadd.s32 $0x2880, s12;
	[sflag:s24] =	ssyncadd.s32 $0xFFFFE000  }
0x84: {  	[spmem:s2] =	stream.indirect.scatter.add.f32 [tilespmem:s16], [sflag:$0xA], $0x40, s11, s14, $0xb8;
	[tilespmem:$0x1F000] =	vst v63  }
0x85: {  	_ =	swait.ge [sflag:s25], $0x2000  }
0x86: {  	[sflag:s25] =	ssyncset.done $0x0  }
0x87: {  	s11 =	sadd.s32 $0x2900, s12;
	[sflag:s25] =	ssyncadd.s32 $0xFFFFE000  }
0x88: {  	[spmem:s2] =	stream.indirect.scatter.add.f32 [tilespmem:s17], [sflag:$0xB], $0x40, s11, s14, $0xb8;
	[tilespmem:$0x1F000] =	vst v63  }
0x89: {  	_ =	swait.ge [sflag:s26], $0x2000  }
0x8a: {  	[sflag:s26] =	ssyncset.done $0x0  }
0x8b: {  	s11 =	sadd.s32 $0x2980, s12;
	[sflag:s26] =	ssyncadd.s32 $0xFFFFE000  }
0x8c: {  	[spmem:s2] =	stream.indirect.scatter.add.f32 [tilespmem:s18], [sflag:$0xC], $0x40, s11, s14, $0xb8;
	[tilespmem:$0x1F000] =	vst v63  }
0x8d: {  	_ =	swait.ge [sflag:s28], $0x2000  }
0x8e: {  	[sflag:s28] =	ssyncset.done $0x0  }
0x8f: {  	s11 =	sadd.s32 $0x2A00, s12;
	[sflag:s28] =	ssyncadd.s32 $0xFFFFE000  }
0x90: {  	[spmem:s2] =	stream.indirect.scatter.add.f32 [tilespmem:s19], [sflag:$0xD], $0x40, s11, s14, $0xb8;
	[tilespmem:$0x1F000] =	vst v63  }
0x91: {  	_ =	swait.ge [sflag:s29], $0x2000  }
0x92: {  	[sflag:s29] =	ssyncset.done $0x0  }
0x93: {  	s11 =	sadd.s32 $0x2A80, s12;
	[sflag:s29] =	ssyncadd.s32 $0xFFFFE000  }
0x94: {  	[spmem:s2] =	stream.indirect.scatter.add.f32 [tilespmem:s20], [sflag:$0xE], $0x40, s11, s14, $0xb8;
	[tilespmem:$0x1F000] =	vst v63  }
0x95: {  	_ =	swait.ge [sflag:s30], $0x2000  }
0x96: {  	[sflag:s30] =	ssyncset.done $0x0  }
0x97: {  	s11 =	sadd.s32 $0x2B00, s12;
	[sflag:s30] =	ssyncadd.s32 $0xFFFFE000  }
0x98: {  	[spmem:s2] =	stream.indirect.scatter.add.f32 [tilespmem:s21], [sflag:$0xF], $0x40, s11, s14, $0xb8;
	[tilespmem:$0x1F000] =	vst v63  }
0x99: {  	_ =	swait.ge [sflag:s31], $0x2000  }
0x9a: {  	[sflag:s31] =	ssyncset.done $0x0  }
0x9b: {  	s11 =	sadd.s32 $0x2B80, s12;
	[sflag:s31] =	ssyncadd.s32 $0xFFFFE000  }
0x9c: {  	[spmem:s2] =	stream.indirect.scatter.add.f32 [tilespmem:s22], [sflag:$0x10], $0x40, s11, s14, $0xb8;
	[tilespmem:$0x1F000] =	vst v63  }
0x9d: {  	_ =	swait.ge [sflag:s1], $0x2000  }
0x9e: {  	[sflag:s1] =	ssyncset.done $0x0  }
0x9f: {  	[sflag:s1] =	ssyncadd.s32 $0xFFFFE000  }
0xa0: {  	_ =	swait.ge [sflag:s0], $0x2000  }
0xa1: {  	[sflag:s0] =	ssyncset.done $0x0  }
0xa2: {  	[sflag:s0] =	ssyncadd.s32 $0xFFFFE000  }
0xa3: {  	_ =	swait.ge [sflag:s13], $0x2000  }
0xa4: {  	[sflag:s13] =	ssyncset.done $0x0  }
0xa5: {  	[sflag:s13] =	ssyncadd.s32 $0xFFFFE000  }
0xa6: {  	_ =	swait.ge [sflag:s3], $0x2000  }
0xa7: {  	[sflag:s3] =	ssyncset.done $0x0  }
0xa8: {  	[sflag:s3] =	ssyncadd.s32 $0xFFFFE000  }
0xa9: {  	_ =	swait.ge [sflag:s5], $0x2000  }
0xaa: {  	[sflag:s5] =	ssyncset.done $0x0  }
0xab: {  	[sflag:s5] =	ssyncadd.s32 $0xFFFFE000  }
0xac: {  	_ =	swait.ge [sflag:s7], $0x2000  }
0xad: {  	[sflag:s7] =	ssyncset.done $0x0  }
0xae: {  	[sflag:s7] =	ssyncadd.s32 $0xFFFFE000  }
.Ltmp0:
0xaf: {  	_ =	swait.ge [sflag:s8], $0x2000;
	(pc) =	sbr.rel @p0 .LBB2_2-.Ltmp0, $4  }
0xb0: {  	[sflag:s8] =	ssyncset.done $0x0  }
0xb1: {  	[sflag:s8] =	ssyncadd.s32 $0xFFFFE000  }
0xb2: {  	_ =	swait.ge [sflag:s9], $0x2000  }
0xb3: {  	s11 =	smov.u32 s10;
	[sflag:s9] =	ssyncset.done $0x0  }
0xb4: {  	s6 =	sshra.s32 s6, $0x2;
	[sflag:s9] =	ssyncadd.s32 $0xFFFFE000  }
0xb5: {  	[tilespmem:s15], [sflag:$0x1] =	stream.indirect.gather [hbm4b:s4+s14], $0x40, s6, s14, $0xb8;
	[tilespmem:$0x1F000] =	vst v63  }
0xb6: {  	s10 =	sadd.s32 $0x80, s6  }
0xb7: {  	[tilespmem:s16], [sflag:$0x2] =	stream.indirect.gather [hbm4b:s4+s14], $0x40, s10, s14, $0xb8;
	[tilespmem:$0x1F000] =	vst v63  }
0xb8: {  	s12 =	sadd.s32 $0x100, s6  }
0xb9: {  	[tilespmem:s17], [sflag:$0x3] =	stream.indirect.gather [hbm4b:s4+s14], $0x40, s12, s14, $0xb8;
	[tilespmem:$0x1F000] =	vst v63  }
0xba: {  	s11 =	sadd.s32 $0x180, s6  }
0xbb: {  	[tilespmem:s18], [sflag:$0x4] =	stream.indirect.gather [hbm4b:s4+s14], $0x40, s11, s14, $0xb8;
	[tilespmem:$0x1F000] =	vst v63  }
0xbc: {  	s12 =	sadd.s32 $0x200, s6  }
0xbd: {  	[tilespmem:s19], [sflag:$0x5] =	stream.indirect.gather [hbm4b:s4+s14], $0x40, s12, s14, $0xb8;
	[tilespmem:$0x1F000] =	vst v63  }
0xbe: {  	s11 =	sadd.s32 $0x280, s6  }
0xbf: {  	[tilespmem:s20], [sflag:$0x6] =	stream.indirect.gather [hbm4b:s4+s14], $0x40, s11, s14, $0xb8;
	[tilespmem:$0x1F000] =	vst v63  }
0xc0: {  	s12 =	sadd.s32 $0x300, s6  }
0xc1: {  	[tilespmem:s21], [sflag:$0x7] =	stream.indirect.gather [hbm4b:s4+s14], $0x40, s12, s14, $0xb8;
	[tilespmem:$0x1F000] =	vst v63  }
0xc2: {  	s11 =	sadd.s32 $0x380, s6  }
0xc3: {  	[tilespmem:s22], [sflag:$0x8] =	stream.indirect.gather [hbm4b:s4+s14], $0x40, s11, s14, $0xb8;
	[tilespmem:$0x1F000] =	vst v63  }
0xc4: {  	_ =	swait.ge [sflag:s23], $0x2000  }
0xc5: {  	[sflag:s23] =	ssyncset.done $0x0  }
0xc6: {  	s12 =	sadd.s32 $0x2800, s6;
	[sflag:s23] =	ssyncadd.s32 $0xFFFFE000  }
0xc7: {  	[spmem:s2] =	stream.indirect.scatter.add.f32 [tilespmem:s15], [sflag:$0x9], $0x40, s12, s14, $0xb8;
	[tilespmem:$0x1F000] =	vst v63  }
0xc8: {  	_ =	swait.ge [sflag:s24], $0x2000  }
0xc9: {  	[sflag:s24] =	ssyncset.done $0x0  }
0xca: {  	s11 =	sadd.s32 $0x2880, s6;
	[sflag:s24] =	ssyncadd.s32 $0xFFFFE000  }
0xcb: {  	[spmem:s2] =	stream.indirect.scatter.add.f32 [tilespmem:s16], [sflag:$0xA], $0x40, s11, s14, $0xb8;
	[tilespmem:$0x1F000] =	vst v63  }
0xcc: {  	_ =	swait.ge [sflag:s25], $0x2000  }
0xcd: {  	[sflag:s25] =	ssyncset.done $0x0  }
0xce: {  	s12 =	sadd.s32 $0x2900, s6;
	[sflag:s25] =	ssyncadd.s32 $0xFFFFE000  }
0xcf: {  	[spmem:s2] =	stream.indirect.scatter.add.f32 [tilespmem:s17], [sflag:$0xB], $0x40, s12, s14, $0xb8;
	[tilespmem:$0x1F000] =	vst v63  }
0xd0: {  	_ =	swait.ge [sflag:s26], $0x2000  }
0xd1: {  	[sflag:s26] =	ssyncset.done $0x0  }
0xd2: {  	s11 =	sadd.s32 $0x2980, s6;
	[sflag:s26] =	ssyncadd.s32 $0xFFFFE000  }
0xd3: {  	[spmem:s2] =	stream.indirect.scatter.add.f32 [tilespmem:s18], [sflag:$0xC], $0x40, s11, s14, $0xb8;
	[tilespmem:$0x1F000] =	vst v63  }
0xd4: {  	_ =	swait.ge [sflag:s28], $0x2000  }
0xd5: {  	[sflag:s28] =	ssyncset.done $0x0  }
0xd6: {  	s12 =	sadd.s32 $0x2A00, s6;
	[sflag:s28] =	ssyncadd.s32 $0xFFFFE000  }
0xd7: {  	[spmem:s2] =	stream.indirect.scatter.add.f32 [tilespmem:s19], [sflag:$0xD], $0x40, s12, s14, $0xb8;
	[tilespmem:$0x1F000] =	vst v63  }
0xd8: {  	_ =	swait.ge [sflag:s29], $0x2000  }
0xd9: {  	[sflag:s29] =	ssyncset.done $0x0  }
0xda: {  	s11 =	sadd.s32 $0x2A80, s6;
	[sflag:s29] =	ssyncadd.s32 $0xFFFFE000  }
0xdb: {  	[spmem:s2] =	stream.indirect.scatter.add.f32 [tilespmem:s20], [sflag:$0xE], $0x40, s11, s14, $0xb8;
	[tilespmem:$0x1F000] =	vst v63  }
0xdc: {  	_ =	swait.ge [sflag:s30], $0x2000  }
0xdd: {  	[sflag:s30] =	ssyncset.done $0x0  }
0xde: {  	s12 =	sadd.s32 $0x2B00, s6;
	[sflag:s30] =	ssyncadd.s32 $0xFFFFE000  }
0xdf: {  	[spmem:s2] =	stream.indirect.scatter.add.f32 [tilespmem:s21], [sflag:$0xF], $0x40, s12, s14, $0xb8;
	[tilespmem:$0x1F000] =	vst v63  }
0xe0: {  	_ =	swait.ge [sflag:s31], $0x2000  }
0xe1: {  	[sflag:s31] =	ssyncset.done $0x0  }
0xe2: {  	s6 =	sadd.s32 $0x2B80, s6;
	[sflag:s31] =	ssyncadd.s32 $0xFFFFE000  }
0xe3: {  	[spmem:s2] =	stream.indirect.scatter.add.f32 [tilespmem:s22], [sflag:$0x10], $0x40, s6, s14, $0xb8;
	[tilespmem:$0x1F000] =	vst v63  }
0xe4: {  	_ =	swait.ge [sflag:s1], $0x2000  }
0xe5: {  	[sflag:s1] =	ssyncset.done $0x0  }
0xe6: {  	[sflag:s1] =	ssyncadd.s32 $0xFFFFE000  }
0xe7: {  	_ =	swait.ge [sflag:s0], $0x2000  }
0xe8: {  	[sflag:s0] =	ssyncset.done $0x0  }
0xe9: {  	[sflag:s0] =	ssyncadd.s32 $0xFFFFE000  }
0xea: {  	_ =	swait.ge [sflag:s13], $0x2000  }
0xeb: {  	[sflag:s13] =	ssyncset.done $0x0  }
0xec: {  	[sflag:s13] =	ssyncadd.s32 $0xFFFFE000  }
0xed: {  	_ =	swait.ge [sflag:s3], $0x2000  }
0xee: {  	[sflag:s3] =	ssyncset.done $0x0  }
0xef: {  	[sflag:s3] =	ssyncadd.s32 $0xFFFFE000  }
0xf0: {  	_ =	swait.ge [sflag:s5], $0x2000  }
0xf1: {  	[sflag:s5] =	ssyncset.done $0x0  }
0xf2: {  	[sflag:s5] =	ssyncadd.s32 $0xFFFFE000  }
0xf3: {  	_ =	swait.ge [sflag:s7], $0x2000  }
0xf4: {  	[sflag:s7] =	ssyncset.done $0x0  }
0xf5: {  	[sflag:s7] =	ssyncadd.s32 $0xFFFFE000  }
0xf6: {  	_ =	swait.ge [sflag:s8], $0x2000  }
0xf7: {  	[sflag:s8] =	ssyncset.done $0x0  }
0xf8: {  	[sflag:s8] =	ssyncadd.s32 $0xFFFFE000  }
0xf9: {  	_ =	swait.ge [sflag:s9], $0x2000  }
0xfa: {  	[sflag:s9] =	ssyncset.done $0x0  }
0xfb: {  	[sflag:s9] =	ssyncadd.s32 $0xFFFFE000  }
0xfc: {  	[bflag:$0x0] =	sbarrier.arrive $0xFFFF  }
0xfd: {  	s6 =	rddreg [dreg:$0x4]  }
0xfe: {  	s12 =	rddreg [dreg:$0x7]  }
0xff: {  	s11 =	rddreg [dreg:$0x9]  }
0x100: {  	[hbm:s12], [sflag:s6] =	dma.local [spmem:s11], $0x1400  }
0x101: {  	s12 =	simm.s32 $0x11  }
0x102: {  	_ =	swait.ge [sflag:s12], $0x1400  }
0x103: {  	s6 =	rddreg [dreg:$0xa]  }
0x104: {  	s10 =	sadd.s32 $0x1, s6;
	s6 =	rddreg [dreg:$0x8]  }
0x105: {  	p0 =	sne.s32 s10, s6  }
.Ltmp1:
0x106: {  	_ = 	snop;
	(pc) =	sbr.rel @p0 .LBB2_1-.Ltmp1, $3  }
0x107: {  	_ =	sdelay $0x1  }
0x108: {  	[sflag:s12] =	ssyncset.done $0x0;
	[dreg:$0xa] =	wrdreg s10  }
0x109: {  	[sflag:s12] =	ssyncadd.s32 $0xFFFFEC00;
	s10 =	rddreg [dreg:$0x4]  }
0x10a: {  	_ =	sfence.sel $0x180000  }
0x10b: {  	[bflag:$0x0] =	sbarrier.arrive $0xFFFF  }
0x10c: {  	_ =	strace $0x9000004A  }
0x10d: {  	s0 =	stileid.u32;
	[bflag:$0x2] =	sbarrier.arrive $0xFFFF  }
0x10e: {  	p0 =	sne.s32 s0, $0x0;
	s0 =	rddreg [dreg:$0x2]  }
0x10f: {  	s0 =	sadd.s32 @!p0 $0x100000, s0  }
0x110: {  	[sflag:s0] =	ssyncadd.tile.s32 @!p0 $0x1;
	_ =	shalt  }
.Lfunc_end2:
_tile_overlayer_lowered:
.L_overlay_start_2:
0x111: {  	(tag) =	ssettag $0x2  }
0x112: {  	s0 =	rddreg [dreg:$0x0];
	s2 =	stileid.u32  }
0x113: {  	s1 =	rddreg [dreg:$0x1];
	p0 =	sne.s32 s2, $0x0  }
0x114: {  	s3 =	rddreg [dreg:$0x2];
	[bflag:$0x3] =	sbarrier.arrive $0xFFFF;
	s2 =	simm.s32 @!p0 $0x1C11  }
0x115: {  	[timem:s3], [sflag:s2] =	dma.local @!p0 [hbm:s0], s1  }
0x116: {  	s0 =	simm.s32 @!p0 $0x11  }
0x117: {  	_ =	swait.ge @!p0 [sflag:s0], s1  }
0x118: {  	s1 =	ssub.s32 @!p0 $0x0, s1;
	[sflag:s0] =	ssyncset.done @!p0 $0x0  }
0x119: {  	[sflag:s0] =	ssyncadd.s32 @!p0 s1  }
0x11a: {  	[bflag:$0x3] =	sbarrier.arrive $0xFFFF  }
0x11b: {  	_ =	shalt  }

// kernel: kernel.14.cloned.1.call-start
scs
__scs_entry_jumppad:
0x0: {  	(pc) =	sbr.rel $0x88, $3  }
0x1: {  	(tag) =	ssettag $0x0;
	lr =	simm.s32 $0x1  }
0x2: {  	[smem:$0x3F95] =	sst lr;
	_ =	strace $0xD0000000  }
0x3: {  	_ = 	snop  }
0x4: {  	_ = 	snop  }
0x5: {  	_ = 	snop  }
0x6: {  	_ = 	snop  }
0x7: {  	_ = 	snop  }
__scs_overlays_trampoline_lowered:
0x8: {  	[smem:$0x3FA4] =	sst s0  }
0x9: {  	[smem:$0x3FA5] =	sst s1  }
0xa: {  	[smem:$0x3FA6] =	sst s2  }
0xb: {  	[smem:$0x3FA7] =	sst s3  }
0xc: {  	[smem:$0x3FA8] =	sst s4  }
0xd: {  	[smem:$0x3FA9] =	sst s5  }
0xe: {  	[smem:$0x3FAA] =	sst s6  }
0xf: {  	[smem:$0x3FAB] =	sst s7  }
0x10: {  	[smem:$0x3FAC] =	sst s8  }
0x11: {  	[smem:$0x3FAD] =	sst s9;
	s0 =	simm.s32 @!p0 $0x0  }
0x12: {  	s1 =	sld [smem:$0x3F93];
	s0 =	simm.s32 @p0 $0x1  }
0x13: {  	[smem:$0x3FAE] =	sst s0;
	s0 =	simm.s32 @!p1 $0x0  }
0x14: {  	s2 =	sld [smem:$0x3F92];
	s0 =	simm.s32 @p1 $0x1  }
0x15: {  	[smem:$0x3FAF] =	sst s0;
	s0 =	simm.s32 @!p2 $0x0  }
0x16: {  	s3 =	sld [smem:$0x3FDB];
	s0 =	simm.s32 @p2 $0x1  }
0x17: {  	s4 =	simm.s32 $0x1BF5;
	[smem:$0x3FB1] =	sst s0  }
0x18: {  	s0 =	sld [smem:$0x3F94];
	_ =	swait.ge [sflag:s4], $0x0  }
0x19: {  	s7 =	sld [smem:$0x3F95]  }
0x1a: {  	s8 =	sadd.s32 $0xFFFFE003, lr  }
0x1b: {  	s9 =	sadd.s32 $0xFFFFFEF7, lr;
	s5 =	simm.s32 $0xFFFFFFFF;
	p2 =	slt.u32 s8, $0xFFFFF086  }
0x1c: {  	p1 =	slt.u32 s9, $0xF7A;
	s5 =	simm.s32 @!p2 $0x0  }
0x1d: {  	s5 =	simm.s32 @p1 $0x1;
	p0 =	seq.s32 s7, s2  }
0x1e: {  	s7 =	smul.u32 @!p0 $0xF7A, s2;
	p2 =	seq.s32 @!p0 s5, $0x0  }
0x1f: {  	s9 =	smul.u32 $0xF7A, s1;
	s8 =	simm.s32 @!p0 $0x1BF5;
	p2 =	por !p2, p0  }
0x20: {  	[sflag:s8] =	ssyncset.s32 @!p0 $0xFFFFF086;
	s6 =	sadd.s32 @!p0 s3, s7;
	s7 =	simm.s32 @!p0 $0x108  }
0x21: {  	s3 =	sadd.s32 s3, s9;
	s6 =	sadd.s32 @!p0 $0x88, s6;
	s7 =	simm.s32 @p2 $0x1082  }
0x22: {  	[simem:s7], [sflag:s8] =	dma.local @!p0 [hbm:s6], $0xF7A  }
0x23: {  	s9 =	sor.u32 $0xD0000000, s2;
	s6 =	simm.s32 $0x108;
	_ =	swait.ge @!p0 [sflag:s8], $0x0  }
0x24: {  	s3 =	sadd.s32 $0x88, s3;
	s6 =	simm.s32 @!p1 $0x1082;
	[sflag:s4] =	ssyncset.s32 $0xFFFFF086  }
0x25: {  	[simem:s6], [sflag:s4] =	dma.local [hbm:s3], $0xF7A  }
0x26: {  	[smem:$0x3F95] =	sst s1;
	(tag) =	ssettag s2;
	_ =	strace s9  }
0x27: {  	s1 =	sld [smem:$0x3FA5]  }
0x28: {  	s2 =	sld [smem:$0x3FA6]  }
0x29: {  	s4 =	sld [smem:$0x3FA8]  }
0x2a: {  	p0 =	seq.s32 s5, $0x0;
	s5 =	sld [smem:$0x3FA9]  }
0x2b: {  	s6 =	sld [smem:$0x3FAA]  }
0x2c: {  	s7 =	sld [smem:$0x3FAB]  }
0x2d: {  	s3 =	simm.s32 $0x108;
	s8 =	sld [smem:$0x3FAC]  }
0x2e: {  	s3 =	simm.s32 @!p0 $0x1082;
	s9 =	sld [smem:$0x3FAD]  }
0x2f: {  	lr =	sadd.s32 s0, s3;
	s0 =	sld [smem:$0x3FA4]  }
0x30: {  	s3 =	sld [smem:$0x3FA7]  }
0x31: {  	[smem:$0x3FB0] =	sst s10  }
0x32: {  	s10 =	sld [smem:$0x3FAE];
	_ =	sdelay $0x3  }
0x33: {  	p0 =	seq.s32 s10, $0x1;
	s10 =	sld [smem:$0x3FB0];
	_ =	sdelay $0x3  }
0x34: {  	[smem:$0x3FB0] =	sst s10  }
0x35: {  	s10 =	sld [smem:$0x3FAF];
	_ =	sdelay $0x3  }
0x36: {  	p1 =	seq.s32 s10, $0x1;
	s10 =	sld [smem:$0x3FB0];
	_ =	sdelay $0x3  }
0x37: {  	[smem:$0x3FB0] =	sst s10  }
0x38: {  	s10 =	sld [smem:$0x3FB1]  }
0x39: {  	_ = 	snop;
	(pc) =	sbr.ind lr, $3  }
0x3a: {  	_ = 	snop  }
0x3b: {  	_ = 	snop  }
0x3c: {  	p2 =	seq.s32 s10, $0x1;
	s10 =	sld [smem:$0x3FB0]  }
0x3d: {  	_ =	shalt  }
0x3e: {  	_ =	shalt  }
0x3f: {  	_ =	shalt  }
0x40: {  	_ =	shalt  }
0x41: {  	_ =	shalt  }
0x42: {  	_ =	shalt  }
0x43: {  	_ =	shalt  }
0x44: {  	_ =	shalt  }
0x45: {  	_ =	shalt  }
0x46: {  	_ =	shalt  }
0x47: {  	_ =	shalt  }
0x48: {  	_ =	shalt  }
0x49: {  	_ =	shalt  }
0x4a: {  	_ =	shalt  }
0x4b: {  	_ =	shalt  }
0x4c: {  	_ =	shalt  }
0x4d: {  	_ =	shalt  }
0x4e: {  	_ =	shalt  }
0x4f: {  	_ =	shalt  }
0x50: {  	_ =	shalt  }
0x51: {  	_ =	shalt  }
0x52: {  	_ =	shalt  }
0x53: {  	_ =	shalt  }
0x54: {  	_ =	shalt  }
0x55: {  	_ =	shalt  }
0x56: {  	_ =	shalt  }
0x57: {  	_ =	shalt  }
0x58: {  	_ =	shalt  }
0x59: {  	_ =	shalt  }
0x5a: {  	_ =	shalt  }
0x5b: {  	_ =	shalt  }
0x5c: {  	_ =	shalt  }
0x5d: {  	_ =	shalt  }
0x5e: {  	_ =	shalt  }
0x5f: {  	_ =	shalt  }
0x60: {  	_ =	shalt  }
0x61: {  	_ =	shalt  }
0x62: {  	_ =	shalt  }
0x63: {  	_ =	shalt  }
0x64: {  	_ =	shalt  }
0x65: {  	_ =	shalt  }
0x66: {  	_ =	shalt  }
0x67: {  	_ =	shalt  }
0x68: {  	_ =	shalt  }
0x69: {  	_ =	shalt  }
0x6a: {  	_ =	shalt  }
0x6b: {  	_ =	shalt  }
0x6c: {  	_ =	shalt  }
0x6d: {  	_ =	shalt  }
0x6e: {  	_ =	shalt  }
0x6f: {  	_ =	shalt  }
0x70: {  	_ =	shalt  }
0x71: {  	_ =	shalt  }
0x72: {  	_ =	shalt  }
0x73: {  	_ =	shalt  }
0x74: {  	_ =	shalt  }
0x75: {  	_ =	shalt  }
0x76: {  	_ =	shalt  }
0x77: {  	_ =	shalt  }
0x78: {  	_ =	shalt  }
0x79: {  	_ =	shalt  }
0x7a: {  	_ =	shalt  }
0x7b: {  	_ =	shalt  }
0x7c: {  	_ =	shalt  }
0x7d: {  	_ =	shalt  }
0x7e: {  	_ =	shalt  }
0x7f: {  	_ =	shalt  }
0x80: {  	_ =	shalt  }
0x81: {  	_ =	shalt  }
0x82: {  	_ =	shalt  }
0x83: {  	_ =	shalt  }
0x84: {  	_ =	shalt  }
0x85: {  	_ =	shalt  }
0x86: {  	_ =	shalt  }
0x87: {  	_ =	shalt  }
.Lfunc_end0:
.L_simem_size_0:
called_computation.2_lowered:
.L_overlay_start_0:
0x88: {  	s2 =	sld [smem:$0x3FD9]  }
0x89: {  	s3 =	sld [smem:$0x3FFE];
	_ =	sdelay $0x1  }
0x8a: {  	s1 =	srdreg.scid  }
0x8b: {  	s0 =	sand.u32 $0x1, s1  }
0x8c: {  	s16 =	sshll.u32 s0, $0xA;
	s2 =	sadd.s32 s3, s2  }
0x8d: {  	s2 =	sadd.s32 s2, s16  }
0x8e: {  	[smem:$0x3FBC] =	sst s2  }
0x8f: {  	_ = 	snop  }
0x90: {  	(tm) =	ssettm $0x1  }
0x91: {  	s17 =	sld [smem:$0x3FFB];
	_ =	sdelay $0x3  }
0x92: {  	_ =	strace s17  }
0x93: {  	s2 =	sld [smem:$0x3FFC];
	_ =	sdelay $0x3  }
0x94: {  	_ =	strace s2  }
0x95: {  	s2 =	sld [smem:$0x3FFD];
	_ =	sdelay $0x3  }
0x96: {  	_ =	strace s2  }
0x97: {  	_ =	strace $0x8FFFFFFF  }
0x98: {  	s18 =	sld [smem:$0x3FDB];
	_ =	sdelay $0x1  }
0x99: {  	s19 =	simm.s32 $_scs_section_size  }
0x9a: {  	s4 =	simm.s32 $_size__tile_overlayer_lowered;
	s5 =	simm.s32 $_tile_overlayer_lowered  }
0x9b: {  	s22 =	simm.s32 $0x1BFF;
	s21 =	sshll.u32 s5, $0x1;
	s2 =	sadd.s32 s19, s18  }
0x9c: {  	s6 =	simm.s32 $0x0;
	s20 =	sshll.u32 s4, $0x1;
	s4 =	sadd.s32 s21, s2  }
0x9d: {  	[timem:s6], [sflag:s22] =	dma.local [hbm:s4], s20  }
0x9e: {  	_ =	swait.ge [sflag:s22], s20  }
0x9f: {  	s3 =	ssub.s32 $0x0, s20;
	[sflag:s22] =	ssyncset.done $0x0  }
0xa0: {  	[sflag:s22] =	ssyncadd.s32 s3;
	_ =	sdelay $0x1  }
0xa1: {  	s23 =	simm.s32 $0x1B8B  }
0xa2: {  	_ =	swait.ge [sflag:s23], $0x1  }
0xa3: {  	[sflag:s23] =	ssyncset.done $0x0  }
0xa4: {  	s25 =	simm.s32 $0x1B8E;
	s24 =	sld [smem:$0x3FFE];
	[sflag:s23] =	ssyncadd.s32 $0xFFFFFFFF  }
0xa5: {  	s26 =	simm.s32 $execute0_lowered;
	[smem:$0x3FD2] =	sst s25  }
0xa6: {  	s4 =	sshll.u32 s26, $0x1;
	_ =	strace $0x8000004C;
	[dreg:$0x1] =	wrdreg $0xFFFFFFFF  }
0xa7: {  	s28 =	simm.s32 $_size_execute0_lowered;
	s2 =	sadd.s32 s2, s4;
	[dreg:$0x0] =	wrdreg $0x0  }
0xa8: {  	s4 =	sshll.u32 s28, $0x1;
	[dreg:$0x2] =	wrdreg s2  }
0xa9: {  	[dreg:$0x3] =	wrdreg s4  }
0xaa: {  	[dreg:$0x4] =	wrdreg $0xC0  }
0xab: {  	_ =	task [dreg:s6], $0x5FFFF  }
0xac: {  	[dreg:$0x1] =	wrdreg $0xFFFFFFFF  }
0xad: {  	[dreg:$0x0] =	wrdreg $0x60  }
0xae: {  	[dreg:$0x2] =	wrdreg s24  }
0xaf: {  	[dreg:$0x3] =	wrdreg $0xD0000  }
0xb0: {  	[dreg:$0x4] =	wrdreg $0x9  }
0xb1: {  	_ =	task.clear_ibuf [dreg:s6], $0x5FFFF;
	_ =	strace $0x9000004C  }
0xb2: {  	s29 =	simm.s32 $0x9;
	_ =	strace $0x8000004E  }
0xb3: {  	_ =	swait.ge [sflag:s29], $0x1  }
0xb4: {  	[sflag:s29] =	ssyncadd.s32 $0xFFFFFFFF  }
0xb5: {  	_ =	strace $0x9000004E  }
0xb6: {  	_ =	sfence  }
0xb7: {  	s30 =	sld [smem:$0x0];
	_ =	sdelay $0x2  }
0xb8: {  	s31 =	sshll.u32 s1, $0xD;
	s1 =	sshrl.u32 s1, $0x2  }
0xb9: {  	s3 =	sand.u32 $0x4000, s31;
	s1 =	sadd.s32 s1, s30  }
0xba: {  	s0 =	sor.u32 s3, s0;
	s1 =	sshll.u32 s1, $0x11  }
0xbb: {  	s0 =	sor.u32 s1, s0  }
0xbc: {  	s0 =	sadd.s32 $0x8F2B, s0  }
0xbd: {  	[sflag:s0] =	ssyncadd.remote.s32 $0x1  }
0xbe: {  	_ =	sfence.sel $0xFFFF  }
0xbf: {  	[dreg:$0x0] =	wrdreg $0xFFFFFFFF;
	(pc) =	sbr.abs _section_cstart, $3  }
0xc0: {  	[dreg:$0x1] =	wrdreg $0xFFFFFFFF  }
0xc1: {  	_ =	task.clear_ibuf [dreg:s6], $0x2FFFF;
	_ =	strace $0x9FFFFFFF  }
0xc2: {  	(tm) =	ssettm $0x7FFFFFFF  }
0xc3: {  	_ =	shalt  }
tec
execute0_lowered:
.L_overlay_start_1:
0x0: {  	(tag) =	ssettag $0x1  }
0x1: {  	s0 =	srdreg.scid;
	s3 =	rddreg [dreg:$0x0]  }
0x2: {  	s9 =	stileid.u32;
	s2 =	rddreg [dreg:$0x1]  }
0x3: {  	s4 =	simm.s32 $0x0;
	s12 =	simm.s32 $0x11;
	s14 =	simm.s32 $0x80  }
0x4: {  	s15 =	simm.s32 $0x5000;
	s16 =	simm.s32 $0x6000;
	s17 =	simm.s32 $0x7000  }
0x5: {  	s18 =	simm.s32 $0x8000;
	s19 =	simm.s32 $0x9000;
	s20 =	simm.s32 $0xA000  }
0x6: {  	s21 =	simm.s32 $0xB000;
	s22 =	simm.s32 $0xC000;
	s23 =	simm.s32 $0x1  }
0x7: {  	s28 =	simm.s32 $0x5;
	s29 =	simm.s32 $0x6;
	s30 =	simm.s32 $0x7  }
0x8: {  	s31 =	simm.s32 $0x8;
	s13 =	simm.s32 $0xB;
	s0 =	sand.u32 $0x1, s0  }
0x9: {  	s5 =	smul.u32 $0x5000, s9;
	[smem:$0x7FF] =	sst s4;
	s4 =	sadd.s32 $0x17400, s3  }
0xa: {  	s24 =	sshll.u32 s9, $0x6;
	s1 =	sshll.u32 s0, $0x4;
	s6 =	smul.u32 $0x50000, s0  }
0xb: {  	_ =	strace $0x8000004D;
	s0 =	ssub.s32 $0x2, s0;
	s10 =	sor.u32 $0x1C11, s24  }
0xc: {  	s24 =	simm.s32 $0x2;
	s1 =	sor.u32 s9, s1;
	s7 =	sshrl.u32 s5, $0x3  }
0xd: {  	s8 =	sshrl.u32 s0, $0x1;
	s9 =	simm.s32 $0x10;
	[dreg:$0x4] =	wrdreg s10  }
0xe: {  	s1 =	smul.u32 $0x500, s1;
	s6 =	sadd.s32 s5, s6;
	s7 =	sadd.s32 s7, s3  }
0xf: {  	s0 =	ssub.s32 s0, s8;
	s5 =	sadd.s32 s5, s2;
	s7 =	sadd.s32 $0x21400, s7  }
0x10: {  	s6 =	sshrl.u32 s6, $0x3;
	s0 =	smax.u32 s0, $0x1;
	[dreg:$0x3] =	wrdreg s7  }
0x11: {  	s11 =	sshrl.u32 s5, $0x3;
	s1 =	sadd.s32 s1, s3;
	[dreg:$0x8] =	wrdreg s0  }
0x12: {  	s3 =	sadd.s32 s6, s3;
	s6 =	simm.s32 $0x0;
	[dreg:$0x9] =	wrdreg s11  }
0x13: {  	s8 =	simm.s32 $0xF;
	s25 =	sadd.s32 $0xD400, s1;
	[dreg:$0xa] =	wrdreg s6  }
0x14: {  	s5 =	simm.s32 $0xD;
	s1 =	sadd.s32 $0x2400, s1;
	[dreg:$0x5] =	wrdreg s25  }
0x15: {  	s0 =	simm.s32 $0xA;
	s26 =	sadd.s32 $0x2B400, s3;
	[dreg:$0x6] =	wrdreg s1  }
0x16: {  	s7 =	simm.s32 $0xE;
	s3 =	simm.s32 $0xC;
	[dreg:$0x7] =	wrdreg s26  }
0x17: {  	s25 =	simm.s32 $0x3;
	s26 =	simm.s32 $0x4;
	s1 =	simm.s32 $0x9  }
.LBB2_1:
0x18: {  	s6 =	rddreg [dreg:$0x3]  }
0x19: {  	[spmem:s11], [sflag:s10] =	dma.local [hbm:s6], $0xA00  }
0x1a: {  	_ =	swait.ge [sflag:s12], $0xA00  }
0x1b: {  	[sflag:s12] =	ssyncset.done $0x0  }
0x1c: {  	s6 =	simm.s32 $0x0;
	s11 =	rddreg [dreg:$0x5];
	[sflag:s12] =	ssyncadd.s32 $0xFFFFF600  }
0x1d: {  	[tilespmem:s6], [sflag:$0x11] =	stream.linear.gather [hbm4b:s11+s6], $0x2800, $0x38;
	[tilespmem:$0x12000] =	vst v63  }
0x1e: {  	_ =	swait.ge [sflag:s12], $0x2800  }
0x1f: {  	[sflag:s12] =	ssyncset.done $0x0  }
0x20: {  	s11 =	simm.s32 $0x2800;
	s10 =	rddreg [dreg:$0x6];
	[sflag:s12] =	ssyncadd.s32 $0xFFFFD800  }
0x21: {  	[tilespmem:s11], [sflag:$0x11] =	stream.linear.gather [hbm4b:s10+s6], $0x2800, $0x38;
	[tilespmem:$0x12000] =	vst v63  }
0x22: {  	_ =	swait.ge [sflag:s12], $0x2800  }
0x23: {  	[sflag:s12] =	ssyncset.done $0x0  }
0x24: {  	[sflag:s12] =	ssyncadd.s32 $0xFFFFD800  }
0x25: {  	s12 =	simm.s32 $0x0;
	[bflag:$0x0] =	sbarrier.arrive $0xFFFF  }
0x26: {  	[tilespmem:s15], [sflag:$0x1] =	stream.indirect.gather [hbm4b:s4+s14], $0x20, s12, s14, $0xb8;
	[tilespmem:$0x12000] =	vst v63  }
0x27: {  	s10 =	simm.s32 $0x80  }
0x28: {  	[tilespmem:s16], [sflag:$0x2] =	stream.indirect.gather [hbm4b:s4+s14], $0x20, s10, s14, $0xb8;
	[tilespmem:$0x12000] =	vst v63  }
0x29: {  	s11 =	simm.s32 $0x100  }
0x2a: {  	[tilespmem:s17], [sflag:$0x3] =	stream.indirect.gather [hbm4b:s4+s14], $0x20, s11, s14, $0xb8;
	[tilespmem:$0x12000] =	vst v63  }
0x2b: {  	s12 =	simm.s32 $0x180  }
0x2c: {  	[tilespmem:s18], [sflag:$0x4] =	stream.indirect.gather [hbm4b:s4+s14], $0x20, s12, s14, $0xb8;
	[tilespmem:$0x12000] =	vst v63  }
0x2d: {  	s10 =	simm.s32 $0x200  }
0x2e: {  	[tilespmem:s19], [sflag:$0x5] =	stream.indirect.gather [hbm4b:s4+s14], $0x20, s10, s14, $0xb8;
	[tilespmem:$0x12000] =	vst v63  }
0x2f: {  	s11 =	simm.s32 $0x280  }
0x30: {  	[tilespmem:s20], [sflag:$0x6] =	stream.indirect.gather [hbm4b:s4+s14], $0x20, s11, s14, $0xb8;
	[tilespmem:$0x12000] =	vst v63  }
0x31: {  	s12 =	simm.s32 $0x300  }
0x32: {  	[tilespmem:s21], [sflag:$0x7] =	stream.indirect.gather [hbm4b:s4+s14], $0x20, s12, s14, $0xb8;
	[tilespmem:$0x12000] =	vst v63  }
0x33: {  	s10 =	simm.s32 $0x380  }
0x34: {  	[tilespmem:s22], [sflag:$0x8] =	stream.indirect.gather [hbm4b:s4+s14], $0x20, s10, s14, $0xb8;
	[tilespmem:$0x12000] =	vst v63  }
0x35: {  	_ =	swait.ge [sflag:s23], $0x1000  }
0x36: {  	[sflag:s23] =	ssyncset.done $0x0  }
0x37: {  	s11 =	simm.s32 $0x2800;
	[sflag:s23] =	ssyncadd.s32 $0xFFFFF000  }
0x38: {  	[spmem:s2] =	stream.indirect.scatter.add.f32 [tilespmem:s15], [sflag:$0x9], $0x20, s11, s14, $0xb8;
	[tilespmem:$0x12000] =	vst v63  }
0x39: {  	_ =	swait.ge [sflag:s24], $0x1000  }
0x3a: {  	[sflag:s24] =	ssyncset.done $0x0  }
0x3b: {  	s12 =	simm.s32 $0x2880;
	[sflag:s24] =	ssyncadd.s32 $0xFFFFF000  }
0x3c: {  	[spmem:s2] =	stream.indirect.scatter.add.f32 [tilespmem:s16], [sflag:$0xA], $0x20, s12, s14, $0xb8;
	[tilespmem:$0x12000] =	vst v63  }
0x3d: {  	_ =	swait.ge [sflag:s25], $0x1000  }
0x3e: {  	[sflag:s25] =	ssyncset.done $0x0  }
0x3f: {  	s10 =	simm.s32 $0x2900;
	[sflag:s25] =	ssyncadd.s32 $0xFFFFF000  }
0x40: {  	[spmem:s2] =	stream.indirect.scatter.add.f32 [tilespmem:s17], [sflag:$0xB], $0x20, s10, s14, $0xb8;
	[tilespmem:$0x12000] =	vst v63  }
0x41: {  	_ =	swait.ge [sflag:s26], $0x1000  }
0x42: {  	[sflag:s26] =	ssyncset.done $0x0  }
0x43: {  	s11 =	simm.s32 $0x2980;
	[sflag:s26] =	ssyncadd.s32 $0xFFFFF000  }
0x44: {  	[spmem:s2] =	stream.indirect.scatter.add.f32 [tilespmem:s18], [sflag:$0xC], $0x20, s11, s14, $0xb8;
	[tilespmem:$0x12000] =	vst v63  }
0x45: {  	_ =	swait.ge [sflag:s28], $0x1000  }
0x46: {  	[sflag:s28] =	ssyncset.done $0x0  }
0x47: {  	s12 =	simm.s32 $0x2A00;
	[sflag:s28] =	ssyncadd.s32 $0xFFFFF000  }
0x48: {  	[spmem:s2] =	stream.indirect.scatter.add.f32 [tilespmem:s19], [sflag:$0xD], $0x20, s12, s14, $0xb8;
	[tilespmem:$0x12000] =	vst v63  }
0x49: {  	_ =	swait.ge [sflag:s29], $0x1000  }
0x4a: {  	[sflag:s29] =	ssyncset.done $0x0  }
0x4b: {  	s10 =	simm.s32 $0x2A80;
	[sflag:s29] =	ssyncadd.s32 $0xFFFFF000  }
0x4c: {  	[spmem:s2] =	stream.indirect.scatter.add.f32 [tilespmem:s20], [sflag:$0xE], $0x20, s10, s14, $0xb8;
	[tilespmem:$0x12000] =	vst v63  }
0x4d: {  	_ =	swait.ge [sflag:s30], $0x1000  }
0x4e: {  	[sflag:s30] =	ssyncset.done $0x0  }
0x4f: {  	s11 =	simm.s32 $0x2B00;
	[sflag:s30] =	ssyncadd.s32 $0xFFFFF000  }
0x50: {  	[spmem:s2] =	stream.indirect.scatter.add.f32 [tilespmem:s21], [sflag:$0xF], $0x20, s11, s14, $0xb8;
	[tilespmem:$0x12000] =	vst v63  }
0x51: {  	_ =	swait.ge [sflag:s31], $0x1000  }
0x52: {  	[sflag:s31] =	ssyncset.done $0x0  }
0x53: {  	s12 =	simm.s32 $0x2B80;
	[sflag:s31] =	ssyncadd.s32 $0xFFFFF000  }
0x54: {  	[spmem:s2] =	stream.indirect.scatter.add.f32 [tilespmem:s22], [sflag:$0x10], $0x20, s12, s14, $0xb8;
	[tilespmem:$0x12000] =	vst v63  }
0x55: {  	_ =	swait.ge [sflag:s1], $0x1000  }
0x56: {  	[sflag:s1] =	ssyncset.done $0x0  }
0x57: {  	[sflag:s1] =	ssyncadd.s32 $0xFFFFF000  }
0x58: {  	_ =	swait.ge [sflag:s0], $0x1000  }
0x59: {  	[sflag:s0] =	ssyncset.done $0x0  }
0x5a: {  	[sflag:s0] =	ssyncadd.s32 $0xFFFFF000  }
0x5b: {  	_ =	swait.ge [sflag:s13], $0x1000  }
0x5c: {  	[sflag:s13] =	ssyncset.done $0x0  }
0x5d: {  	[sflag:s13] =	ssyncadd.s32 $0xFFFFF000  }
0x5e: {  	_ =	swait.ge [sflag:s3], $0x1000  }
0x5f: {  	[sflag:s3] =	ssyncset.done $0x0  }
0x60: {  	[sflag:s3] =	ssyncadd.s32 $0xFFFFF000  }
0x61: {  	_ =	swait.ge [sflag:s5], $0x1000  }
0x62: {  	[sflag:s5] =	ssyncset.done $0x0  }
0x63: {  	[sflag:s5] =	ssyncadd.s32 $0xFFFFF000  }
0x64: {  	_ =	swait.ge [sflag:s7], $0x1000  }
0x65: {  	[sflag:s7] =	ssyncset.done $0x0  }
0x66: {  	[sflag:s7] =	ssyncadd.s32 $0xFFFFF000  }
0x67: {  	_ =	swait.ge [sflag:s8], $0x1000  }
0x68: {  	[sflag:s8] =	ssyncset.done $0x0  }
0x69: {  	[sflag:s8] =	ssyncadd.s32 $0xFFFFF000  }
0x6a: {  	_ =	swait.ge [sflag:s9], $0x1000  }
0x6b: {  	s6 =	simm.s32 $0x1000;
	s11 =	simm.s32 $0x2000;
	[sflag:s9] =	ssyncset.done $0x0  }
.LBB2_2:
0x6c: {  	s12 =	sshra.s32 s6, $0x2  }
0x6d: {  	[sflag:s9] =	ssyncadd.s32 $0xFFFFF000;
	s6 =	smov.u32 s11;
	s10 =	sadd.s32 $0x1000, s11  }
0x6e: {  	[tilespmem:s15], [sflag:$0x1] =	stream.indirect.gather [hbm4b:s4+s14], $0x20, s12, s14, $0xb8;
	[tilespmem:$0x12000] =	vst v63  }
0x6f: {  	p0 =	sne.s32 s11, $0x9000;
	s11 =	sadd.s32 $0x80, s12  }
0x70: {  	[tilespmem:s16], [sflag:$0x2] =	stream.indirect.gather [hbm4b:s4+s14], $0x20, s11, s14, $0xb8;
	[tilespmem:$0x12000] =	vst v63  }
0x71: {  	s11 =	sadd.s32 $0x100, s12  }
0x72: {  	[tilespmem:s17], [sflag:$0x3] =	stream.indirect.gather [hbm4b:s4+s14], $0x20, s11, s14, $0xb8;
	[tilespmem:$0x12000] =	vst v63  }
0x73: {  	s11 =	sadd.s32 $0x180, s12  }
0x74: {  	[tilespmem:s18], [sflag:$0x4] =	stream.indirect.gather [hbm4b:s4+s14], $0x20, s11, s14, $0xb8;
	[tilespmem:$0x12000] =	vst v63  }
0x75: {  	s11 =	sadd.s32 $0x200, s12  }
0x76: {  	[tilespmem:s19], [sflag:$0x5] =	stream.indirect.gather [hbm4b:s4+s14], $0x20, s11, s14, $0xb8;
	[tilespmem:$0x12000] =	vst v63  }
0x77: {  	s11 =	sadd.s32 $0x280, s12  }
0x78: {  	[tilespmem:s20], [sflag:$0x6] =	stream.indirect.gather [hbm4b:s4+s14], $0x20, s11, s14, $0xb8;
	[tilespmem:$0x12000] =	vst v63  }
0x79: {  	s11 =	sadd.s32 $0x300, s12  }
0x7a: {  	[tilespmem:s21], [sflag:$0x7] =	stream.indirect.gather [hbm4b:s4+s14], $0x20, s11, s14, $0xb8;
	[tilespmem:$0x12000] =	vst v63  }
0x7b: {  	s11 =	sadd.s32 $0x380, s12  }
0x7c: {  	[tilespmem:s22], [sflag:$0x8] =	stream.indirect.gather [hbm4b:s4+s14], $0x20, s11, s14, $0xb8;
	[tilespmem:$0x12000] =	vst v63  }
0x7d: {  	_ =	swait.ge [sflag:s23], $0x1000  }
0x7e: {  	[sflag:s23] =	ssyncset.done $0x0  }
0x7f: {  	s11 =	sadd.s32 $0x2800, s12;
	[sflag:s23] =	ssyncadd.s32 $0xFFFFF000  }
0x80: {  	[spmem:s2] =	stream.indirect.scatter.add.f32 [tilespmem:s15], [sflag:$0x9], $0x20, s11, s14, $0xb8;
	[tilespmem:$0x12000] =	vst v63  }
0x81: {  	_ =	swait.ge [sflag:s24], $0x1000  }
0x82: {  	[sflag:s24] =	ssyncset.done $0x0  }
0x83: {  	s11 =	sadd.s32 $0x2880, s12;
	[sflag:s24] =	ssyncadd.s32 $0xFFFFF000  }
0x84: {  	[spmem:s2] =	stream.indirect.scatter.add.f32 [tilespmem:s16], [sflag:$0xA], $0x20, s11, s14, $0xb8;
	[tilespmem:$0x12000] =	vst v63  }
0x85: {  	_ =	swait.ge [sflag:s25], $0x1000  }
0x86: {  	[sflag:s25] =	ssyncset.done $0x0  }
0x87: {  	s11 =	sadd.s32 $0x2900, s12;
	[sflag:s25] =	ssyncadd.s32 $0xFFFFF000  }
0x88: {  	[spmem:s2] =	stream.indirect.scatter.add.f32 [tilespmem:s17], [sflag:$0xB], $0x20, s11, s14, $0xb8;
	[tilespmem:$0x12000] =	vst v63  }
0x89: {  	_ =	swait.ge [sflag:s26], $0x1000  }
0x8a: {  	[sflag:s26] =	ssyncset.done $0x0  }
0x8b: {  	s11 =	sadd.s32 $0x2980, s12;
	[sflag:s26] =	ssyncadd.s32 $0xFFFFF000  }
0x8c: {  	[spmem:s2] =	stream.indirect.scatter.add.f32 [tilespmem:s18], [sflag:$0xC], $0x20, s11, s14, $0xb8;
	[tilespmem:$0x12000] =	vst v63  }
0x8d: {  	_ =	swait.ge [sflag:s28], $0x1000  }
0x8e: {  	[sflag:s28] =	ssyncset.done $0x0  }
0x8f: {  	s11 =	sadd.s32 $0x2A00, s12;
	[sflag:s28] =	ssyncadd.s32 $0xFFFFF000  }
0x90: {  	[spmem:s2] =	stream.indirect.scatter.add.f32 [tilespmem:s19], [sflag:$0xD], $0x20, s11, s14, $0xb8;
	[tilespmem:$0x12000] =	vst v63  }
0x91: {  	_ =	swait.ge [sflag:s29], $0x1000  }
0x92: {  	[sflag:s29] =	ssyncset.done $0x0  }
0x93: {  	s11 =	sadd.s32 $0x2A80, s12;
	[sflag:s29] =	ssyncadd.s32 $0xFFFFF000  }
0x94: {  	[spmem:s2] =	stream.indirect.scatter.add.f32 [tilespmem:s20], [sflag:$0xE], $0x20, s11, s14, $0xb8;
	[tilespmem:$0x12000] =	vst v63  }
0x95: {  	_ =	swait.ge [sflag:s30], $0x1000  }
0x96: {  	[sflag:s30] =	ssyncset.done $0x0  }
0x97: {  	s11 =	sadd.s32 $0x2B00, s12;
	[sflag:s30] =	ssyncadd.s32 $0xFFFFF000  }
0x98: {  	[spmem:s2] =	stream.indirect.scatter.add.f32 [tilespmem:s21], [sflag:$0xF], $0x20, s11, s14, $0xb8;
	[tilespmem:$0x12000] =	vst v63  }
0x99: {  	_ =	swait.ge [sflag:s31], $0x1000  }
0x9a: {  	[sflag:s31] =	ssyncset.done $0x0  }
0x9b: {  	s11 =	sadd.s32 $0x2B80, s12;
	[sflag:s31] =	ssyncadd.s32 $0xFFFFF000  }
0x9c: {  	[spmem:s2] =	stream.indirect.scatter.add.f32 [tilespmem:s22], [sflag:$0x10], $0x20, s11, s14, $0xb8;
	[tilespmem:$0x12000] =	vst v63  }
0x9d: {  	_ =	swait.ge [sflag:s1], $0x1000  }
0x9e: {  	[sflag:s1] =	ssyncset.done $0x0  }
0x9f: {  	[sflag:s1] =	ssyncadd.s32 $0xFFFFF000  }
0xa0: {  	_ =	swait.ge [sflag:s0], $0x1000  }
0xa1: {  	[sflag:s0] =	ssyncset.done $0x0  }
0xa2: {  	[sflag:s0] =	ssyncadd.s32 $0xFFFFF000  }
0xa3: {  	_ =	swait.ge [sflag:s13], $0x1000  }
0xa4: {  	[sflag:s13] =	ssyncset.done $0x0  }
0xa5: {  	[sflag:s13] =	ssyncadd.s32 $0xFFFFF000  }
0xa6: {  	_ =	swait.ge [sflag:s3], $0x1000  }
0xa7: {  	[sflag:s3] =	ssyncset.done $0x0  }
0xa8: {  	[sflag:s3] =	ssyncadd.s32 $0xFFFFF000  }
0xa9: {  	_ =	swait.ge [sflag:s5], $0x1000  }
0xaa: {  	[sflag:s5] =	ssyncset.done $0x0  }
0xab: {  	[sflag:s5] =	ssyncadd.s32 $0xFFFFF000  }
0xac: {  	_ =	swait.ge [sflag:s7], $0x1000  }
0xad: {  	[sflag:s7] =	ssyncset.done $0x0  }
0xae: {  	[sflag:s7] =	ssyncadd.s32 $0xFFFFF000  }
.Ltmp0:
0xaf: {  	_ =	swait.ge [sflag:s8], $0x1000;
	(pc) =	sbr.rel @p0 .LBB2_2-.Ltmp0, $4  }
0xb0: {  	[sflag:s8] =	ssyncset.done $0x0  }
0xb1: {  	[sflag:s8] =	ssyncadd.s32 $0xFFFFF000  }
0xb2: {  	_ =	swait.ge [sflag:s9], $0x1000  }
0xb3: {  	s11 =	smov.u32 s10;
	[sflag:s9] =	ssyncset.done $0x0  }
0xb4: {  	s6 =	sshra.s32 s6, $0x2;
	[sflag:s9] =	ssyncadd.s32 $0xFFFFF000  }
0xb5: {  	[tilespmem:s15], [sflag:$0x1] =	stream.indirect.gather [hbm4b:s4+s14], $0x20, s6, s14, $0xb8;
	[tilespmem:$0x12000] =	vst v63  }
0xb6: {  	s10 =	sadd.s32 $0x80, s6  }
0xb7: {  	[tilespmem:s16], [sflag:$0x2] =	stream.indirect.gather [hbm4b:s4+s14], $0x20, s10, s14, $0xb8;
	[tilespmem:$0x12000] =	vst v63  }
0xb8: {  	s12 =	sadd.s32 $0x100, s6  }
0xb9: {  	[tilespmem:s17], [sflag:$0x3] =	stream.indirect.gather [hbm4b:s4+s14], $0x20, s12, s14, $0xb8;
	[tilespmem:$0x12000] =	vst v63  }
0xba: {  	s11 =	sadd.s32 $0x180, s6  }
0xbb: {  	[tilespmem:s18], [sflag:$0x4] =	stream.indirect.gather [hbm4b:s4+s14], $0x20, s11, s14, $0xb8;
	[tilespmem:$0x12000] =	vst v63  }
0xbc: {  	s12 =	sadd.s32 $0x200, s6  }
0xbd: {  	[tilespmem:s19], [sflag:$0x5] =	stream.indirect.gather [hbm4b:s4+s14], $0x20, s12, s14, $0xb8;
	[tilespmem:$0x12000] =	vst v63  }
0xbe: {  	s11 =	sadd.s32 $0x280, s6  }
0xbf: {  	[tilespmem:s20], [sflag:$0x6] =	stream.indirect.gather [hbm4b:s4+s14], $0x20, s11, s14, $0xb8;
	[tilespmem:$0x12000] =	vst v63  }
0xc0: {  	s12 =	sadd.s32 $0x300, s6  }
0xc1: {  	[tilespmem:s21], [sflag:$0x7] =	stream.indirect.gather [hbm4b:s4+s14], $0x20, s12, s14, $0xb8;
	[tilespmem:$0x12000] =	vst v63  }
0xc2: {  	s11 =	sadd.s32 $0x380, s6  }
0xc3: {  	[tilespmem:s22], [sflag:$0x8] =	stream.indirect.gather [hbm4b:s4+s14], $0x20, s11, s14, $0xb8;
	[tilespmem:$0x12000] =	vst v63  }
0xc4: {  	_ =	swait.ge [sflag:s23], $0x1000  }
0xc5: {  	[sflag:s23] =	ssyncset.done $0x0  }
0xc6: {  	s12 =	sadd.s32 $0x2800, s6;
	[sflag:s23] =	ssyncadd.s32 $0xFFFFF000  }
0xc7: {  	[spmem:s2] =	stream.indirect.scatter.add.f32 [tilespmem:s15], [sflag:$0x9], $0x20, s12, s14, $0xb8;
	[tilespmem:$0x12000] =	vst v63  }
0xc8: {  	_ =	swait.ge [sflag:s24], $0x1000  }
0xc9: {  	[sflag:s24] =	ssyncset.done $0x0  }
0xca: {  	s11 =	sadd.s32 $0x2880, s6;
	[sflag:s24] =	ssyncadd.s32 $0xFFFFF000  }
0xcb: {  	[spmem:s2] =	stream.indirect.scatter.add.f32 [tilespmem:s16], [sflag:$0xA], $0x20, s11, s14, $0xb8;
	[tilespmem:$0x12000] =	vst v63  }
0xcc: {  	_ =	swait.ge [sflag:s25], $0x1000  }
0xcd: {  	[sflag:s25] =	ssyncset.done $0x0  }
0xce: {  	s12 =	sadd.s32 $0x2900, s6;
	[sflag:s25] =	ssyncadd.s32 $0xFFFFF000  }
0xcf: {  	[spmem:s2] =	stream.indirect.scatter.add.f32 [tilespmem:s17], [sflag:$0xB], $0x20, s12, s14, $0xb8;
	[tilespmem:$0x12000] =	vst v63  }
0xd0: {  	_ =	swait.ge [sflag:s26], $0x1000  }
0xd1: {  	[sflag:s26] =	ssyncset.done $0x0  }
0xd2: {  	s11 =	sadd.s32 $0x2980, s6;
	[sflag:s26] =	ssyncadd.s32 $0xFFFFF000  }
0xd3: {  	[spmem:s2] =	stream.indirect.scatter.add.f32 [tilespmem:s18], [sflag:$0xC], $0x20, s11, s14, $0xb8;
	[tilespmem:$0x12000] =	vst v63  }
0xd4: {  	_ =	swait.ge [sflag:s28], $0x1000  }
0xd5: {  	[sflag:s28] =	ssyncset.done $0x0  }
0xd6: {  	s12 =	sadd.s32 $0x2A00, s6;
	[sflag:s28] =	ssyncadd.s32 $0xFFFFF000  }
0xd7: {  	[spmem:s2] =	stream.indirect.scatter.add.f32 [tilespmem:s19], [sflag:$0xD], $0x20, s12, s14, $0xb8;
	[tilespmem:$0x12000] =	vst v63  }
0xd8: {  	_ =	swait.ge [sflag:s29], $0x1000  }
0xd9: {  	[sflag:s29] =	ssyncset.done $0x0  }
0xda: {  	s11 =	sadd.s32 $0x2A80, s6;
	[sflag:s29] =	ssyncadd.s32 $0xFFFFF000  }
0xdb: {  	[spmem:s2] =	stream.indirect.scatter.add.f32 [tilespmem:s20], [sflag:$0xE], $0x20, s11, s14, $0xb8;
	[tilespmem:$0x12000] =	vst v63  }
0xdc: {  	_ =	swait.ge [sflag:s30], $0x1000  }
0xdd: {  	[sflag:s30] =	ssyncset.done $0x0  }
0xde: {  	s12 =	sadd.s32 $0x2B00, s6;
	[sflag:s30] =	ssyncadd.s32 $0xFFFFF000  }
0xdf: {  	[spmem:s2] =	stream.indirect.scatter.add.f32 [tilespmem:s21], [sflag:$0xF], $0x20, s12, s14, $0xb8;
	[tilespmem:$0x12000] =	vst v63  }
0xe0: {  	_ =	swait.ge [sflag:s31], $0x1000  }
0xe1: {  	[sflag:s31] =	ssyncset.done $0x0  }
0xe2: {  	s6 =	sadd.s32 $0x2B80, s6;
	[sflag:s31] =	ssyncadd.s32 $0xFFFFF000  }
0xe3: {  	[spmem:s2] =	stream.indirect.scatter.add.f32 [tilespmem:s22], [sflag:$0x10], $0x20, s6, s14, $0xb8;
	[tilespmem:$0x12000] =	vst v63  }
0xe4: {  	_ =	swait.ge [sflag:s1], $0x1000  }
0xe5: {  	[sflag:s1] =	ssyncset.done $0x0  }
0xe6: {  	[sflag:s1] =	ssyncadd.s32 $0xFFFFF000  }
0xe7: {  	_ =	swait.ge [sflag:s0], $0x1000  }
0xe8: {  	[sflag:s0] =	ssyncset.done $0x0  }
0xe9: {  	[sflag:s0] =	ssyncadd.s32 $0xFFFFF000  }
0xea: {  	_ =	swait.ge [sflag:s13], $0x1000  }
0xeb: {  	[sflag:s13] =	ssyncset.done $0x0  }
0xec: {  	[sflag:s13] =	ssyncadd.s32 $0xFFFFF000  }
0xed: {  	_ =	swait.ge [sflag:s3], $0x1000  }
0xee: {  	[sflag:s3] =	ssyncset.done $0x0  }
0xef: {  	[sflag:s3] =	ssyncadd.s32 $0xFFFFF000  }
0xf0: {  	_ =	swait.ge [sflag:s5], $0x1000  }
0xf1: {  	[sflag:s5] =	ssyncset.done $0x0  }
0xf2: {  	[sflag:s5] =	ssyncadd.s32 $0xFFFFF000  }
0xf3: {  	_ =	swait.ge [sflag:s7], $0x1000  }
0xf4: {  	[sflag:s7] =	ssyncset.done $0x0  }
0xf5: {  	[sflag:s7] =	ssyncadd.s32 $0xFFFFF000  }
0xf6: {  	_ =	swait.ge [sflag:s8], $0x1000  }
0xf7: {  	[sflag:s8] =	ssyncset.done $0x0  }
0xf8: {  	[sflag:s8] =	ssyncadd.s32 $0xFFFFF000  }
0xf9: {  	_ =	swait.ge [sflag:s9], $0x1000  }
0xfa: {  	[sflag:s9] =	ssyncset.done $0x0  }
0xfb: {  	[sflag:s9] =	ssyncadd.s32 $0xFFFFF000  }
0xfc: {  	[bflag:$0x0] =	sbarrier.arrive $0xFFFF  }
0xfd: {  	s6 =	rddreg [dreg:$0x4]  }
0xfe: {  	s12 =	rddreg [dreg:$0x7]  }
0xff: {  	s11 =	rddreg [dreg:$0x9]  }
0x100: {  	[hbm:s12], [sflag:s6] =	dma.local [spmem:s11], $0xA00  }
0x101: {  	s12 =	simm.s32 $0x11  }
0x102: {  	_ =	swait.ge [sflag:s12], $0xA00  }
0x103: {  	s6 =	rddreg [dreg:$0xa]  }
0x104: {  	s10 =	sadd.s32 $0x1, s6;
	s6 =	rddreg [dreg:$0x8]  }
0x105: {  	p0 =	sne.s32 s10, s6  }
.Ltmp1:
0x106: {  	_ = 	snop;
	(pc) =	sbr.rel @p0 .LBB2_1-.Ltmp1, $3  }
0x107: {  	_ =	sdelay $0x1  }
0x108: {  	[sflag:s12] =	ssyncset.done $0x0;
	[dreg:$0xa] =	wrdreg s10  }
0x109: {  	[sflag:s12] =	ssyncadd.s32 $0xFFFFF600;
	s10 =	rddreg [dreg:$0x4]  }
0x10a: {  	_ =	sfence.sel $0x180000  }
0x10b: {  	[bflag:$0x0] =	sbarrier.arrive $0xFFFF  }
0x10c: {  	_ =	strace $0x9000004D  }
0x10d: {  	s0 =	stileid.u32;
	[bflag:$0x2] =	sbarrier.arrive $0xFFFF  }
0x10e: {  	p0 =	sne.s32 s0, $0x0;
	s0 =	rddreg [dreg:$0x2]  }
0x10f: {  	s0 =	sadd.s32 @!p0 $0x100000, s0  }
0x110: {  	[sflag:s0] =	ssyncadd.tile.s32 @!p0 $0x1;
	_ =	shalt  }
.Lfunc_end2:
_tile_overlayer_lowered:
.L_overlay_start_2:
0x111: {  	(tag) =	ssettag $0x2  }
0x112: {  	s0 =	rddreg [dreg:$0x0];
	s2 =	stileid.u32  }
0x113: {  	s1 =	rddreg [dreg:$0x1];
	p0 =	sne.s32 s2, $0x0  }
0x114: {  	s3 =	rddreg [dreg:$0x2];
	[bflag:$0x3] =	sbarrier.arrive $0xFFFF;
	s2 =	simm.s32 @!p0 $0x1C11  }
0x115: {  	[timem:s3], [sflag:s2] =	dma.local @!p0 [hbm:s0], s1  }
0x116: {  	s0 =	simm.s32 @!p0 $0x11  }
0x117: {  	_ =	swait.ge @!p0 [sflag:s0], s1  }
0x118: {  	s1 =	ssub.s32 @!p0 $0x0, s1;
	[sflag:s0] =	ssyncset.done @!p0 $0x0  }
0x119: {  	[sflag:s0] =	ssyncadd.s32 @!p0 s1  }
0x11a: {  	[bflag:$0x3] =	sbarrier.arrive $0xFFFF  }
0x11b: {  	_ =	shalt  }

// kernel: kernel.8.cloned.1.call-start
scs
__scs_entry_jumppad:
0x0: {  	(pc) =	sbr.rel $0x88, $3  }
0x1: {  	(tag) =	ssettag $0x0;
	lr =	simm.s32 $0x1  }
0x2: {  	[smem:$0x3F95] =	sst lr;
	_ =	strace $0xD0000000  }
0x3: {  	_ = 	snop  }
0x4: {  	_ = 	snop  }
0x5: {  	_ = 	snop  }
0x6: {  	_ = 	snop  }
0x7: {  	_ = 	snop  }
__scs_overlays_trampoline_lowered:
0x8: {  	[smem:$0x3FA4] =	sst s0  }
0x9: {  	[smem:$0x3FA5] =	sst s1  }
0xa: {  	[smem:$0x3FA6] =	sst s2  }
0xb: {  	[smem:$0x3FA7] =	sst s3  }
0xc: {  	[smem:$0x3FA8] =	sst s4  }
0xd: {  	[smem:$0x3FA9] =	sst s5  }
0xe: {  	[smem:$0x3FAA] =	sst s6  }
0xf: {  	[smem:$0x3FAB] =	sst s7  }
0x10: {  	[smem:$0x3FAC] =	sst s8  }
0x11: {  	[smem:$0x3FAD] =	sst s9;
	s0 =	simm.s32 @!p0 $0x0  }
0x12: {  	s1 =	sld [smem:$0x3F93];
	s0 =	simm.s32 @p0 $0x1  }
0x13: {  	[smem:$0x3FAE] =	sst s0;
	s0 =	simm.s32 @!p1 $0x0  }
0x14: {  	s2 =	sld [smem:$0x3F92];
	s0 =	simm.s32 @p1 $0x1  }
0x15: {  	[smem:$0x3FAF] =	sst s0;
	s0 =	simm.s32 @!p2 $0x0  }
0x16: {  	s3 =	sld [smem:$0x3FDB];
	s0 =	simm.s32 @p2 $0x1  }
0x17: {  	s4 =	simm.s32 $0x1BF5;
	[smem:$0x3FB1] =	sst s0  }
0x18: {  	s0 =	sld [smem:$0x3F94];
	_ =	swait.ge [sflag:s4], $0x0  }
0x19: {  	s7 =	sld [smem:$0x3F95]  }
0x1a: {  	s8 =	sadd.s32 $0xFFFFE003, lr  }
0x1b: {  	s9 =	sadd.s32 $0xFFFFFEF7, lr;
	s5 =	simm.s32 $0xFFFFFFFF;
	p2 =	slt.u32 s8, $0xFFFFF086  }
0x1c: {  	p1 =	slt.u32 s9, $0xF7A;
	s5 =	simm.s32 @!p2 $0x0  }
0x1d: {  	s5 =	simm.s32 @p1 $0x1;
	p0 =	seq.s32 s7, s2  }
0x1e: {  	s7 =	smul.u32 @!p0 $0xF7A, s2;
	p2 =	seq.s32 @!p0 s5, $0x0  }
0x1f: {  	s9 =	smul.u32 $0xF7A, s1;
	s8 =	simm.s32 @!p0 $0x1BF5;
	p2 =	por !p2, p0  }
0x20: {  	[sflag:s8] =	ssyncset.s32 @!p0 $0xFFFFF086;
	s6 =	sadd.s32 @!p0 s3, s7;
	s7 =	simm.s32 @!p0 $0x108  }
0x21: {  	s3 =	sadd.s32 s3, s9;
	s6 =	sadd.s32 @!p0 $0x88, s6;
	s7 =	simm.s32 @p2 $0x1082  }
0x22: {  	[simem:s7], [sflag:s8] =	dma.local @!p0 [hbm:s6], $0xF7A  }
0x23: {  	s9 =	sor.u32 $0xD0000000, s2;
	s6 =	simm.s32 $0x108;
	_ =	swait.ge @!p0 [sflag:s8], $0x0  }
0x24: {  	s3 =	sadd.s32 $0x88, s3;
	s6 =	simm.s32 @!p1 $0x1082;
	[sflag:s4] =	ssyncset.s32 $0xFFFFF086  }
0x25: {  	[simem:s6], [sflag:s4] =	dma.local [hbm:s3], $0xF7A  }
0x26: {  	[smem:$0x3F95] =	sst s1;
	(tag) =	ssettag s2;
	_ =	strace s9  }
0x27: {  	s1 =	sld [smem:$0x3FA5]  }
0x28: {  	s2 =	sld [smem:$0x3FA6]  }
0x29: {  	s4 =	sld [smem:$0x3FA8]  }
0x2a: {  	p0 =	seq.s32 s5, $0x0;
	s5 =	sld [smem:$0x3FA9]  }
0x2b: {  	s6 =	sld [smem:$0x3FAA]  }
0x2c: {  	s7 =	sld [smem:$0x3FAB]  }
0x2d: {  	s3 =	simm.s32 $0x108;
	s8 =	sld [smem:$0x3FAC]  }
0x2e: {  	s3 =	simm.s32 @!p0 $0x1082;
	s9 =	sld [smem:$0x3FAD]  }
0x2f: {  	lr =	sadd.s32 s0, s3;
	s0 =	sld [smem:$0x3FA4]  }
0x30: {  	s3 =	sld [smem:$0x3FA7]  }
0x31: {  	[smem:$0x3FB0] =	sst s10  }
0x32: {  	s10 =	sld [smem:$0x3FAE];
	_ =	sdelay $0x3  }
0x33: {  	p0 =	seq.s32 s10, $0x1;
	s10 =	sld [smem:$0x3FB0];
	_ =	sdelay $0x3  }
0x34: {  	[smem:$0x3FB0] =	sst s10  }
0x35: {  	s10 =	sld [smem:$0x3FAF];
	_ =	sdelay $0x3  }
0x36: {  	p1 =	seq.s32 s10, $0x1;
	s10 =	sld [smem:$0x3FB0];
	_ =	sdelay $0x3  }
0x37: {  	[smem:$0x3FB0] =	sst s10  }
0x38: {  	s10 =	sld [smem:$0x3FB1]  }
0x39: {  	_ = 	snop;
	(pc) =	sbr.ind lr, $3  }
0x3a: {  	_ = 	snop  }
0x3b: {  	_ = 	snop  }
0x3c: {  	p2 =	seq.s32 s10, $0x1;
	s10 =	sld [smem:$0x3FB0]  }
0x3d: {  	_ =	shalt  }
0x3e: {  	_ =	shalt  }
0x3f: {  	_ =	shalt  }
0x40: {  	_ =	shalt  }
0x41: {  	_ =	shalt  }
0x42: {  	_ =	shalt  }
0x43: {  	_ =	shalt  }
0x44: {  	_ =	shalt  }
0x45: {  	_ =	shalt  }
0x46: {  	_ =	shalt  }
0x47: {  	_ =	shalt  }
0x48: {  	_ =	shalt  }
0x49: {  	_ =	shalt  }
0x4a: {  	_ =	shalt  }
0x4b: {  	_ =	shalt  }
0x4c: {  	_ =	shalt  }
0x4d: {  	_ =	shalt  }
0x4e: {  	_ =	shalt  }
0x4f: {  	_ =	shalt  }
0x50: {  	_ =	shalt  }
0x51: {  	_ =	shalt  }
0x52: {  	_ =	shalt  }
0x53: {  	_ =	shalt  }
0x54: {  	_ =	shalt  }
0x55: {  	_ =	shalt  }
0x56: {  	_ =	shalt  }
0x57: {  	_ =	shalt  }
0x58: {  	_ =	shalt  }
0x59: {  	_ =	shalt  }
0x5a: {  	_ =	shalt  }
0x5b: {  	_ =	shalt  }
0x5c: {  	_ =	shalt  }
0x5d: {  	_ =	shalt  }
0x5e: {  	_ =	shalt  }
0x5f: {  	_ =	shalt  }
0x60: {  	_ =	shalt  }
0x61: {  	_ =	shalt  }
0x62: {  	_ =	shalt  }
0x63: {  	_ =	shalt  }
0x64: {  	_ =	shalt  }
0x65: {  	_ =	shalt  }
0x66: {  	_ =	shalt  }
0x67: {  	_ =	shalt  }
0x68: {  	_ =	shalt  }
0x69: {  	_ =	shalt  }
0x6a: {  	_ =	shalt  }
0x6b: {  	_ =	shalt  }
0x6c: {  	_ =	shalt  }
0x6d: {  	_ =	shalt  }
0x6e: {  	_ =	shalt  }
0x6f: {  	_ =	shalt  }
0x70: {  	_ =	shalt  }
0x71: {  	_ =	shalt  }
0x72: {  	_ =	shalt  }
0x73: {  	_ =	shalt  }
0x74: {  	_ =	shalt  }
0x75: {  	_ =	shalt  }
0x76: {  	_ =	shalt  }
0x77: {  	_ =	shalt  }
0x78: {  	_ =	shalt  }
0x79: {  	_ =	shalt  }
0x7a: {  	_ =	shalt  }
0x7b: {  	_ =	shalt  }
0x7c: {  	_ =	shalt  }
0x7d: {  	_ =	shalt  }
0x7e: {  	_ =	shalt  }
0x7f: {  	_ =	shalt  }
0x80: {  	_ =	shalt  }
0x81: {  	_ =	shalt  }
0x82: {  	_ =	shalt  }
0x83: {  	_ =	shalt  }
0x84: {  	_ =	shalt  }
0x85: {  	_ =	shalt  }
0x86: {  	_ =	shalt  }
0x87: {  	_ =	shalt  }
.Lfunc_end0:
.L_simem_size_0:
called_computation_lowered:
.L_overlay_start_0:
0x88: {  	s2 =	sld [smem:$0x3FD9]  }
0x89: {  	s3 =	sld [smem:$0x3FFE];
	_ =	sdelay $0x1  }
0x8a: {  	s1 =	srdreg.scid  }
0x8b: {  	s0 =	sand.u32 $0x1, s1  }
0x8c: {  	s16 =	sshll.u32 s0, $0xA;
	s2 =	sadd.s32 s3, s2  }
0x8d: {  	s2 =	sadd.s32 s2, s16  }
0x8e: {  	[smem:$0x3FBC] =	sst s2  }
0x8f: {  	_ = 	snop  }
0x90: {  	(tm) =	ssettm $0x1  }
0x91: {  	s17 =	sld [smem:$0x3FFB];
	_ =	sdelay $0x3  }
0x92: {  	_ =	strace s17  }
0x93: {  	s2 =	sld [smem:$0x3FFC];
	_ =	sdelay $0x3  }
0x94: {  	_ =	strace s2  }
0x95: {  	s2 =	sld [smem:$0x3FFD];
	_ =	sdelay $0x3  }
0x96: {  	_ =	strace s2  }
0x97: {  	_ =	strace $0x8FFFFFFF  }
0x98: {  	s18 =	sld [smem:$0x3FDB];
	_ =	sdelay $0x1  }
0x99: {  	s19 =	simm.s32 $_scs_section_size  }
0x9a: {  	s4 =	simm.s32 $_size__tile_overlayer_lowered;
	s5 =	simm.s32 $_tile_overlayer_lowered  }
0x9b: {  	s22 =	simm.s32 $0x1BFF;
	s21 =	sshll.u32 s5, $0x1;
	s2 =	sadd.s32 s19, s18  }
0x9c: {  	s6 =	simm.s32 $0x0;
	s20 =	sshll.u32 s4, $0x1;
	s4 =	sadd.s32 s21, s2  }
0x9d: {  	[timem:s6], [sflag:s22] =	dma.local [hbm:s4], s20  }
0x9e: {  	_ =	swait.ge [sflag:s22], s20  }
0x9f: {  	s3 =	ssub.s32 $0x0, s20;
	[sflag:s22] =	ssyncset.done $0x0  }
0xa0: {  	[sflag:s22] =	ssyncadd.s32 s3;
	_ =	sdelay $0x1  }
0xa1: {  	s23 =	simm.s32 $0x1B8B  }
0xa2: {  	_ =	swait.ge [sflag:s23], $0x1  }
0xa3: {  	[sflag:s23] =	ssyncset.done $0x0  }
0xa4: {  	s25 =	simm.s32 $0x1B8E;
	s24 =	sld [smem:$0x3FFE];
	[sflag:s23] =	ssyncadd.s32 $0xFFFFFFFF  }
0xa5: {  	s26 =	simm.s32 $execute0_lowered;
	[smem:$0x3FD2] =	sst s25  }
0xa6: {  	s4 =	sshll.u32 s26, $0x1;
	_ =	strace $0x80000046;
	[dreg:$0x1] =	wrdreg $0xFFFFFFFF  }
0xa7: {  	s28 =	simm.s32 $_size_execute0_lowered;
	s2 =	sadd.s32 s2, s4;
	[dreg:$0x0] =	wrdreg $0x0  }
0xa8: {  	s4 =	sshll.u32 s28, $0x1;
	[dreg:$0x2] =	wrdreg s2  }
0xa9: {  	[dreg:$0x3] =	wrdreg s4  }
0xaa: {  	[dreg:$0x4] =	wrdreg $0xC0  }
0xab: {  	_ =	task [dreg:s6], $0x5FFFF  }
0xac: {  	[dreg:$0x1] =	wrdreg $0xFFFFFFFF  }
0xad: {  	[dreg:$0x0] =	wrdreg $0x60  }
0xae: {  	[dreg:$0x2] =	wrdreg s24  }
0xaf: {  	[dreg:$0x3] =	wrdreg $0x28800  }
0xb0: {  	[dreg:$0x4] =	wrdreg $0x9  }
0xb1: {  	_ =	task.clear_ibuf [dreg:s6], $0x5FFFF;
	_ =	strace $0x90000046  }
0xb2: {  	s29 =	simm.s32 $0x9;
	_ =	strace $0x80000048  }
0xb3: {  	_ =	swait.ge [sflag:s29], $0x1  }
0xb4: {  	[sflag:s29] =	ssyncadd.s32 $0xFFFFFFFF  }
0xb5: {  	_ =	strace $0x90000048  }
0xb6: {  	_ =	sfence  }
0xb7: {  	s30 =	sld [smem:$0x0];
	_ =	sdelay $0x2  }
0xb8: {  	s31 =	sshll.u32 s1, $0xD;
	s1 =	sshrl.u32 s1, $0x2  }
0xb9: {  	s3 =	sand.u32 $0x4000, s31;
	s1 =	sadd.s32 s1, s30  }
0xba: {  	s0 =	sor.u32 s3, s0;
	s1 =	sshll.u32 s1, $0x11  }
0xbb: {  	s0 =	sor.u32 s1, s0  }
0xbc: {  	s0 =	sadd.s32 $0x8F2B, s0  }
0xbd: {  	[sflag:s0] =	ssyncadd.remote.s32 $0x1  }
0xbe: {  	_ =	sfence.sel $0xFFFF  }
0xbf: {  	[dreg:$0x0] =	wrdreg $0xFFFFFFFF;
	(pc) =	sbr.abs _section_cstart, $3  }
0xc0: {  	[dreg:$0x1] =	wrdreg $0xFFFFFFFF  }
0xc1: {  	_ =	task.clear_ibuf [dreg:s6], $0x2FFFF;
	_ =	strace $0x9FFFFFFF  }
0xc2: {  	(tm) =	ssettm $0x7FFFFFFF  }
0xc3: {  	_ =	shalt  }
tec
execute0_lowered:
.L_overlay_start_1:
0x0: {  	(tag) =	ssettag $0x1  }
0x1: {  	s5 =	rddreg [dreg:$0x0]  }
0x2: {  	s0 =	srdreg.scid;
	s2 =	rddreg [dreg:$0x1];
	s3 =	simm.s32 $0x0  }
0x3: {  	s12 =	simm.s32 $0x2800;
	s13 =	simm.s32 $0x1;
	s14 =	simm.s32 $0x2  }
0x4: {  	s15 =	simm.s32 $0x3;
	s16 =	simm.s32 $0x4;
	s17 =	simm.s32 $0x5  }
0x5: {  	s18 =	simm.s32 $0x6;
	s19 =	simm.s32 $0x7;
	s20 =	simm.s32 $0x8  }
0x6: {  	s21 =	simm.s32 $0x0;
	s4 =	sand.u32 $0x1, s0;
	s0 =	stileid.u32  }
0x7: {  	[smem:$0x7FF] =	sst s3;
	s1 =	sshll.u32 s4, $0x4;
	s7 =	smul.u32 $0x280, s0  }
0x8: {  	s8 =	smul.u32 $0x2800, s4;
	s4 =	ssub.s32 $0x2, s4;
	s1 =	sor.u32 s0, s1  }
0x9: {  	s31 =	sshll.u32 s0, $0x6;
	s30 =	sshrl.u32 s4, $0x1;
	s6 =	smul.u32 $0x500, s1  }
0xa: {  	s1 =	rddreg [dreg:$0x2];
	_ =	strace $0x80000047;
	s8 =	sadd.s32 s7, s8  }
0xb: {  	s9 =	sshrl.u32 s7, $0x3;
	s10 =	ssub.s32 s4, s30;
	s11 =	sadd.s32 s7, s2  }
0xc: {  	s8 =	sshrl.u32 s8, $0x3;
	s9 =	sadd.s32 s9, s5;
	s6 =	sadd.s32 s6, s5  }
0xd: {  	s8 =	sadd.s32 s8, s5;
	s4 =	sadd.s32 $0xC400, s9;
	s5 =	sor.u32 $0x1C09, s31  }
0xe: {  	s9 =	sshrl.u32 s11, $0x3;
	s11 =	simm.s32 $0x80;
	s6 =	sadd.s32 $0x2400, s6  }
0xf: {  	v0 =	vimm.f32 $1.000000000e+00;
	s7 =	sadd.s32 $0xCA00, s8;
	s8 =	smax.u32 s10, $0x1;
	s10 =	simm.s32 $0x9  }
.LBB2_1:
0x10: {  	[spmem:s9], [sflag:s5] =	dma.local [hbm:s4], $0x50  }
0x11: {  	_ =	swait.ge [sflag:s10], $0x50  }
0x12: {  	[sflag:s10] =	ssyncset.done $0x0  }
0x13: {  	[sflag:s10] =	ssyncadd.s32 $0xFFFFFFB0  }
0x14: {  	[tilespmem:s3], [sflag:$0x9] =	stream.linear.gather [hbm4b:s6+s3], $0x2800, $0x38;
	[tilespmem:$0x2B00] =	vst v63  }
0x15: {  	_ =	swait.ge [sflag:s10], $0x2800  }
0x16: {  	[sflag:s10] =	ssyncset.done $0x0  }
0x17: {  	[sflag:s10] =	ssyncadd.s32 $0xFFFFD800  }
0x18: {  	[tilespmem:$0x2800] =	vst v0  }
0x19: {  	[tilespmem:$0x2810] =	vst v0  }
0x1a: {  	[tilespmem:$0x2820] =	vst v0  }
0x1b: {  	[tilespmem:$0x2830] =	vst v0  }
0x1c: {  	[tilespmem:$0x2840] =	vst v0  }
0x1d: {  	[tilespmem:$0x2850] =	vst v0  }
0x1e: {  	[tilespmem:$0x2860] =	vst v0  }
0x1f: {  	[tilespmem:$0x2870] =	vst v0  }
0x20: {  	s22 =	simm.s32 $0x0;
	[bflag:$0x0] =	sbarrier.arrive $0xFFFF  }
0x21: {  	[spmem:s2] =	stream.indirect.scatter.add.f32 [tilespmem:s12], [sflag:$0x1], $0x1, s22, s11, $0xb8;
	[tilespmem:$0x2B00] =	vst v63  }
0x22: {  	s24 =	simm.s32 $0x80  }
0x23: {  	[spmem:s2] =	stream.indirect.scatter.add.f32 [tilespmem:s12], [sflag:$0x2], $0x1, s24, s11, $0xb8;
	[tilespmem:$0x2B00] =	vst v63  }
0x24: {  	s25 =	simm.s32 $0x100  }
0x25: {  	[spmem:s2] =	stream.indirect.scatter.add.f32 [tilespmem:s12], [sflag:$0x3], $0x1, s25, s11, $0xb8;
	[tilespmem:$0x2B00] =	vst v63  }
0x26: {  	s26 =	simm.s32 $0x180  }
0x27: {  	[spmem:s2] =	stream.indirect.scatter.add.f32 [tilespmem:s12], [sflag:$0x4], $0x1, s26, s11, $0xb8;
	[tilespmem:$0x2B00] =	vst v63  }
0x28: {  	s28 =	simm.s32 $0x200  }
0x29: {  	[spmem:s2] =	stream.indirect.scatter.add.f32 [tilespmem:s12], [sflag:$0x5], $0x1, s28, s11, $0xb8;
	[tilespmem:$0x2B00] =	vst v63  }
0x2a: {  	s29 =	simm.s32 $0x280  }
0x2b: {  	[spmem:s2] =	stream.indirect.scatter.add.f32 [tilespmem:s12], [sflag:$0x6], $0x1, s29, s11, $0xb8;
	[tilespmem:$0x2B00] =	vst v63  }
0x2c: {  	s30 =	simm.s32 $0x300  }
0x2d: {  	[spmem:s2] =	stream.indirect.scatter.add.f32 [tilespmem:s12], [sflag:$0x7], $0x1, s30, s11, $0xb8;
	[tilespmem:$0x2B00] =	vst v63  }
0x2e: {  	s31 =	simm.s32 $0x380  }
0x2f: {  	[spmem:s2] =	stream.indirect.scatter.add.f32 [tilespmem:s12], [sflag:$0x8], $0x1, s31, s11, $0xb8;
	[tilespmem:$0x2B00] =	vst v63  }
0x30: {  	_ =	swait.ge [sflag:s13], $0x80  }
0x31: {  	[sflag:s13] =	ssyncset.done $0x0  }
0x32: {  	[sflag:s13] =	ssyncadd.s32 $0xFFFFFF80  }
0x33: {  	_ =	swait.ge [sflag:s14], $0x80  }
0x34: {  	[sflag:s14] =	ssyncset.done $0x0  }
0x35: {  	[sflag:s14] =	ssyncadd.s32 $0xFFFFFF80  }
0x36: {  	_ =	swait.ge [sflag:s15], $0x80  }
0x37: {  	[sflag:s15] =	ssyncset.done $0x0  }
0x38: {  	[sflag:s15] =	ssyncadd.s32 $0xFFFFFF80  }
0x39: {  	_ =	swait.ge [sflag:s16], $0x80  }
0x3a: {  	[sflag:s16] =	ssyncset.done $0x0  }
0x3b: {  	[sflag:s16] =	ssyncadd.s32 $0xFFFFFF80  }
0x3c: {  	_ =	swait.ge [sflag:s17], $0x80  }
0x3d: {  	[sflag:s17] =	ssyncset.done $0x0  }
0x3e: {  	[sflag:s17] =	ssyncadd.s32 $0xFFFFFF80  }
0x3f: {  	_ =	swait.ge [sflag:s18], $0x80  }
0x40: {  	[sflag:s18] =	ssyncset.done $0x0  }
0x41: {  	[sflag:s18] =	ssyncadd.s32 $0xFFFFFF80  }
0x42: {  	_ =	swait.ge [sflag:s19], $0x80  }
0x43: {  	[sflag:s19] =	ssyncset.done $0x0  }
0x44: {  	[sflag:s19] =	ssyncadd.s32 $0xFFFFFF80  }
0x45: {  	_ =	swait.ge [sflag:s20], $0x80  }
0x46: {  	s22 =	simm.s32 $0x1000;
	s24 =	simm.s32 $0x2000;
	[sflag:s20] =	ssyncset.done $0x0  }
.LBB2_2:
0x47: {  	s25 =	sshra.s32 s22, $0x2  }
0x48: {  	[sflag:s20] =	ssyncadd.s32 $0xFFFFFF80;
	s22 =	smov.u32 s24;
	s23 =	sadd.s32 $0x1000, s24  }
0x49: {  	[spmem:s2] =	stream.indirect.scatter.add.f32 [tilespmem:s12], [sflag:$0x1], $0x1, s25, s11, $0xb8;
	[tilespmem:$0x2B00] =	vst v63  }
0x4a: {  	p0 =	sne.s32 s24, $0x9000;
	s24 =	sadd.s32 $0x80, s25  }
0x4b: {  	[spmem:s2] =	stream.indirect.scatter.add.f32 [tilespmem:s12], [sflag:$0x2], $0x1, s24, s11, $0xb8;
	[tilespmem:$0x2B00] =	vst v63  }
0x4c: {  	s24 =	sadd.s32 $0x100, s25  }
0x4d: {  	[spmem:s2] =	stream.indirect.scatter.add.f32 [tilespmem:s12], [sflag:$0x3], $0x1, s24, s11, $0xb8;
	[tilespmem:$0x2B00] =	vst v63  }
0x4e: {  	s24 =	sadd.s32 $0x180, s25  }
0x4f: {  	[spmem:s2] =	stream.indirect.scatter.add.f32 [tilespmem:s12], [sflag:$0x4], $0x1, s24, s11, $0xb8;
	[tilespmem:$0x2B00] =	vst v63  }
0x50: {  	s24 =	sadd.s32 $0x200, s25  }
0x51: {  	[spmem:s2] =	stream.indirect.scatter.add.f32 [tilespmem:s12], [sflag:$0x5], $0x1, s24, s11, $0xb8;
	[tilespmem:$0x2B00] =	vst v63  }
0x52: {  	s24 =	sadd.s32 $0x280, s25  }
0x53: {  	[spmem:s2] =	stream.indirect.scatter.add.f32 [tilespmem:s12], [sflag:$0x6], $0x1, s24, s11, $0xb8;
	[tilespmem:$0x2B00] =	vst v63  }
0x54: {  	s24 =	sadd.s32 $0x300, s25  }
0x55: {  	[spmem:s2] =	stream.indirect.scatter.add.f32 [tilespmem:s12], [sflag:$0x7], $0x1, s24, s11, $0xb8;
	[tilespmem:$0x2B00] =	vst v63  }
0x56: {  	s24 =	sadd.s32 $0x380, s25  }
0x57: {  	[spmem:s2] =	stream.indirect.scatter.add.f32 [tilespmem:s12], [sflag:$0x8], $0x1, s24, s11, $0xb8;
	[tilespmem:$0x2B00] =	vst v63  }
0x58: {  	_ =	swait.ge [sflag:s13], $0x80  }
0x59: {  	[sflag:s13] =	ssyncset.done $0x0  }
0x5a: {  	[sflag:s13] =	ssyncadd.s32 $0xFFFFFF80  }
0x5b: {  	_ =	swait.ge [sflag:s14], $0x80  }
0x5c: {  	[sflag:s14] =	ssyncset.done $0x0  }
0x5d: {  	[sflag:s14] =	ssyncadd.s32 $0xFFFFFF80  }
0x5e: {  	_ =	swait.ge [sflag:s15], $0x80  }
0x5f: {  	[sflag:s15] =	ssyncset.done $0x0  }
0x60: {  	[sflag:s15] =	ssyncadd.s32 $0xFFFFFF80  }
0x61: {  	_ =	swait.ge [sflag:s16], $0x80  }
0x62: {  	[sflag:s16] =	ssyncset.done $0x0  }
0x63: {  	[sflag:s16] =	ssyncadd.s32 $0xFFFFFF80  }
0x64: {  	_ =	swait.ge [sflag:s17], $0x80  }
0x65: {  	[sflag:s17] =	ssyncset.done $0x0  }
0x66: {  	[sflag:s17] =	ssyncadd.s32 $0xFFFFFF80  }
0x67: {  	_ =	swait.ge [sflag:s18], $0x80  }
0x68: {  	[sflag:s18] =	ssyncset.done $0x0  }
0x69: {  	[sflag:s18] =	ssyncadd.s32 $0xFFFFFF80  }
.Ltmp0:
0x6a: {  	_ =	swait.ge [sflag:s19], $0x80;
	(pc) =	sbr.rel @p0 .LBB2_2-.Ltmp0, $4  }
0x6b: {  	[sflag:s19] =	ssyncset.done $0x0  }
0x6c: {  	[sflag:s19] =	ssyncadd.s32 $0xFFFFFF80  }
0x6d: {  	_ =	swait.ge [sflag:s20], $0x80  }
0x6e: {  	s24 =	smov.u32 s23;
	[sflag:s20] =	ssyncset.done $0x0  }
0x6f: {  	s22 =	sshra.s32 s22, $0x2;
	[sflag:s20] =	ssyncadd.s32 $0xFFFFFF80  }
0x70: {  	[spmem:s2] =	stream.indirect.scatter.add.f32 [tilespmem:s12], [sflag:$0x1], $0x1, s22, s11, $0xb8;
	[tilespmem:$0x2B00] =	vst v63  }
0x71: {  	s23 =	sadd.s32 $0x80, s22  }
0x72: {  	[spmem:s2] =	stream.indirect.scatter.add.f32 [tilespmem:s12], [sflag:$0x2], $0x1, s23, s11, $0xb8;
	[tilespmem:$0x2B00] =	vst v63  }
0x73: {  	s26 =	sadd.s32 $0x100, s22  }
0x74: {  	[spmem:s2] =	stream.indirect.scatter.add.f32 [tilespmem:s12], [sflag:$0x3], $0x1, s26, s11, $0xb8;
	[tilespmem:$0x2B00] =	vst v63  }
0x75: {  	s28 =	sadd.s32 $0x180, s22  }
0x76: {  	[spmem:s2] =	stream.indirect.scatter.add.f32 [tilespmem:s12], [sflag:$0x4], $0x1, s28, s11, $0xb8;
	[tilespmem:$0x2B00] =	vst v63  }
0x77: {  	s29 =	sadd.s32 $0x200, s22  }
0x78: {  	[spmem:s2] =	stream.indirect.scatter.add.f32 [tilespmem:s12], [sflag:$0x5], $0x1, s29, s11, $0xb8;
	[tilespmem:$0x2B00] =	vst v63  }
0x79: {  	s30 =	sadd.s32 $0x280, s22  }
0x7a: {  	[spmem:s2] =	stream.indirect.scatter.add.f32 [tilespmem:s12], [sflag:$0x6], $0x1, s30, s11, $0xb8;
	[tilespmem:$0x2B00] =	vst v63  }
0x7b: {  	s31 =	sadd.s32 $0x300, s22  }
0x7c: {  	[spmem:s2] =	stream.indirect.scatter.add.f32 [tilespmem:s12], [sflag:$0x7], $0x1, s31, s11, $0xb8;
	[tilespmem:$0x2B00] =	vst v63  }
0x7d: {  	s22 =	sadd.s32 $0x380, s22  }
0x7e: {  	[spmem:s2] =	stream.indirect.scatter.add.f32 [tilespmem:s12], [sflag:$0x8], $0x1, s22, s11, $0xb8;
	[tilespmem:$0x2B00] =	vst v63  }
0x7f: {  	_ =	swait.ge [sflag:s13], $0x80  }
0x80: {  	[sflag:s13] =	ssyncset.done $0x0  }
0x81: {  	[sflag:s13] =	ssyncadd.s32 $0xFFFFFF80  }
0x82: {  	_ =	swait.ge [sflag:s14], $0x80  }
0x83: {  	[sflag:s14] =	ssyncset.done $0x0  }
0x84: {  	[sflag:s14] =	ssyncadd.s32 $0xFFFFFF80  }
0x85: {  	_ =	swait.ge [sflag:s15], $0x80  }
0x86: {  	[sflag:s15] =	ssyncset.done $0x0  }
0x87: {  	[sflag:s15] =	ssyncadd.s32 $0xFFFFFF80  }
0x88: {  	_ =	swait.ge [sflag:s16], $0x80  }
0x89: {  	[sflag:s16] =	ssyncset.done $0x0  }
0x8a: {  	[sflag:s16] =	ssyncadd.s32 $0xFFFFFF80  }
0x8b: {  	_ =	swait.ge [sflag:s17], $0x80  }
0x8c: {  	[sflag:s17] =	ssyncset.done $0x0  }
0x8d: {  	[sflag:s17] =	ssyncadd.s32 $0xFFFFFF80  }
0x8e: {  	_ =	swait.ge [sflag:s18], $0x80  }
0x8f: {  	[sflag:s18] =	ssyncset.done $0x0  }
0x90: {  	[sflag:s18] =	ssyncadd.s32 $0xFFFFFF80  }
0x91: {  	_ =	swait.ge [sflag:s19], $0x80  }
0x92: {  	[sflag:s19] =	ssyncset.done $0x0  }
0x93: {  	[sflag:s19] =	ssyncadd.s32 $0xFFFFFF80  }
0x94: {  	_ =	swait.ge [sflag:s20], $0x80  }
0x95: {  	s21 =	sadd.s32 $0x1, s21;
	[sflag:s20] =	ssyncset.done $0x0  }
0x96: {  	p0 =	sne.s32 s21, s8;
	[sflag:s20] =	ssyncadd.s32 $0xFFFFFF80  }
.Ltmp1:
0x97: {  	[bflag:$0x0] =	sbarrier.arrive $0xFFFF;
	(pc) =	sbr.rel @p0 .LBB2_1-.Ltmp1, $4  }
0x98: {  	[hbm:s7], [sflag:s5] =	dma.local [spmem:s9], $0x50  }
0x99: {  	_ =	swait.ge [sflag:s10], $0x50  }
0x9a: {  	[sflag:s10] =	ssyncset.done $0x0  }
0x9b: {  	[sflag:s10] =	ssyncadd.s32 $0xFFFFFFB0  }
0x9c: {  	_ =	sfence.sel $0x180000  }
0x9d: {  	[bflag:$0x0] =	sbarrier.arrive $0xFFFF  }
0x9e: {  	p0 =	sne.s32 s0, $0x0;
	_ =	strace $0x90000047  }
0x9f: {  	s0 =	sadd.s32 @!p0 $0x100000, s1;
	[bflag:$0x2] =	sbarrier.arrive $0xFFFF  }
0xa0: {  	[sflag:s0] =	ssyncadd.tile.s32 @!p0 $0x1;
	_ =	shalt  }
.Lfunc_end2:
_tile_overlayer_lowered:
.L_overlay_start_2:
0xa1: {  	(tag) =	ssettag $0x2  }
0xa2: {  	s0 =	rddreg [dreg:$0x0];
	s2 =	stileid.u32  }
0xa3: {  	s1 =	rddreg [dreg:$0x1];
	p0 =	sne.s32 s2, $0x0  }
0xa4: {  	s3 =	rddreg [dreg:$0x2];
	[bflag:$0x3] =	sbarrier.arrive $0xFFFF;
	s2 =	simm.s32 @!p0 $0x1C09  }
0xa5: {  	[timem:s3], [sflag:s2] =	dma.local @!p0 [hbm:s0], s1  }
0xa6: {  	s0 =	simm.s32 @!p0 $0x9  }
0xa7: {  	_ =	swait.ge @!p0 [sflag:s0], s1  }
0xa8: {  	s1 =	ssub.s32 @!p0 $0x0, s1;
	[sflag:s0] =	ssyncset.done @!p0 $0x0  }
0xa9: {  	[sflag:s0] =	ssyncadd.s32 @!p0 s1  }
0xaa: {  	[bflag:$0x3] =	sbarrier.arrive $0xFFFF  }
0xab: {  	_ =	shalt  }

</sc_bundles>
